<compile_context>
chip_gen: v7x
topology: tpu7x:2x2x1
jax: 0.10.2.dev20260603
libtpu: 0.0.44.dev20260713+nightly
codegen_flags: <defaults>
</compile_context>

<pallas_src>
import functools

import jax
import jax.numpy as jnp
from jax import lax
from jax.experimental import pallas as pl
from jax.experimental.pallas import tpu as pltpu
from jax.experimental.pallas import tpu_sc as plsc

N = 10000
E = 160000
D = 16
STEPS = 3

NC = 2
NS = 16
NW = NC * NS

EW = E // NW
CHUNK = 125
K = EW // CHUNK
ZR = N // NS


def _sc_gather_body(x_hbm, src_hbm, xs_hbm, idx_v, rows_v, sem):
    c = lax.axis_index("c")
    s = lax.axis_index("s")
    wid = c * NS + s
    pltpu.sync_copy(src_hbm.at[wid], idx_v)

    def fire(j, carry):
        pltpu.async_copy(x_hbm.at[idx_v.at[j]], rows_v.at[j], sem)
        return carry

    lax.fori_loop(0, K, fire, 0)

    def drain(j, carry):
        pltpu.make_async_copy(x_hbm.at[idx_v.at[j]], rows_v.at[j], sem).wait()
        return carry

    lax.fori_loop(0, K, drain, 0)
    pltpu.sync_copy(rows_v, xs_hbm.at[wid])


def _sc_scatter_body(msg_hbm, dst_hbm, out_hbm, idx_v, msg_v, zb_v, accum_sh):
    c = lax.axis_index("c")
    s = lax.axis_index("s")
    wid = c * NS + s

    def zrow(i, carry):
        zb_v[i] = jnp.zeros((D,), jnp.float32)
        return carry

    lax.fori_loop(0, ZR, zrow, 0)
    pltpu.sync_copy(zb_v, accum_sh.at[pl.ds(s * ZR, ZR)])
    pltpu.sync_copy(dst_hbm.at[wid], idx_v)
    pltpu.sync_copy(msg_hbm.at[wid], msg_v)
    plsc.subcore_barrier()

    def body(j, carry):
        pltpu.sync_copy(msg_v.at[j], accum_sh.at[idx_v.at[j]], add=True)
        return carry

    lax.fori_loop(0, K, body, 0)
    plsc.subcore_barrier()
    pltpu.sync_copy(
        accum_sh.at[pl.ds(s * ZR, ZR)], out_hbm.at[c, pl.ds(s * ZR, ZR)]
    )


def _sc_degree_body(dst_hbm, out_hbm, idx_v, ones_v, zb_v, accum_sh):
    c = lax.axis_index("c")
    s = lax.axis_index("s")
    wid = c * NS + s

    def zrow(i, carry):
        zb_v[i] = jnp.zeros((D,), jnp.float32)
        return carry

    lax.fori_loop(0, ZR, zrow, 0)

    def orow(i, carry):
        ones_v[i] = jnp.ones((D,), jnp.float32)
        return carry

    lax.fori_loop(0, CHUNK, orow, 0)
    pltpu.sync_copy(zb_v, accum_sh.at[pl.ds(s * ZR, ZR)])
    pltpu.sync_copy(dst_hbm.at[wid], idx_v)
    plsc.subcore_barrier()

    def body(j, carry):
        pltpu.sync_copy(ones_v, accum_sh.at[idx_v.at[j]], add=True)
        return carry

    lax.fori_loop(0, K, body, 0)
    plsc.subcore_barrier()
    pltpu.sync_copy(
        accum_sh.at[pl.ds(s * ZR, ZR)], out_hbm.at[c, pl.ds(s * ZR, ZR)]
    )


@functools.cache
def _sc_kernels():
    mesh = plsc.VectorSubcoreMesh(
        core_axis_name="c", subcore_axis_name="s",
        num_cores=NC, num_subcores=NS,
    )
    params = pltpu.CompilerParams(use_tc_tiling_on_sc=False)
    gather = pl.kernel(
        _sc_gather_body,
        out_type=jax.ShapeDtypeStruct((NW, K, CHUNK, D), jnp.float32),
        mesh=mesh,
        scratch_types=[
            pltpu.VMEM((K, CHUNK), jnp.int32),
            pltpu.VMEM((K, CHUNK, D), jnp.float32),
            pltpu.SemaphoreType.DMA,
        ],
        compiler_params=params,
    )
    scatter = pl.kernel(
        _sc_scatter_body,
        out_type=jax.ShapeDtypeStruct((NC, N, D), jnp.float32),
        mesh=mesh,
        scratch_types=[
            pltpu.VMEM((K, CHUNK), jnp.int32),
            pltpu.VMEM((K, CHUNK, D), jnp.float32),
            pltpu.VMEM((ZR, D), jnp.float32),
            pltpu.VMEM_SHARED((N, D), jnp.float32),
        ],
        compiler_params=params,
    )
    degree = pl.kernel(
        _sc_degree_body,
        out_type=jax.ShapeDtypeStruct((NC, N, D), jnp.float32),
        mesh=mesh,
        scratch_types=[
            pltpu.VMEM((K, CHUNK), jnp.int32),
            pltpu.VMEM((CHUNK, D), jnp.float32),
            pltpu.VMEM((ZR, D), jnp.float32),
            pltpu.VMEM_SHARED((N, D), jnp.float32),
        ],
        compiler_params=params,
    )
    return gather, scatter, degree



def _proj_body(nf_ref, wT_ref, b_ref, o_ref):
    z = jnp.dot(nf_ref[...], wT_ref[...], preferred_element_type=jnp.float32)
    x0 = jnp.maximum(z + b_ref[...], 0.0)
    qr = N // 8
    for a in range(8):
        o_ref[:, D * a:D * (a + 1)] = x0[qr * a:qr * (a + 1), :]


def _msg_body(ef_ref, xs_ref, e1wT_ref, e1b_ref, e2wT_ref, e2b_ref,
              r_ref, s_ref, o_ref):
    ef_p = ef_ref[...]
    xs_p = xs_ref[...]
    e1wT = e1wT_ref[...].astype(jnp.bfloat16)
    e1b = e1b_ref[...]
    e2wT = e2wT_ref[...].astype(jnp.bfloat16)
    e2b = e2b_ref[...]
    rm = r_ref[...]
    sm = s_ref[...]
    rr = _EB // 8
    ef = jnp.concatenate([ef_p[:, D * a:D * (a + 1)] for a in range(8)],
                         axis=0).astype(jnp.bfloat16)
    xs = jnp.concatenate([xs_p[:, D * a:D * (a + 1)] for a in range(8)],
                         axis=0)
    eh = jnp.dot(ef, e1wT, preferred_element_type=jnp.float32)
    eh = jnp.maximum(eh + e1b, 0.0).astype(jnp.bfloat16)
    we = jnp.dot(eh, e2wT, preferred_element_type=jnp.float32) + e2b
    xrep = jnp.dot(xs, rm, preferred_element_type=jnp.float32)
    msg = jnp.dot(xrep * we, sm, preferred_element_type=jnp.float32)
    for a in range(8):
        o_ref[:, D * a:D * (a + 1)] = msg[rr * a:rr * (a + 1), :]


def _post_body(p_ref, dp_ref, h_ref, cb_ref, g_ref, b_ref,
               wihB_ref, whhB_ref, bih_ref, bhh_ref,
               fold_ref, rep_ref, o_ref):
    qr = N // 8
    summed = p_ref[0:qr, :] + p_ref[qr:2 * qr, :]
    deg = dp_ref[0:qr, :] + dp_ref[qr:2 * qr, :]
    rst = summed / jnp.maximum(deg, 1.0) + cb_ref[...]
    colsum = jnp.sum(rst, axis=0, keepdims=True)
    mean16 = jnp.dot(colsum, fold_ref[...],
                     preferred_element_type=jnp.float32) * (1.0 / N)
    mean = jnp.dot(mean16, rep_ref[...], preferred_element_type=jnp.float32)
    dev = rst - mean
    colsq = jnp.sum(dev * dev, axis=0, keepdims=True)
    var16 = jnp.dot(colsq, fold_ref[...],
                    preferred_element_type=jnp.float32) * (1.0 / N)
    var = jnp.dot(var16, rep_ref[...], preferred_element_type=jnp.float32)
    rst = dev * lax.rsqrt(var + 1e-5) * g_ref[...] + b_ref[...]
    xn = jnp.maximum(rst, 0.0)
    h = h_ref[...]
    gi = jnp.dot(xn, wihB_ref[...], preferred_element_type=jnp.float32)
    gi = gi + bih_ref[...]
    gh = jnp.dot(h, whhB_ref[...], preferred_element_type=jnp.float32)
    gh = gh + bhh_ref[...]
    for a in range(8):
        gia = gi[:, 3 * D * a:3 * D * (a + 1)]
        gha = gh[:, 3 * D * a:3 * D * (a + 1)]
        ha = h[:, D * a:D * (a + 1)]
        r = jax.nn.sigmoid(gia[:, 0:D] + gha[:, 0:D])
        z = jax.nn.sigmoid(gia[:, D:2 * D] + gha[:, D:2 * D])
        nn_ = jnp.tanh(gia[:, 2 * D:3 * D] + r * gha[:, 2 * D:3 * D])
        o_ref[:, D * a:D * (a + 1)] = (1.0 - z) * nn_ + z * ha


_EB = 16000


def _msg_call(edge_feats, xs, e1wT, e1b, e2wT, e2b, rmat, smat):
    d_eh = e1wT.shape[1]
    grid = (E // _EB,)
    return pl.pallas_call(
        _msg_body,
        grid=grid,
        in_specs=[
            pl.BlockSpec((_EB // 8, 128), lambda i: (i, 0)),
            pl.BlockSpec((_EB // 8, 128), lambda i: (i, 0)),
            pl.BlockSpec((D, d_eh), lambda i: (0, 0)),
            pl.BlockSpec((1, d_eh), lambda i: (0, 0)),
            pl.BlockSpec((d_eh, D * D), lambda i: (0, 0)),
            pl.BlockSpec((1, D * D), lambda i: (0, 0)),
            pl.BlockSpec((D, D * D), lambda i: (0, 0)),
            pl.BlockSpec((D * D, D), lambda i: (0, 0)),
        ],
        out_specs=pl.BlockSpec((_EB // 8, 128), lambda i: (i, 0)),
        out_shape=jax.ShapeDtypeStruct((E // 8, 128), jnp.float32),
    )(edge_feats, xs, e1wT, e1b, e2wT, e2b, rmat, smat)


def kernel(node_feats, edge_feats, edge_index, proj_W, proj_b, e1_W, e1_b,
           e2_W, e2_b, conv_bias, bn_gamma, bn_beta,
           gru_W_ih, gru_W_hh, gru_b_ih, gru_b_hh):
    sc_gather, sc_scatter, sc_degree = _sc_kernels()
    src = edge_index[0].reshape(NW, K, CHUNK)
    dst = edge_index[1].reshape(NW, K, CHUNK)

    projT = proj_W.T
    e1wT = e1_W.T
    e2wT = e2_W.T
    rmat = jnp.kron(jnp.eye(D, dtype=jnp.float32),
                    jnp.ones((1, D), jnp.float32))
    smat = jnp.kron(jnp.ones((D, 1), jnp.float32),
                    jnp.eye(D, dtype=jnp.float32))
    fold = jnp.kron(jnp.ones((8, 1), jnp.float32),
                    jnp.eye(D, dtype=jnp.float32))
    rep = jnp.kron(jnp.ones((1, 8), jnp.float32),
                   jnp.eye(D, dtype=jnp.float32))
    wihB = jnp.kron(jnp.eye(8, dtype=jnp.float32), gru_W_ih.T)
    whhB = jnp.kron(jnp.eye(8, dtype=jnp.float32), gru_W_hh.T)
    bihB = jnp.tile(gru_b_ih, 8).reshape(1, 24 * D)
    bhhB = jnp.tile(gru_b_hh, 8).reshape(1, 24 * D)
    cbB = jnp.tile(conv_bias, 8).reshape(1, 8 * D)
    gB = jnp.tile(bn_gamma, 8).reshape(1, 8 * D)
    bB = jnp.tile(bn_beta, 8).reshape(1, 8 * D)

    nf_perm = (node_feats.reshape(N // 8, 8, node_feats.shape[1])
               .transpose(1, 0, 2).reshape(N, node_feats.shape[1]))
    x = pl.pallas_call(
        _proj_body,
        out_shape=jax.ShapeDtypeStruct((N // 8, 8 * D), jnp.float32),
    )(nf_perm, projT, proj_b.reshape(1, D))

    degp = sc_degree(dst).reshape(N // 4, 8 * D)
    ef_p = edge_feats.reshape(E // 8, 8 * D)

    post = pl.pallas_call(
        _post_body,
        out_shape=jax.ShapeDtypeStruct((N // 8, 8 * D), jnp.float32),
    )

    for _ in range(STEPS):
        xs = sc_gather(x.reshape(N, D), src).reshape(E // 8, 128)
        msg = _msg_call(ef_p, xs, e1wT, e1_b.reshape(1, -1),
                        e2wT, e2_b.reshape(1, -1), rmat, smat)
        prt = sc_scatter(msg.reshape(NW, K, CHUNK, D), dst)
        x = post(prt.reshape(N // 4, 8 * D), degp, x,
                 cbB, gB, bB, wihB, whhB, bihB, bhhB, fold, rep)
    return x.reshape(N, D)

# --- scband reference (transcript-rebuilt; emitter-appended) ---
"""Pipeline reference for scband-dgl-mpnngnn-39625368273427 (READ-ONLY COPY).

The authoritative reference and input builder live on the scoring server;
editing this copy changes nothing except your own understanding.
"""

import jax, jax.numpy as jnp
import numpy as np

N = 10000
E = 160000
D_IN = 128
D_EDGE = 16
D = 16
D_EH = 128
STEPS = 3


def setup_inputs(seed: int = 0) -> dict:
    key = jax.random.key(seed)
    ks = [jax.random.fold_in(key, i) for i in range(12)]
    inp = {}
    inp["node_feats"] = jax.random.normal(ks[0], (N, D_IN), dtype=jnp.float32)
    inp["edge_feats"] = jax.random.normal(ks[1], (E, D_EDGE), dtype=jnp.float32)
    inp["edge_index"] = jax.random.randint(ks[2], (2, E), 0, N, dtype=jnp.int32)
    inp["proj_W"] = jax.random.normal(ks[3], (D, D_IN), dtype=jnp.float32) * (1.0 / np.sqrt(D_IN))
    inp["proj_b"] = jnp.zeros((D,), jnp.float32)
    inp["e1_W"] = jax.random.normal(ks[4], (D_EH, D_EDGE), dtype=jnp.float32) * (1.0 / np.sqrt(D_EDGE))
    inp["e1_b"] = jnp.zeros((D_EH,), jnp.float32)
    inp["e2_W"] = jax.random.normal(ks[5], (D * D, D_EH), dtype=jnp.float32) * (1.0 / np.sqrt(D_EH))
    inp["e2_b"] = jnp.zeros((D * D,), jnp.float32)
    inp["conv_bias"] = jnp.zeros((D,), jnp.float32)
    inp["bn_gamma"] = jnp.ones((D,), jnp.float32)
    inp["bn_beta"] = jnp.zeros((D,), jnp.float32)
    inp["gru_W_ih"] = jax.random.normal(ks[6], (3 * D, D), dtype=jnp.float32) * (1.0 / np.sqrt(D))
    inp["gru_W_hh"] = jax.random.normal(ks[7], (3 * D, D), dtype=jnp.float32) * (1.0 / np.sqrt(D))
    inp["gru_b_ih"] = jnp.zeros((3 * D,), jnp.float32)
    inp["gru_b_hh"] = jnp.zeros((3 * D,), jnp.float32)
    return inp


def reference(node_feats, edge_feats, edge_index, proj_W, proj_b, e1_W, e1_b,
              e2_W, e2_b, conv_bias, bn_gamma, bn_beta,
              gru_W_ih, gru_W_hh, gru_b_ih, gru_b_hh):
    src = edge_index[0]
    dst = edge_index[1]
    n = node_feats.shape[0]
    # project_node_feats: Linear + ReLU
    x = jax.nn.relu(node_feats @ proj_W.T + proj_b)
    h = x  # GRU hidden state (seq_len=1, layer=1)
    for _ in range(STEPS):
        # edge network: Linear -> ReLU -> Linear, reshape to [E, D, D]
        e_h = jax.nn.relu(edge_feats @ e1_W.T + e1_b)
        W_e = (e_h @ e2_W.T + e2_b).reshape(-1, D, D)
        # u_mul_e('h','w') then mean-reduce then sum(dim=1):
        # equivalent to mean over incoming edges of (x_src @ W_e)
        msg = jnp.einsum('ed,edf->ef', x[src], W_e)
        summed = jax.ops.segment_sum(msg, dst, num_segments=n)
        deg = jax.ops.segment_sum(jnp.ones((msg.shape[0],), msg.dtype), dst, num_segments=n)
        rst = summed / jnp.clip(deg, 1.0)[:, None]
        # bias
        rst = rst + conv_bias
        # BatchNorm1d (training mode: batch statistics, biased variance)
        mean = rst.mean(axis=0)
        var = rst.var(axis=0)
        rst = (rst - mean) / jnp.sqrt(var + 1e-5) * bn_gamma + bn_beta
        x_new = jax.nn.relu(rst)
        # GRU cell (torch gate order: r, z, n)
        gi = x_new @ gru_W_ih.T + gru_b_ih
        gh = h @ gru_W_hh.T + gru_b_hh
        i_r, i_z, i_n = jnp.split(gi, 3, axis=1)
        h_r, h_z, h_n = jnp.split(gh, 3, axis=1)
        r = jax.nn.sigmoid(i_r + h_r)
        z = jax.nn.sigmoid(i_z + h_z)
        nn_ = jnp.tanh(i_n + r * h_n)
        h = (1.0 - z) * nn_ + z * h
        x = h
    return x

if __name__ == "__main__":
    import jax
    _d = setup_inputs()
    print(jax.jit(kernel)(*tuple(_d.values())))

</pallas_src>

<mosaic_0001>
#map = affine_map<(d0, d1) -> (0, 0)>
#map1 = affine_map<(d0, d1) -> (0, 0, 0)>
#map2 = affine_map<(d0, d1) -> (0, 0, 0, 0)>
module attributes {stable_mosaic.version = 14 : i64} {
  func.func @_sc_gather_body(%arg0: i32, %arg1: i32, %arg2: memref<10000x16xf32, #tpu.memory_space<hbm>>, %arg3: memref<32x40x125xi32, #tpu.memory_space<hbm>>, %arg4: memref<32x40x125x16xf32, #tpu.memory_space<hbm>>, %arg5: memref<40x125xi32, #tpu.memory_space<vmem>>, %arg6: memref<40x125x16xf32, #tpu.memory_space<vmem>>, %arg7: memref<!tpu.dma_semaphore, #tpu.memory_space<semaphore_mem>>) attributes {dimension_semantics = [#tpu.dimension_semantics<core_parallel>, #tpu.dimension_semantics<subcore_parallel>], iteration_bounds = array<i64: 2, 16>, scalar_prefetch = 0 : i64, scratch_operands = 3 : i64, tpu.core_type = #tpu.core_type<sc_vector_subcore>, window_params = [{transform_indices = #map}, {transform_indices = #map1}, {transform_indices = #map2}]} {
    %mul3A = arith.constant 16 : i32
    %mul3A_0 = arith.muli %arg0, %mul3A : i32
    %add3A = arith.addi %mul3A_0, %arg1 : i32
    "tpu.region"() ({
      %run_scoped3A = tpu.sem_alloc : memref<!tpu.dma_semaphore, #tpu.memory_space<semaphore_mem>>
      %dma_start3A = arith.constant 0 : i32
      %dma_start3A_12 = arith.constant 0 : i32
      %dma_start3A_13 = tpu.memref_slice %arg3[%add3A, %dma_start3A, %dma_start3A_12] : memref<32x40x125xi32, #tpu.memory_space<hbm>> -> memref<1x40x125xi32, #tpu.memory_space<hbm>>
      %dma_start3A_14 = tpu.memref_squeeze %dma_start3A_13 : memref<1x40x125xi32, #tpu.memory_space<hbm>> -> memref<40x125xi32, #tpu.memory_space<hbm>>
      %dma_start3A_15 = arith.constant 0 : i32
      %dma_start3A_16 = arith.constant 0 : i32
      %dma_start3A_17 = tpu.memref_slice %arg3[%add3A, %dma_start3A_15, %dma_start3A_16] : memref<32x40x125xi32, #tpu.memory_space<hbm>> -> memref<1x40x125xi32, #tpu.memory_space<hbm>>
      %dma_start3A_18 = tpu.memref_squeeze %dma_start3A_17 : memref<1x40x125xi32, #tpu.memory_space<hbm>> -> memref<40x125xi32, #tpu.memory_space<hbm>>
      tpu.enqueue_dma source(%dma_start3A_18 : memref<40x125xi32, #tpu.memory_space<hbm>>) target(%arg5 : memref<40x125xi32, #tpu.memory_space<vmem>>) target_semaphore(%run_scoped3A : memref<!tpu.dma_semaphore, #tpu.memory_space<semaphore_mem>>)
      %dma_wait3A = arith.constant 0 : i32
      %dma_wait3A_19 = arith.constant 0 : i32
      %dma_wait3A_20 = tpu.memref_slice %arg3[%add3A, %dma_wait3A, %dma_wait3A_19] : memref<32x40x125xi32, #tpu.memory_space<hbm>> -> memref<1x40x125xi32, #tpu.memory_space<hbm>>
      %dma_wait3A_21 = tpu.memref_squeeze %dma_wait3A_20 : memref<1x40x125xi32, #tpu.memory_space<hbm>> -> memref<40x125xi32, #tpu.memory_space<hbm>>
      %dma_wait3A_22 = arith.constant 0 : i32
      %dma_wait3A_23 = arith.constant 0 : i32
      %dma_wait3A_24 = tpu.memref_slice %arg3[%add3A, %dma_wait3A_22, %dma_wait3A_23] : memref<32x40x125xi32, #tpu.memory_space<hbm>> -> memref<1x40x125xi32, #tpu.memory_space<hbm>>
      %dma_wait3A_25 = tpu.memref_squeeze %dma_wait3A_24 : memref<1x40x125xi32, #tpu.memory_space<hbm>> -> memref<40x125xi32, #tpu.memory_space<hbm>>
      tpu.wait_dma2 semaphore(%run_scoped3A : memref<!tpu.dma_semaphore, #tpu.memory_space<semaphore_mem>>) src(%dma_wait3A_25 : memref<40x125xi32, #tpu.memory_space<hbm>>) dst(%arg5 : memref<40x125xi32, #tpu.memory_space<vmem>>)
      tpu.yield
    }) : () -> ()
    %scan3A = arith.constant 0 : i32
    %scan3A_1 = arith.constant 0 : i32
    %scan3A_2 = arith.constant 40 : i32
    %scan3A_3 = arith.addi %scan3A_1, %scan3A_2 : i32
    %scan3A_4 = arith.constant 1 : i32
    scf.for %scan3A_12 = %scan3A_1 to %scan3A_3 step %scan3A_4  : i32 {
      %dma_start3A = arith.constant 0 : i32
      %dma_start3A_13 = arith.constant 0 : i32
      %dma_start3A_14 = tpu.memref_slice %arg6[%scan3A_12, %dma_start3A, %dma_start3A_13] : memref<40x125x16xf32, #tpu.memory_space<vmem>> -> memref<1x125x16xf32, #tpu.memory_space<vmem>>
      %dma_start3A_15 = tpu.memref_squeeze %dma_start3A_14 : memref<1x125x16xf32, #tpu.memory_space<vmem>> -> memref<125x16xf32, #tpu.memory_space<vmem>>
      %dma_start3A_16 = arith.constant 0 : i32
      %dma_start3A_17 = tpu.memref_slice %arg5[%scan3A_12, %dma_start3A_16] : memref<40x125xi32, #tpu.memory_space<vmem>> -> memref<1x125xi32, #tpu.memory_space<vmem>>
      %dma_start3A_18 = tpu.memref_squeeze %dma_start3A_17 : memref<1x125xi32, #tpu.memory_space<vmem>> -> memref<125xi32, #tpu.memory_space<vmem>>
      %dma_start3A_19 = arith.constant 0 : i32
      %dma_start3A_20 = arith.constant 0 : i32
      %dma_start3A_21 = tpu.memref_slice %arg2[%dma_start3A_19, %dma_start3A_20] : memref<10000x16xf32, #tpu.memory_space<hbm>> -> memref<10000x16xf32, #tpu.memory_space<hbm>>
      tpu.enqueue_indirect_dma source(%dma_start3A_21 : memref<10000x16xf32, #tpu.memory_space<hbm>>) target(%dma_start3A_15 : memref<125x16xf32, #tpu.memory_space<vmem>>) offsets(%dma_start3A_18 : memref<125xi32, #tpu.memory_space<vmem>>) semaphore(%arg7 : memref<!tpu.dma_semaphore, #tpu.memory_space<semaphore_mem>>)
    }
    %scan3A_5 = arith.constant 40 : i32
    %scan3A_6 = arith.constant 0 : i32
    %scan3A_7 = arith.constant 0 : i32
    %scan3A_8 = arith.constant 40 : i32
    %scan3A_9 = arith.addi %scan3A_7, %scan3A_8 : i32
    %scan3A_10 = arith.constant 1 : i32
    scf.for %scan3A_12 = %scan3A_7 to %scan3A_9 step %scan3A_10  : i32 {
      %dma_wait3A = arith.constant 0 : i32
      %dma_wait3A_13 = arith.constant 0 : i32
      %dma_wait3A_14 = tpu.memref_slice %arg6[%scan3A_12, %dma_wait3A, %dma_wait3A_13] : memref<40x125x16xf32, #tpu.memory_space<vmem>> -> memref<1x125x16xf32, #tpu.memory_space<vmem>>
      %dma_wait3A_15 = tpu.memref_squeeze %dma_wait3A_14 : memref<1x125x16xf32, #tpu.memory_space<vmem>> -> memref<125x16xf32, #tpu.memory_space<vmem>>
      %dma_wait3A_16 = arith.constant 0 : i32
      %dma_wait3A_17 = tpu.memref_slice %arg5[%scan3A_12, %dma_wait3A_16] : memref<40x125xi32, #tpu.memory_space<vmem>> -> memref<1x125xi32, #tpu.memory_space<vmem>>
      %dma_wait3A_18 = tpu.memref_squeeze %dma_wait3A_17 : memref<1x125xi32, #tpu.memory_space<vmem>> -> memref<125xi32, #tpu.memory_space<vmem>>
      %dma_wait3A_19 = arith.constant 0 : i32
      %dma_wait3A_20 = arith.constant 0 : i32
      %dma_wait3A_21 = tpu.memref_slice %arg2[%dma_wait3A_19, %dma_wait3A_20] : memref<10000x16xf32, #tpu.memory_space<hbm>> -> memref<10000x16xf32, #tpu.memory_space<hbm>>
      tpu.wait_indirect_dma semaphore(%arg7 : memref<!tpu.dma_semaphore, #tpu.memory_space<semaphore_mem>>) src(%dma_wait3A_21 : memref<10000x16xf32, #tpu.memory_space<hbm>>) dst(%dma_wait3A_15 : memref<125x16xf32, #tpu.memory_space<vmem>>)
    }
    %scan3A_11 = arith.constant 40 : i32
    "tpu.region"() ({
      %run_scoped3A = tpu.sem_alloc : memref<!tpu.dma_semaphore, #tpu.memory_space<semaphore_mem>>
      %dma_start3A = arith.constant 0 : i32
      %dma_start3A_12 = arith.constant 0 : i32
      %dma_start3A_13 = arith.constant 0 : i32
      %dma_start3A_14 = tpu.memref_slice %arg4[%add3A, %dma_start3A, %dma_start3A_12, %dma_start3A_13] : memref<32x40x125x16xf32, #tpu.memory_space<hbm>> -> memref<1x40x125x16xf32, #tpu.memory_space<hbm>>
      %dma_start3A_15 = tpu.memref_squeeze %dma_start3A_14 : memref<1x40x125x16xf32, #tpu.memory_space<hbm>> -> memref<40x125x16xf32, #tpu.memory_space<hbm>>
      %dma_start3A_16 = arith.constant 0 : i32
      %dma_start3A_17 = arith.constant 0 : i32
      %dma_start3A_18 = arith.constant 0 : i32
      %dma_start3A_19 = tpu.memref_slice %arg4[%add3A, %dma_start3A_16, %dma_start3A_17, %dma_start3A_18] : memref<32x40x125x16xf32, #tpu.memory_space<hbm>> -> memref<1x40x125x16xf32, #tpu.memory_space<hbm>>
      %dma_start3A_20 = tpu.memref_squeeze %dma_start3A_19 : memref<1x40x125x16xf32, #tpu.memory_space<hbm>> -> memref<40x125x16xf32, #tpu.memory_space<hbm>>
      tpu.enqueue_dma source(%arg6 : memref<40x125x16xf32, #tpu.memory_space<vmem>>) target(%dma_start3A_20 : memref<40x125x16xf32, #tpu.memory_space<hbm>>) target_semaphore(%run_scoped3A : memref<!tpu.dma_semaphore, #tpu.memory_space<semaphore_mem>>)
      %dma_wait3A = arith.constant 0 : i32
      %dma_wait3A_21 = arith.constant 0 : i32
      %dma_wait3A_22 = arith.constant 0 : i32
      %dma_wait3A_23 = tpu.memref_slice %arg4[%add3A, %dma_wait3A, %dma_wait3A_21, %dma_wait3A_22] : memref<32x40x125x16xf32, #tpu.memory_space<hbm>> -> memref<1x40x125x16xf32, #tpu.memory_space<hbm>>
      %dma_wait3A_24 = tpu.memref_squeeze %dma_wait3A_23 : memref<1x40x125x16xf32, #tpu.memory_space<hbm>> -> memref<40x125x16xf32, #tpu.memory_space<hbm>>
      %dma_wait3A_25 = arith.constant 0 : i32
      %dma_wait3A_26 = arith.constant 0 : i32
      %dma_wait3A_27 = arith.constant 0 : i32
      %dma_wait3A_28 = tpu.memref_slice %arg4[%add3A, %dma_wait3A_25, %dma_wait3A_26, %dma_wait3A_27] : memref<32x40x125x16xf32, #tpu.memory_space<hbm>> -> memref<1x40x125x16xf32, #tpu.memory_space<hbm>>
      %dma_wait3A_29 = tpu.memref_squeeze %dma_wait3A_28 : memref<1x40x125x16xf32, #tpu.memory_space<hbm>> -> memref<40x125x16xf32, #tpu.memory_space<hbm>>
      tpu.wait_dma2 semaphore(%run_scoped3A : memref<!tpu.dma_semaphore, #tpu.memory_space<semaphore_mem>>) src(%arg6 : memref<40x125x16xf32, #tpu.memory_space<vmem>>) dst(%dma_wait3A_29 : memref<40x125x16xf32, #tpu.memory_space<hbm>>)
      tpu.yield
    }) : () -> ()
    return
  }
}

#map = affine_map<(d0, d1) -> (0, 0, 0, 0)>
#map1 = affine_map<(d0, d1) -> (0, 0, 0)>
module attributes {stable_mosaic.version = 14 : i64} {
  func.func @_sc_scatter_body(%arg0: i32, %arg1: i32, %arg2: memref<32x40x125x16xf32, #tpu.memory_space<hbm>>, %arg3: memref<32x40x125xi32, #tpu.memory_space<hbm>>, %arg4: memref<2x10000x16xf32, #tpu.memory_space<hbm>>, %arg5: memref<40x125xi32, #tpu.memory_space<vmem>>, %arg6: memref<40x125x16xf32, #tpu.memory_space<vmem>>, %arg7: memref<625x16xf32, #tpu.memory_space<vmem>>, %arg8: memref<10000x16xf32, #tpu.memory_space<vmem_shared>>) attributes {dimension_semantics = [#tpu.dimension_semantics<core_parallel>, #tpu.dimension_semantics<subcore_parallel>], iteration_bounds = array<i64: 2, 16>, scalar_prefetch = 0 : i64, scratch_operands = 4 : i64, tpu.core_type = #tpu.core_type<sc_vector_subcore>, window_params = [{transform_indices = #map}, {transform_indices = #map1}, {transform_indices = #map1}]} {
    %mul3A = arith.constant 16 : i32
    %mul3A_0 = arith.muli %arg0, %mul3A : i32
    %add3A = arith.addi %mul3A_0, %arg1 : i32
    %scan3A = arith.constant 0 : i32
    %scan3A_1 = arith.constant 0 : i32
    %scan3A_2 = arith.constant 625 : i32
    %scan3A_3 = arith.addi %scan3A_1, %scan3A_2 : i32
    %scan3A_4 = arith.constant 1 : i32
    scf.for %scan3A_19 = %scan3A_1 to %scan3A_3 step %scan3A_4  : i32 {
      %broadcast_in_dim3A = arith.constant 0.000000e+00 : f32
      %broadcast_in_dim3A_20 = vector.broadcast %broadcast_in_dim3A : f32 to vector<16xf32>
      %swap3A = arith.index_cast %scan3A_19 : i32 to index
      %swap3A_21 = arith.constant 0 : index
      %swap3A_22 = tpu.vector_load %arg7[%swap3A, %swap3A_21] {strides = array<i32>} : memref<625x16xf32, #tpu.memory_space<vmem>>, vector<1x16xf32>,
      %swap3A_23 = vector.shape_cast %swap3A_22 : vector<1x16xf32> to vector<16xf32>
      %swap3A_24 = vector.shape_cast %broadcast_in_dim3A_20 : vector<16xf32> to vector<1x16xf32>
      tpu.vector_store %arg7[%swap3A, %swap3A_21], %swap3A_24 {strides = array<i32>} : memref<625x16xf32, #tpu.memory_space<vmem>>, vector<1x16xf32>,
    }
    %scan3A_5 = arith.constant 625 : i32
    %mul3A_6 = arith.constant 625 : i32
    %mul3A_7 = arith.muli %arg1, %mul3A_6 : i32
    "tpu.region"() ({
      %run_scoped3A = tpu.sem_alloc : memref<!tpu.dma_semaphore, #tpu.memory_space<semaphore_mem>>
      %dma_start3A = arith.constant 0 : i32
      %dma_start3A_19 = tpu.memref_slice %arg8[%mul3A_7, %dma_start3A] : memref<10000x16xf32, #tpu.memory_space<vmem_shared>> -> memref<625x16xf32, #tpu.memory_space<vmem_shared>>
      %dma_start3A_20 = arith.constant 0 : i32
      %dma_start3A_21 = tpu.memref_slice %arg8[%mul3A_7, %dma_start3A_20] : memref<10000x16xf32, #tpu.memory_space<vmem_shared>> -> memref<625x16xf32, #tpu.memory_space<vmem_shared>>
      tpu.enqueue_dma source(%arg7 : memref<625x16xf32, #tpu.memory_space<vmem>>) target(%dma_start3A_21 : memref<625x16xf32, #tpu.memory_space<vmem_shared>>) target_semaphore(%run_scoped3A : memref<!tpu.dma_semaphore, #tpu.memory_space<semaphore_mem>>)
      %dma_wait3A = arith.constant 0 : i32
      %dma_wait3A_22 = tpu.memref_slice %arg8[%mul3A_7, %dma_wait3A] : memref<10000x16xf32, #tpu.memory_space<vmem_shared>> -> memref<625x16xf32, #tpu.memory_space<vmem_shared>>
      %dma_wait3A_23 = arith.constant 0 : i32
      %dma_wait3A_24 = tpu.memref_slice %arg8[%mul3A_7, %dma_wait3A_23] : memref<10000x16xf32, #tpu.memory_space<vmem_shared>> -> memref<625x16xf32, #tpu.memory_space<vmem_shared>>
      tpu.wait_dma2 semaphore(%run_scoped3A : memref<!tpu.dma_semaphore, #tpu.memory_space<semaphore_mem>>) src(%arg7 : memref<625x16xf32, #tpu.memory_space<vmem>>) dst(%dma_wait3A_24 : memref<625x16xf32, #tpu.memory_space<vmem_shared>>)
      tpu.yield
    }) : () -> ()
    "tpu.region"() ({
      %run_scoped3A = tpu.sem_alloc : memref<!tpu.dma_semaphore, #tpu.memory_space<semaphore_mem>>
      %dma_start3A = arith.constant 0 : i32
      %dma_start3A_19 = arith.constant 0 : i32
      %dma_start3A_20 = tpu.memref_slice %arg3[%add3A, %dma_start3A, %dma_start3A_19] : memref<32x40x125xi32, #tpu.memory_space<hbm>> -> memref<1x40x125xi32, #tpu.memory_space<hbm>>
      %dma_start3A_21 = tpu.memref_squeeze %dma_start3A_20 : memref<1x40x125xi32, #tpu.memory_space<hbm>> -> memref<40x125xi32, #tpu.memory_space<hbm>>
      %dma_start3A_22 = arith.constant 0 : i32
      %dma_start3A_23 = arith.constant 0 : i32
      %dma_start3A_24 = tpu.memref_slice %arg3[%add3A, %dma_start3A_22, %dma_start3A_23] : memref<32x40x125xi32, #tpu.memory_space<hbm>> -> memref<1x40x125xi32, #tpu.memory_space<hbm>>
      %dma_start3A_25 = tpu.memref_squeeze %dma_start3A_24 : memref<1x40x125xi32, #tpu.memory_space<hbm>> -> memref<40x125xi32, #tpu.memory_space<hbm>>
      tpu.enqueue_dma source(%dma_start3A_25 : memref<40x125xi32, #tpu.memory_space<hbm>>) target(%arg5 : memref<40x125xi32, #tpu.memory_space<vmem>>) target_semaphore(%run_scoped3A : memref<!tpu.dma_semaphore, #tpu.memory_space<semaphore_mem>>)
      %dma_wait3A = arith.constant 0 : i32
      %dma_wait3A_26 = arith.constant 0 : i32
      %dma_wait3A_27 = tpu.memref_slice %arg3[%add3A, %dma_wait3A, %dma_wait3A_26] : memref<32x40x125xi32, #tpu.memory_space<hbm>> -> memref<1x40x125xi32, #tpu.memory_space<hbm>>
      %dma_wait3A_28 = tpu.memref_squeeze %dma_wait3A_27 : memref<1x40x125xi32, #tpu.memory_space<hbm>> -> memref<40x125xi32, #tpu.memory_space<hbm>>
      %dma_wait3A_29 = arith.constant 0 : i32
      %dma_wait3A_30 = arith.constant 0 : i32
      %dma_wait3A_31 = tpu.memref_slice %arg3[%add3A, %dma_wait3A_29, %dma_wait3A_30] : memref<32x40x125xi32, #tpu.memory_space<hbm>> -> memref<1x40x125xi32, #tpu.memory_space<hbm>>
      %dma_wait3A_32 = tpu.memref_squeeze %dma_wait3A_31 : memref<1x40x125xi32, #tpu.memory_space<hbm>> -> memref<40x125xi32, #tpu.memory_space<hbm>>
      tpu.wait_dma2 semaphore(%run_scoped3A : memref<!tpu.dma_semaphore, #tpu.memory_space<semaphore_mem>>) src(%dma_wait3A_32 : memref<40x125xi32, #tpu.memory_space<hbm>>) dst(%arg5 : memref<40x125xi32, #tpu.memory_space<vmem>>)
      tpu.yield
    }) : () -> ()
    "tpu.region"() ({
      %run_scoped3A = tpu.sem_alloc : memref<!tpu.dma_semaphore, #tpu.memory_space<semaphore_mem>>
      %dma_start3A = arith.constant 0 : i32
      %dma_start3A_19 = arith.constant 0 : i32
      %dma_start3A_20 = arith.constant 0 : i32
      %dma_start3A_21 = tpu.memref_slice %arg2[%add3A, %dma_start3A, %dma_start3A_19, %dma_start3A_20] : memref<32x40x125x16xf32, #tpu.memory_space<hbm>> -> memref<1x40x125x16xf32, #tpu.memory_space<hbm>>
      %dma_start3A_22 = tpu.memref_squeeze %dma_start3A_21 : memref<1x40x125x16xf32, #tpu.memory_space<hbm>> -> memref<40x125x16xf32, #tpu.memory_space<hbm>>
      %dma_start3A_23 = arith.constant 0 : i32
      %dma_start3A_24 = arith.constant 0 : i32
      %dma_start3A_25 = arith.constant 0 : i32
      %dma_start3A_26 = tpu.memref_slice %arg2[%add3A, %dma_start3A_23, %dma_start3A_24, %dma_start3A_25] : memref<32x40x125x16xf32, #tpu.memory_space<hbm>> -> memref<1x40x125x16xf32, #tpu.memory_space<hbm>>
      %dma_start3A_27 = tpu.memref_squeeze %dma_start3A_26 : memref<1x40x125x16xf32, #tpu.memory_space<hbm>> -> memref<40x125x16xf32, #tpu.memory_space<hbm>>
      tpu.enqueue_dma source(%dma_start3A_27 : memref<40x125x16xf32, #tpu.memory_space<hbm>>) target(%arg6 : memref<40x125x16xf32, #tpu.memory_space<vmem>>) target_semaphore(%run_scoped3A : memref<!tpu.dma_semaphore, #tpu.memory_space<semaphore_mem>>)
      %dma_wait3A = arith.constant 0 : i32
      %dma_wait3A_28 = arith.constant 0 : i32
      %dma_wait3A_29 = arith.constant 0 : i32
      %dma_wait3A_30 = tpu.memref_slice %arg2[%add3A, %dma_wait3A, %dma_wait3A_28, %dma_wait3A_29] : memref<32x40x125x16xf32, #tpu.memory_space<hbm>> -> memref<1x40x125x16xf32, #tpu.memory_space<hbm>>
      %dma_wait3A_31 = tpu.memref_squeeze %dma_wait3A_30 : memref<1x40x125x16xf32, #tpu.memory_space<hbm>> -> memref<40x125x16xf32, #tpu.memory_space<hbm>>
      %dma_wait3A_32 = arith.constant 0 : i32
      %dma_wait3A_33 = arith.constant 0 : i32
      %dma_wait3A_34 = arith.constant 0 : i32
      %dma_wait3A_35 = tpu.memref_slice %arg2[%add3A, %dma_wait3A_32, %dma_wait3A_33, %dma_wait3A_34] : memref<32x40x125x16xf32, #tpu.memory_space<hbm>> -> memref<1x40x125x16xf32, #tpu.memory_space<hbm>>
      %dma_wait3A_36 = tpu.memref_squeeze %dma_wait3A_35 : memref<1x40x125x16xf32, #tpu.memory_space<hbm>> -> memref<40x125x16xf32, #tpu.memory_space<hbm>>
      tpu.wait_dma2 semaphore(%run_scoped3A : memref<!tpu.dma_semaphore, #tpu.memory_space<semaphore_mem>>) src(%dma_wait3A_36 : memref<40x125x16xf32, #tpu.memory_space<hbm>>) dst(%arg6 : memref<40x125x16xf32, #tpu.memory_space<vmem>>)
      tpu.yield
    }) : () -> ()
    %barrier3A = arith.constant 0 : index
    tpu.barrier barrier_id(%barrier3A)
    %scan3A_8 = arith.constant 0 : i32
    %scan3A_9 = arith.constant 0 : i32
    %scan3A_10 = arith.constant 40 : i32
    %scan3A_11 = arith.addi %scan3A_9, %scan3A_10 : i32
    %scan3A_12 = arith.constant 1 : i32
    scf.for %scan3A_19 = %scan3A_9 to %scan3A_11 step %scan3A_12  : i32 {
      "tpu.region"() ({
        %run_scoped3A = tpu.sem_alloc : memref<!tpu.dma_semaphore, #tpu.memory_space<semaphore_mem>>
        %dma_start3A = arith.constant 0 : i32
        %dma_start3A_20 = arith.constant 0 : i32
        %dma_start3A_21 = tpu.memref_slice %arg6[%scan3A_19, %dma_start3A, %dma_start3A_20] : memref<40x125x16xf32, #tpu.memory_space<vmem>> -> memref<1x125x16xf32, #tpu.memory_space<vmem>>
        %dma_start3A_22 = tpu.memref_squeeze %dma_start3A_21 : memref<1x125x16xf32, #tpu.memory_space<vmem>> -> memref<125x16xf32, #tpu.memory_space<vmem>>
        %dma_start3A_23 = arith.constant 0 : i32
        %dma_start3A_24 = tpu.memref_slice %arg5[%scan3A_19, %dma_start3A_23] : memref<40x125xi32, #tpu.memory_space<vmem>> -> memref<1x125xi32, #tpu.memory_space<vmem>>
        %dma_start3A_25 = tpu.memref_squeeze %dma_start3A_24 : memref<1x125xi32, #tpu.memory_space<vmem>> -> memref<125xi32, #tpu.memory_space<vmem>>
        %dma_start3A_26 = arith.constant 0 : i32
        %dma_start3A_27 = arith.constant 0 : i32
        %dma_start3A_28 = tpu.memref_slice %arg8[%dma_start3A_26, %dma_start3A_27] : memref<10000x16xf32, #tpu.memory_space<vmem_shared>> -> memref<10000x16xf32, #tpu.memory_space<vmem_shared>>
        tpu.enqueue_indirect_dma source(%dma_start3A_22 : memref<125x16xf32, #tpu.memory_space<vmem>>) target(%dma_start3A_28 : memref<10000x16xf32, #tpu.memory_space<vmem_shared>>) offsets(%dma_start3A_25 : memref<125xi32, #tpu.memory_space<vmem>>) semaphore(%run_scoped3A : memref<!tpu.dma_semaphore, #tpu.memory_space<semaphore_mem>>) {add = true}
        %dma_wait3A = arith.constant 0 : i32
        %dma_wait3A_29 = arith.constant 0 : i32
        %dma_wait3A_30 = tpu.memref_slice %arg6[%scan3A_19, %dma_wait3A, %dma_wait3A_29] : memref<40x125x16xf32, #tpu.memory_space<vmem>> -> memref<1x125x16xf32, #tpu.memory_space<vmem>>
        %dma_wait3A_31 = tpu.memref_squeeze %dma_wait3A_30 : memref<1x125x16xf32, #tpu.memory_space<vmem>> -> memref<125x16xf32, #tpu.memory_space<vmem>>
        %dma_wait3A_32 = arith.constant 0 : i32
        %dma_wait3A_33 = tpu.memref_slice %arg5[%scan3A_19, %dma_wait3A_32] : memref<40x125xi32, #tpu.memory_space<vmem>> -> memref<1x125xi32, #tpu.memory_space<vmem>>
        %dma_wait3A_34 = tpu.memref_squeeze %dma_wait3A_33 : memref<1x125xi32, #tpu.memory_space<vmem>> -> memref<125xi32, #tpu.memory_space<vmem>>
        %dma_wait3A_35 = arith.constant 0 : i32
        %dma_wait3A_36 = arith.constant 0 : i32
        %dma_wait3A_37 = tpu.memref_slice %arg8[%dma_wait3A_35, %dma_wait3A_36] : memref<10000x16xf32, #tpu.memory_space<vmem_shared>> -> memref<10000x16xf32, #tpu.memory_space<vmem_shared>>
        tpu.wait_indirect_dma semaphore(%run_scoped3A : memref<!tpu.dma_semaphore, #tpu.memory_space<semaphore_mem>>) src(%dma_wait3A_31 : memref<125x16xf32, #tpu.memory_space<vmem>>) dst(%dma_wait3A_37 : memref<10000x16xf32, #tpu.memory_space<vmem_shared>>)
        tpu.yield
      }) : () -> ()
    }
    %scan3A_13 = arith.constant 40 : i32
    %barrier3A_14 = arith.constant 0 : index
    tpu.barrier barrier_id(%barrier3A_14)
    %mul3A_15 = arith.constant 625 : i32
    %mul3A_16 = arith.muli %arg1, %mul3A_15 : i32
    %mul3A_17 = arith.constant 625 : i32
    %mul3A_18 = arith.muli %arg1, %mul3A_17 : i32
    "tpu.region"() ({
      %run_scoped3A = tpu.sem_alloc : memref<!tpu.dma_semaphore, #tpu.memory_space<semaphore_mem>>
      %dma_start3A = arith.constant 0 : i32
      %dma_start3A_19 = tpu.memref_slice %arg4[%arg0, %mul3A_18, %dma_start3A] : memref<2x10000x16xf32, #tpu.memory_space<hbm>> -> memref<1x625x16xf32, #tpu.memory_space<hbm>>
      %dma_start3A_20 = tpu.memref_squeeze %dma_start3A_19 : memref<1x625x16xf32, #tpu.memory_space<hbm>> -> memref<625x16xf32, #tpu.memory_space<hbm>>
      %dma_start3A_21 = arith.constant 0 : i32
      %dma_start3A_22 = tpu.memref_slice %arg8[%mul3A_16, %dma_start3A_21] : memref<10000x16xf32, #tpu.memory_space<vmem_shared>> -> memref<625x16xf32, #tpu.memory_space<vmem_shared>>
      tpu.enqueue_dma source(%dma_start3A_22 : memref<625x16xf32, #tpu.memory_space<vmem_shared>>) target(%dma_start3A_20 : memref<625x16xf32, #tpu.memory_space<hbm>>) target_semaphore(%run_scoped3A : memref<!tpu.dma_semaphore, #tpu.memory_space<semaphore_mem>>)
      %dma_wait3A = arith.constant 0 : i32
      %dma_wait3A_23 = tpu.memref_slice %arg4[%arg0, %mul3A_18, %dma_wait3A] : memref<2x10000x16xf32, #tpu.memory_space<hbm>> -> memref<1x625x16xf32, #tpu.memory_space<hbm>>
      %dma_wait3A_24 = tpu.memref_squeeze %dma_wait3A_23 : memref<1x625x16xf32, #tpu.memory_space<hbm>> -> memref<625x16xf32, #tpu.memory_space<hbm>>
      %dma_wait3A_25 = arith.constant 0 : i32
      %dma_wait3A_26 = tpu.memref_slice %arg8[%mul3A_16, %dma_wait3A_25] : memref<10000x16xf32, #tpu.memory_space<vmem_shared>> -> memref<625x16xf32, #tpu.memory_space<vmem_shared>>
      tpu.wait_dma2 semaphore(%run_scoped3A : memref<!tpu.dma_semaphore, #tpu.memory_space<semaphore_mem>>) src(%dma_wait3A_26 : memref<625x16xf32, #tpu.memory_space<vmem_shared>>) dst(%dma_wait3A_24 : memref<625x16xf32, #tpu.memory_space<hbm>>)
      tpu.yield
    }) : () -> ()
    return
  }
}

#map = affine_map<(d0, d1) -> (0, 0)>
#map1 = affine_map<(d0, d1) -> (0, 0, 0)>
#map2 = affine_map<(d0, d1) -> (0, 0, 0, 0)>
module attributes {stable_mosaic.version = 14 : i64} {
  func.func @_sc_gather_body(%arg0: i32, %arg1: i32, %arg2: memref<10000x16xf32, #tpu.memory_space<hbm>>, %arg3: memref<32x40x125xi32, #tpu.memory_space<hbm>>, %arg4: memref<32x40x125x16xf32, #tpu.memory_space<hbm>>, %arg5: memref<40x125xi32, #tpu.memory_space<vmem>>, %arg6: memref<40x125x16xf32, #tpu.memory_space<vmem>>, %arg7: memref<!tpu.dma_semaphore, #tpu.memory_space<semaphore_mem>>) attributes {dimension_semantics = [#tpu.dimension_semantics<core_parallel>, #tpu.dimension_semantics<subcore_parallel>], iteration_bounds = array<i64: 2, 16>, scalar_prefetch = 0 : i64, scratch_operands = 3 : i64, tpu.core_type = #tpu.core_type<sc_vector_subcore>, window_params = [{transform_indices = #map}, {transform_indices = #map1}, {transform_indices = #map2}]} {
    %mul3A = arith.constant 16 : i32
    %mul3A_0 = arith.muli %arg0, %mul3A : i32
    %add3A = arith.addi %mul3A_0, %arg1 : i32
    "tpu.region"() ({
      %run_scoped3A = tpu.sem_alloc : memref<!tpu.dma_semaphore, #tpu.memory_space<semaphore_mem>>
      %dma_start3A = arith.constant 0 : i32
      %dma_start3A_12 = arith.constant 0 : i32
      %dma_start3A_13 = tpu.memref_slice %arg3[%add3A, %dma_start3A, %dma_start3A_12] : memref<32x40x125xi32, #tpu.memory_space<hbm>> -> memref<1x40x125xi32, #tpu.memory_space<hbm>>
      %dma_start3A_14 = tpu.memref_squeeze %dma_start3A_13 : memref<1x40x125xi32, #tpu.memory_space<hbm>> -> memref<40x125xi32, #tpu.memory_space<hbm>>
      %dma_start3A_15 = arith.constant 0 : i32
      %dma_start3A_16 = arith.constant 0 : i32
      %dma_start3A_17 = tpu.memref_slice %arg3[%add3A, %dma_start3A_15, %dma_start3A_16] : memref<32x40x125xi32, #tpu.memory_space<hbm>> -> memref<1x40x125xi32, #tpu.memory_space<hbm>>
      %dma_start3A_18 = tpu.memref_squeeze %dma_start3A_17 : memref<1x40x125xi32, #tpu.memory_space<hbm>> -> memref<40x125xi32, #tpu.memory_space<hbm>>
      tpu.enqueue_dma source(%dma_start3A_18 : memref<40x125xi32, #tpu.memory_space<hbm>>) target(%arg5 : memref<40x125xi32, #tpu.memory_space<vmem>>) target_semaphore(%run_scoped3A : memref<!tpu.dma_semaphore, #tpu.memory_space<semaphore_mem>>)
      %dma_wait3A = arith.constant 0 : i32
      %dma_wait3A_19 = arith.constant 0 : i32
      %dma_wait3A_20 = tpu.memref_slice %arg3[%add3A, %dma_wait3A, %dma_wait3A_19] : memref<32x40x125xi32, #tpu.memory_space<hbm>> -> memref<1x40x125xi32, #tpu.memory_space<hbm>>
      %dma_wait3A_21 = tpu.memref_squeeze %dma_wait3A_20 : memref<1x40x125xi32, #tpu.memory_space<hbm>> -> memref<40x125xi32, #tpu.memory_space<hbm>>
      %dma_wait3A_22 = arith.constant 0 : i32
      %dma_wait3A_23 = arith.constant 0 : i32
      %dma_wait3A_24 = tpu.memref_slice %arg3[%add3A, %dma_wait3A_22, %dma_wait3A_23] : memref<32x40x125xi32, #tpu.memory_space<hbm>> -> memref<1x40x125xi32, #tpu.memory_space<hbm>>
      %dma_wait3A_25 = tpu.memref_squeeze %dma_wait3A_24 : memref<1x40x125xi32, #tpu.memory_space<hbm>> -> memref<40x125xi32, #tpu.memory_space<hbm>>
      tpu.wait_dma2 semaphore(%run_scoped3A : memref<!tpu.dma_semaphore, #tpu.memory_space<semaphore_mem>>) src(%dma_wait3A_25 : memref<40x125xi32, #tpu.memory_space<hbm>>) dst(%arg5 : memref<40x125xi32, #tpu.memory_space<vmem>>)
      tpu.yield
    }) : () -> ()
    %scan3A = arith.constant 0 : i32
    %scan3A_1 = arith.constant 0 : i32
    %scan3A_2 = arith.constant 40 : i32
    %scan3A_3 = arith.addi %scan3A_1, %scan3A_2 : i32
    %scan3A_4 = arith.constant 1 : i32
    scf.for %scan3A_12 = %scan3A_1 to %scan3A_3 step %scan3A_4  : i32 {
      %dma_start3A = arith.constant 0 : i32
      %dma_start3A_13 = arith.constant 0 : i32
      %dma_start3A_14 = tpu.memref_slice %arg6[%scan3A_12, %dma_start3A, %dma_start3A_13] : memref<40x125x16xf32, #tpu.memory_space<vmem>> -> memref<1x125x16xf32, #tpu.memory_space<vmem>>
      %dma_start3A_15 = tpu.memref_squeeze %dma_start3A_14 : memref<1x125x16xf32, #tpu.memory_space<vmem>> -> memref<125x16xf32, #tpu.memory_space<vmem>>
      %dma_start3A_16 = arith.constant 0 : i32
      %dma_start3A_17 = tpu.memref_slice %arg5[%scan3A_12, %dma_start3A_16] : memref<40x125xi32, #tpu.memory_space<vmem>> -> memref<1x125xi32, #tpu.memory_space<vmem>>
      %dma_start3A_18 = tpu.memref_squeeze %dma_start3A_17 : memref<1x125xi32, #tpu.memory_space<vmem>> -> memref<125xi32, #tpu.memory_space<vmem>>
      %dma_start3A_19 = arith.constant 0 : i32
      %dma_start3A_20 = arith.constant 0 : i32
      %dma_start3A_21 = tpu.memref_slice %arg2[%dma_start3A_19, %dma_start3A_20] : memref<10000x16xf32, #tpu.memory_space<hbm>> -> memref<10000x16xf32, #tpu.memory_space<hbm>>
      tpu.enqueue_indirect_dma source(%dma_start3A_21 : memref<10000x16xf32, #tpu.memory_space<hbm>>) target(%dma_start3A_15 : memref<125x16xf32, #tpu.memory_space<vmem>>) offsets(%dma_start3A_18 : memref<125xi32, #tpu.memory_space<vmem>>) semaphore(%arg7 : memref<!tpu.dma_semaphore, #tpu.memory_space<semaphore_mem>>)
    }
    %scan3A_5 = arith.constant 40 : i32
    %scan3A_6 = arith.constant 0 : i32
    %scan3A_7 = arith.constant 0 : i32
    %scan3A_8 = arith.constant 40 : i32
    %scan3A_9 = arith.addi %scan3A_7, %scan3A_8 : i32
    %scan3A_10 = arith.constant 1 : i32
    scf.for %scan3A_12 = %scan3A_7 to %scan3A_9 step %scan3A_10  : i32 {
      %dma_wait3A = arith.constant 0 : i32
      %dma_wait3A_13 = arith.constant 0 : i32
      %dma_wait3A_14 = tpu.memref_slice %arg6[%scan3A_12, %dma_wait3A, %dma_wait3A_13] : memref<40x125x16xf32, #tpu.memory_space<vmem>> -> memref<1x125x16xf32, #tpu.memory_space<vmem>>
      %dma_wait3A_15 = tpu.memref_squeeze %dma_wait3A_14 : memref<1x125x16xf32, #tpu.memory_space<vmem>> -> memref<125x16xf32, #tpu.memory_space<vmem>>
      %dma_wait3A_16 = arith.constant 0 : i32
      %dma_wait3A_17 = tpu.memref_slice %arg5[%scan3A_12, %dma_wait3A_16] : memref<40x125xi32, #tpu.memory_space<vmem>> -> memref<1x125xi32, #tpu.memory_space<vmem>>
      %dma_wait3A_18 = tpu.memref_squeeze %dma_wait3A_17 : memref<1x125xi32, #tpu.memory_space<vmem>> -> memref<125xi32, #tpu.memory_space<vmem>>
      %dma_wait3A_19 = arith.constant 0 : i32
      %dma_wait3A_20 = arith.constant 0 : i32
      %dma_wait3A_21 = tpu.memref_slice %arg2[%dma_wait3A_19, %dma_wait3A_20] : memref<10000x16xf32, #tpu.memory_space<hbm>> -> memref<10000x16xf32, #tpu.memory_space<hbm>>
      tpu.wait_indirect_dma semaphore(%arg7 : memref<!tpu.dma_semaphore, #tpu.memory_space<semaphore_mem>>) src(%dma_wait3A_21 : memref<10000x16xf32, #tpu.memory_space<hbm>>) dst(%dma_wait3A_15 : memref<125x16xf32, #tpu.memory_space<vmem>>)
    }
    %scan3A_11 = arith.constant 40 : i32
    "tpu.region"() ({
      %run_scoped3A = tpu.sem_alloc : memref<!tpu.dma_semaphore, #tpu.memory_space<semaphore_mem>>
      %dma_start3A = arith.constant 0 : i32
      %dma_start3A_12 = arith.constant 0 : i32
      %dma_start3A_13 = arith.constant 0 : i32
      %dma_start3A_14 = tpu.memref_slice %arg4[%add3A, %dma_start3A, %dma_start3A_12, %dma_start3A_13] : memref<32x40x125x16xf32, #tpu.memory_space<hbm>> -> memref<1x40x125x16xf32, #tpu.memory_space<hbm>>
      %dma_start3A_15 = tpu.memref_squeeze %dma_start3A_14 : memref<1x40x125x16xf32, #tpu.memory_space<hbm>> -> memref<40x125x16xf32, #tpu.memory_space<hbm>>
      %dma_start3A_16 = arith.constant 0 : i32
      %dma_start3A_17 = arith.constant 0 : i32
      %dma_start3A_18 = arith.constant 0 : i32
      %dma_start3A_19 = tpu.memref_slice %arg4[%add3A, %dma_start3A_16, %dma_start3A_17, %dma_start3A_18] : memref<32x40x125x16xf32, #tpu.memory_space<hbm>> -> memref<1x40x125x16xf32, #tpu.memory_space<hbm>>
      %dma_start3A_20 = tpu.memref_squeeze %dma_start3A_19 : memref<1x40x125x16xf32, #tpu.memory_space<hbm>> -> memref<40x125x16xf32, #tpu.memory_space<hbm>>
      tpu.enqueue_dma source(%arg6 : memref<40x125x16xf32, #tpu.memory_space<vmem>>) target(%dma_start3A_20 : memref<40x125x16xf32, #tpu.memory_space<hbm>>) target_semaphore(%run_scoped3A : memref<!tpu.dma_semaphore, #tpu.memory_space<semaphore_mem>>)
      %dma_wait3A = arith.constant 0 : i32
      %dma_wait3A_21 = arith.constant 0 : i32
      %dma_wait3A_22 = arith.constant 0 : i32
      %dma_wait3A_23 = tpu.memref_slice %arg4[%add3A, %dma_wait3A, %dma_wait3A_21, %dma_wait3A_22] : memref<32x40x125x16xf32, #tpu.memory_space<hbm>> -> memref<1x40x125x16xf32, #tpu.memory_space<hbm>>
      %dma_wait3A_24 = tpu.memref_squeeze %dma_wait3A_23 : memref<1x40x125x16xf32, #tpu.memory_space<hbm>> -> memref<40x125x16xf32, #tpu.memory_space<hbm>>
      %dma_wait3A_25 = arith.constant 0 : i32
      %dma_wait3A_26 = arith.constant 0 : i32
      %dma_wait3A_27 = arith.constant 0 : i32
      %dma_wait3A_28 = tpu.memref_slice %arg4[%add3A, %dma_wait3A_25, %dma_wait3A_26, %dma_wait3A_27] : memref<32x40x125x16xf32, #tpu.memory_space<hbm>> -> memref<1x40x125x16xf32, #tpu.memory_space<hbm>>
      %dma_wait3A_29 = tpu.memref_squeeze %dma_wait3A_28 : memref<1x40x125x16xf32, #tpu.memory_space<hbm>> -> memref<40x125x16xf32, #tpu.memory_space<hbm>>
      tpu.wait_dma2 semaphore(%run_scoped3A : memref<!tpu.dma_semaphore, #tpu.memory_space<semaphore_mem>>) src(%arg6 : memref<40x125x16xf32, #tpu.memory_space<vmem>>) dst(%dma_wait3A_29 : memref<40x125x16xf32, #tpu.memory_space<hbm>>)
      tpu.yield
    }) : () -> ()
    return
  }
}

#map = affine_map<(d0, d1) -> (0, 0, 0)>
module attributes {stable_mosaic.version = 14 : i64} {
  func.func @_sc_degree_body(%arg0: i32, %arg1: i32, %arg2: memref<32x40x125xi32, #tpu.memory_space<hbm>>, %arg3: memref<2x10000x16xf32, #tpu.memory_space<hbm>>, %arg4: memref<40x125xi32, #tpu.memory_space<vmem>>, %arg5: memref<125x16xf32, #tpu.memory_space<vmem>>, %arg6: memref<625x16xf32, #tpu.memory_space<vmem>>, %arg7: memref<10000x16xf32, #tpu.memory_space<vmem_shared>>) attributes {dimension_semantics = [#tpu.dimension_semantics<core_parallel>, #tpu.dimension_semantics<subcore_parallel>], iteration_bounds = array<i64: 2, 16>, scalar_prefetch = 0 : i64, scratch_operands = 4 : i64, tpu.core_type = #tpu.core_type<sc_vector_subcore>, window_params = [{transform_indices = #map}, {transform_indices = #map}]} {
    %mul3A = arith.constant 16 : i32
    %mul3A_0 = arith.muli %arg0, %mul3A : i32
    %add3A = arith.addi %mul3A_0, %arg1 : i32
    %scan3A = arith.constant 0 : i32
    %scan3A_1 = arith.constant 0 : i32
    %scan3A_2 = arith.constant 625 : i32
    %scan3A_3 = arith.addi %scan3A_1, %scan3A_2 : i32
    %scan3A_4 = arith.constant 1 : i32
    scf.for %scan3A_25 = %scan3A_1 to %scan3A_3 step %scan3A_4  : i32 {
      %broadcast_in_dim3A = arith.constant 0.000000e+00 : f32
      %broadcast_in_dim3A_26 = vector.broadcast %broadcast_in_dim3A : f32 to vector<16xf32>
      %swap3A = arith.index_cast %scan3A_25 : i32 to index
      %swap3A_27 = arith.constant 0 : index
      %swap3A_28 = tpu.vector_load %arg6[%swap3A, %swap3A_27] {strides = array<i32>} : memref<625x16xf32, #tpu.memory_space<vmem>>, vector<1x16xf32>,
      %swap3A_29 = vector.shape_cast %swap3A_28 : vector<1x16xf32> to vector<16xf32>
      %swap3A_30 = vector.shape_cast %broadcast_in_dim3A_26 : vector<16xf32> to vector<1x16xf32>
      tpu.vector_store %arg6[%swap3A, %swap3A_27], %swap3A_30 {strides = array<i32>} : memref<625x16xf32, #tpu.memory_space<vmem>>, vector<1x16xf32>,
    }
    %scan3A_5 = arith.constant 625 : i32
    %scan3A_6 = arith.constant 0 : i32
    %scan3A_7 = arith.constant 0 : i32
    %scan3A_8 = arith.constant 125 : i32
    %scan3A_9 = arith.addi %scan3A_7, %scan3A_8 : i32
    %scan3A_10 = arith.constant 1 : i32
    scf.for %scan3A_25 = %scan3A_7 to %scan3A_9 step %scan3A_10  : i32 {
      %broadcast_in_dim3A = arith.constant 1.000000e+00 : f32
      %broadcast_in_dim3A_26 = vector.broadcast %broadcast_in_dim3A : f32 to vector<16xf32>
      %swap3A = arith.index_cast %scan3A_25 : i32 to index
      %swap3A_27 = arith.constant 0 : index
      %swap3A_28 = tpu.vector_load %arg5[%swap3A, %swap3A_27] {strides = array<i32>} : memref<125x16xf32, #tpu.memory_space<vmem>>, vector<1x16xf32>,
      %swap3A_29 = vector.shape_cast %swap3A_28 : vector<1x16xf32> to vector<16xf32>
      %swap3A_30 = vector.shape_cast %broadcast_in_dim3A_26 : vector<16xf32> to vector<1x16xf32>
      tpu.vector_store %arg5[%swap3A, %swap3A_27], %swap3A_30 {strides = array<i32>} : memref<125x16xf32, #tpu.memory_space<vmem>>, vector<1x16xf32>,
    }
    %scan3A_11 = arith.constant 125 : i32
    %mul3A_12 = arith.constant 625 : i32
    %mul3A_13 = arith.muli %arg1, %mul3A_12 : i32
    "tpu.region"() ({
      %run_scoped3A = tpu.sem_alloc : memref<!tpu.dma_semaphore, #tpu.memory_space<semaphore_mem>>
      %dma_start3A = arith.constant 0 : i32
      %dma_start3A_25 = tpu.memref_slice %arg7[%mul3A_13, %dma_start3A] : memref<10000x16xf32, #tpu.memory_space<vmem_shared>> -> memref<625x16xf32, #tpu.memory_space<vmem_shared>>
      %dma_start3A_26 = arith.constant 0 : i32
      %dma_start3A_27 = tpu.memref_slice %arg7[%mul3A_13, %dma_start3A_26] : memref<10000x16xf32, #tpu.memory_space<vmem_shared>> -> memref<625x16xf32, #tpu.memory_space<vmem_shared>>
      tpu.enqueue_dma source(%arg6 : memref<625x16xf32, #tpu.memory_space<vmem>>) target(%dma_start3A_27 : memref<625x16xf32, #tpu.memory_space<vmem_shared>>) target_semaphore(%run_scoped3A : memref<!tpu.dma_semaphore, #tpu.memory_space<semaphore_mem>>)
      %dma_wait3A = arith.constant 0 : i32
      %dma_wait3A_28 = tpu.memref_slice %arg7[%mul3A_13, %dma_wait3A] : memref<10000x16xf32, #tpu.memory_space<vmem_shared>> -> memref<625x16xf32, #tpu.memory_space<vmem_shared>>
      %dma_wait3A_29 = arith.constant 0 : i32
      %dma_wait3A_30 = tpu.memref_slice %arg7[%mul3A_13, %dma_wait3A_29] : memref<10000x16xf32, #tpu.memory_space<vmem_shared>> -> memref<625x16xf32, #tpu.memory_space<vmem_shared>>
      tpu.wait_dma2 semaphore(%run_scoped3A : memref<!tpu.dma_semaphore, #tpu.memory_space<semaphore_mem>>) src(%arg6 : memref<625x16xf32, #tpu.memory_space<vmem>>) dst(%dma_wait3A_30 : memref<625x16xf32, #tpu.memory_space<vmem_shared>>)
      tpu.yield
    }) : () -> ()
    "tpu.region"() ({
      %run_scoped3A = tpu.sem_alloc : memref<!tpu.dma_semaphore, #tpu.memory_space<semaphore_mem>>
      %dma_start3A = arith.constant 0 : i32
      %dma_start3A_25 = arith.constant 0 : i32
      %dma_start3A_26 = tpu.memref_slice %arg2[%add3A, %dma_start3A, %dma_start3A_25] : memref<32x40x125xi32, #tpu.memory_space<hbm>> -> memref<1x40x125xi32, #tpu.memory_space<hbm>>
      %dma_start3A_27 = tpu.memref_squeeze %dma_start3A_26 : memref<1x40x125xi32, #tpu.memory_space<hbm>> -> memref<40x125xi32, #tpu.memory_space<hbm>>
      %dma_start3A_28 = arith.constant 0 : i32
      %dma_start3A_29 = arith.constant 0 : i32
      %dma_start3A_30 = tpu.memref_slice %arg2[%add3A, %dma_start3A_28, %dma_start3A_29] : memref<32x40x125xi32, #tpu.memory_space<hbm>> -> memref<1x40x125xi32, #tpu.memory_space<hbm>>
      %dma_start3A_31 = tpu.memref_squeeze %dma_start3A_30 : memref<1x40x125xi32, #tpu.memory_space<hbm>> -> memref<40x125xi32, #tpu.memory_space<hbm>>
      tpu.enqueue_dma source(%dma_start3A_31 : memref<40x125xi32, #tpu.memory_space<hbm>>) target(%arg4 : memref<40x125xi32, #tpu.memory_space<vmem>>) target_semaphore(%run_scoped3A : memref<!tpu.dma_semaphore, #tpu.memory_space<semaphore_mem>>)
      %dma_wait3A = arith.constant 0 : i32
      %dma_wait3A_32 = arith.constant 0 : i32
      %dma_wait3A_33 = tpu.memref_slice %arg2[%add3A, %dma_wait3A, %dma_wait3A_32] : memref<32x40x125xi32, #tpu.memory_space<hbm>> -> memref<1x40x125xi32, #tpu.memory_space<hbm>>
      %dma_wait3A_34 = tpu.memref_squeeze %dma_wait3A_33 : memref<1x40x125xi32, #tpu.memory_space<hbm>> -> memref<40x125xi32, #tpu.memory_space<hbm>>
      %dma_wait3A_35 = arith.constant 0 : i32
      %dma_wait3A_36 = arith.constant 0 : i32
      %dma_wait3A_37 = tpu.memref_slice %arg2[%add3A, %dma_wait3A_35, %dma_wait3A_36] : memref<32x40x125xi32, #tpu.memory_space<hbm>> -> memref<1x40x125xi32, #tpu.memory_space<hbm>>
      %dma_wait3A_38 = tpu.memref_squeeze %dma_wait3A_37 : memref<1x40x125xi32, #tpu.memory_space<hbm>> -> memref<40x125xi32, #tpu.memory_space<hbm>>
      tpu.wait_dma2 semaphore(%run_scoped3A : memref<!tpu.dma_semaphore, #tpu.memory_space<semaphore_mem>>) src(%dma_wait3A_38 : memref<40x125xi32, #tpu.memory_space<hbm>>) dst(%arg4 : memref<40x125xi32, #tpu.memory_space<vmem>>)
      tpu.yield
    }) : () -> ()
    %barrier3A = arith.constant 0 : index
    tpu.barrier barrier_id(%barrier3A)
    %scan3A_14 = arith.constant 0 : i32
    %scan3A_15 = arith.constant 0 : i32
    %scan3A_16 = arith.constant 40 : i32
    %scan3A_17 = arith.addi %scan3A_15, %scan3A_16 : i32
    %scan3A_18 = arith.constant 1 : i32
    scf.for %scan3A_25 = %scan3A_15 to %scan3A_17 step %scan3A_18  : i32 {
      "tpu.region"() ({
        %run_scoped3A = tpu.sem_alloc : memref<!tpu.dma_semaphore, #tpu.memory_space<semaphore_mem>>
        %dma_start3A = arith.constant 0 : i32
        %dma_start3A_26 = tpu.memref_slice %arg4[%scan3A_25, %dma_start3A] : memref<40x125xi32, #tpu.memory_space<vmem>> -> memref<1x125xi32, #tpu.memory_space<vmem>>
        %dma_start3A_27 = tpu.memref_squeeze %dma_start3A_26 : memref<1x125xi32, #tpu.memory_space<vmem>> -> memref<125xi32, #tpu.memory_space<vmem>>
        %dma_start3A_28 = arith.constant 0 : i32
        %dma_start3A_29 = arith.constant 0 : i32
        %dma_start3A_30 = tpu.memref_slice %arg7[%dma_start3A_28, %dma_start3A_29] : memref<10000x16xf32, #tpu.memory_space<vmem_shared>> -> memref<10000x16xf32, #tpu.memory_space<vmem_shared>>
        tpu.enqueue_indirect_dma source(%arg5 : memref<125x16xf32, #tpu.memory_space<vmem>>) target(%dma_start3A_30 : memref<10000x16xf32, #tpu.memory_space<vmem_shared>>) offsets(%dma_start3A_27 : memref<125xi32, #tpu.memory_space<vmem>>) semaphore(%run_scoped3A : memref<!tpu.dma_semaphore, #tpu.memory_space<semaphore_mem>>) {add = true}
        %dma_wait3A = arith.constant 0 : i32
        %dma_wait3A_31 = tpu.memref_slice %arg4[%scan3A_25, %dma_wait3A] : memref<40x125xi32, #tpu.memory_space<vmem>> -> memref<1x125xi32, #tpu.memory_space<vmem>>
        %dma_wait3A_32 = tpu.memref_squeeze %dma_wait3A_31 : memref<1x125xi32, #tpu.memory_space<vmem>> -> memref<125xi32, #tpu.memory_space<vmem>>
        %dma_wait3A_33 = arith.constant 0 : i32
        %dma_wait3A_34 = arith.constant 0 : i32
        %dma_wait3A_35 = tpu.memref_slice %arg7[%dma_wait3A_33, %dma_wait3A_34] : memref<10000x16xf32, #tpu.memory_space<vmem_shared>> -> memref<10000x16xf32, #tpu.memory_space<vmem_shared>>
        tpu.wait_indirect_dma semaphore(%run_scoped3A : memref<!tpu.dma_semaphore, #tpu.memory_space<semaphore_mem>>) src(%arg5 : memref<125x16xf32, #tpu.memory_space<vmem>>) dst(%dma_wait3A_35 : memref<10000x16xf32, #tpu.memory_space<vmem_shared>>)
        tpu.yield
      }) : () -> ()
    }
    %scan3A_19 = arith.constant 40 : i32
    %barrier3A_20 = arith.constant 0 : index
    tpu.barrier barrier_id(%barrier3A_20)
    %mul3A_21 = arith.constant 625 : i32
    %mul3A_22 = arith.muli %arg1, %mul3A_21 : i32
    %mul3A_23 = arith.constant 625 : i32
    %mul3A_24 = arith.muli %arg1, %mul3A_23 : i32
    "tpu.region"() ({
      %run_scoped3A = tpu.sem_alloc : memref<!tpu.dma_semaphore, #tpu.memory_space<semaphore_mem>>
      %dma_start3A = arith.constant 0 : i32
      %dma_start3A_25 = tpu.memref_slice %arg3[%arg0, %mul3A_24, %dma_start3A] : memref<2x10000x16xf32, #tpu.memory_space<hbm>> -> memref<1x625x16xf32, #tpu.memory_space<hbm>>
      %dma_start3A_26 = tpu.memref_squeeze %dma_start3A_25 : memref<1x625x16xf32, #tpu.memory_space<hbm>> -> memref<625x16xf32, #tpu.memory_space<hbm>>
      %dma_start3A_27 = arith.constant 0 : i32
      %dma_start3A_28 = tpu.memref_slice %arg7[%mul3A_22, %dma_start3A_27] : memref<10000x16xf32, #tpu.memory_space<vmem_shared>> -> memref<625x16xf32, #tpu.memory_space<vmem_shared>>
      tpu.enqueue_dma source(%dma_start3A_28 : memref<625x16xf32, #tpu.memory_space<vmem_shared>>) target(%dma_start3A_26 : memref<625x16xf32, #tpu.memory_space<hbm>>) target_semaphore(%run_scoped3A : memref<!tpu.dma_semaphore, #tpu.memory_space<semaphore_mem>>)
      %dma_wait3A = arith.constant 0 : i32
      %dma_wait3A_29 = tpu.memref_slice %arg3[%arg0, %mul3A_24, %dma_wait3A] : memref<2x10000x16xf32, #tpu.memory_space<hbm>> -> memref<1x625x16xf32, #tpu.memory_space<hbm>>
      %dma_wait3A_30 = tpu.memref_squeeze %dma_wait3A_29 : memref<1x625x16xf32, #tpu.memory_space<hbm>> -> memref<625x16xf32, #tpu.memory_space<hbm>>
      %dma_wait3A_31 = arith.constant 0 : i32
      %dma_wait3A_32 = tpu.memref_slice %arg7[%mul3A_22, %dma_wait3A_31] : memref<10000x16xf32, #tpu.memory_space<vmem_shared>> -> memref<625x16xf32, #tpu.memory_space<vmem_shared>>
      tpu.wait_dma2 semaphore(%run_scoped3A : memref<!tpu.dma_semaphore, #tpu.memory_space<semaphore_mem>>) src(%dma_wait3A_32 : memref<625x16xf32, #tpu.memory_space<vmem_shared>>) dst(%dma_wait3A_30 : memref<625x16xf32, #tpu.memory_space<hbm>>)
      tpu.yield
    }) : () -> ()
    return
  }
}

#map = affine_map<(d0, d1) -> (0, 0, 0, 0)>
#map1 = affine_map<(d0, d1) -> (0, 0, 0)>
module attributes {stable_mosaic.version = 14 : i64} {
  func.func @_sc_scatter_body(%arg0: i32, %arg1: i32, %arg2: memref<32x40x125x16xf32, #tpu.memory_space<hbm>>, %arg3: memref<32x40x125xi32, #tpu.memory_space<hbm>>, %arg4: memref<2x10000x16xf32, #tpu.memory_space<hbm>>, %arg5: memref<40x125xi32, #tpu.memory_space<vmem>>, %arg6: memref<40x125x16xf32, #tpu.memory_space<vmem>>, %arg7: memref<625x16xf32, #tpu.memory_space<vmem>>, %arg8: memref<10000x16xf32, #tpu.memory_space<vmem_shared>>) attributes {dimension_semantics = [#tpu.dimension_semantics<core_parallel>, #tpu.dimension_semantics<subcore_parallel>], iteration_bounds = array<i64: 2, 16>, scalar_prefetch = 0 : i64, scratch_operands = 4 : i64, tpu.core_type = #tpu.core_type<sc_vector_subcore>, window_params = [{transform_indices = #map}, {transform_indices = #map1}, {transform_indices = #map1}]} {
    %mul3A = arith.constant 16 : i32
    %mul3A_0 = arith.muli %arg0, %mul3A : i32
    %add3A = arith.addi %mul3A_0, %arg1 : i32
    %scan3A = arith.constant 0 : i32
    %scan3A_1 = arith.constant 0 : i32
    %scan3A_2 = arith.constant 625 : i32
    %scan3A_3 = arith.addi %scan3A_1, %scan3A_2 : i32
    %scan3A_4 = arith.constant 1 : i32
    scf.for %scan3A_19 = %scan3A_1 to %scan3A_3 step %scan3A_4  : i32 {
      %broadcast_in_dim3A = arith.constant 0.000000e+00 : f32
      %broadcast_in_dim3A_20 = vector.broadcast %broadcast_in_dim3A : f32 to vector<16xf32>
      %swap3A = arith.index_cast %scan3A_19 : i32 to index
      %swap3A_21 = arith.constant 0 : index
      %swap3A_22 = tpu.vector_load %arg7[%swap3A, %swap3A_21] {strides = array<i32>} : memref<625x16xf32, #tpu.memory_space<vmem>>, vector<1x16xf32>,
      %swap3A_23 = vector.shape_cast %swap3A_22 : vector<1x16xf32> to vector<16xf32>
      %swap3A_24 = vector.shape_cast %broadcast_in_dim3A_20 : vector<16xf32> to vector<1x16xf32>
      tpu.vector_store %arg7[%swap3A, %swap3A_21], %swap3A_24 {strides = array<i32>} : memref<625x16xf32, #tpu.memory_space<vmem>>, vector<1x16xf32>,
    }
    %scan3A_5 = arith.constant 625 : i32
    %mul3A_6 = arith.constant 625 : i32
    %mul3A_7 = arith.muli %arg1, %mul3A_6 : i32
    "tpu.region"() ({
      %run_scoped3A = tpu.sem_alloc : memref<!tpu.dma_semaphore, #tpu.memory_space<semaphore_mem>>
      %dma_start3A = arith.constant 0 : i32
      %dma_start3A_19 = tpu.memref_slice %arg8[%mul3A_7, %dma_start3A] : memref<10000x16xf32, #tpu.memory_space<vmem_shared>> -> memref<625x16xf32, #tpu.memory_space<vmem_shared>>
      %dma_start3A_20 = arith.constant 0 : i32
      %dma_start3A_21 = tpu.memref_slice %arg8[%mul3A_7, %dma_start3A_20] : memref<10000x16xf32, #tpu.memory_space<vmem_shared>> -> memref<625x16xf32, #tpu.memory_space<vmem_shared>>
      tpu.enqueue_dma source(%arg7 : memref<625x16xf32, #tpu.memory_space<vmem>>) target(%dma_start3A_21 : memref<625x16xf32, #tpu.memory_space<vmem_shared>>) target_semaphore(%run_scoped3A : memref<!tpu.dma_semaphore, #tpu.memory_space<semaphore_mem>>)
      %dma_wait3A = arith.constant 0 : i32
      %dma_wait3A_22 = tpu.memref_slice %arg8[%mul3A_7, %dma_wait3A] : memref<10000x16xf32, #tpu.memory_space<vmem_shared>> -> memref<625x16xf32, #tpu.memory_space<vmem_shared>>
      %dma_wait3A_23 = arith.constant 0 : i32
      %dma_wait3A_24 = tpu.memref_slice %arg8[%mul3A_7, %dma_wait3A_23] : memref<10000x16xf32, #tpu.memory_space<vmem_shared>> -> memref<625x16xf32, #tpu.memory_space<vmem_shared>>
      tpu.wait_dma2 semaphore(%run_scoped3A : memref<!tpu.dma_semaphore, #tpu.memory_space<semaphore_mem>>) src(%arg7 : memref<625x16xf32, #tpu.memory_space<vmem>>) dst(%dma_wait3A_24 : memref<625x16xf32, #tpu.memory_space<vmem_shared>>)
      tpu.yield
    }) : () -> ()
    "tpu.region"() ({
      %run_scoped3A = tpu.sem_alloc : memref<!tpu.dma_semaphore, #tpu.memory_space<semaphore_mem>>
      %dma_start3A = arith.constant 0 : i32
      %dma_start3A_19 = arith.constant 0 : i32
      %dma_start3A_20 = tpu.memref_slice %arg3[%add3A, %dma_start3A, %dma_start3A_19] : memref<32x40x125xi32, #tpu.memory_space<hbm>> -> memref<1x40x125xi32, #tpu.memory_space<hbm>>
      %dma_start3A_21 = tpu.memref_squeeze %dma_start3A_20 : memref<1x40x125xi32, #tpu.memory_space<hbm>> -> memref<40x125xi32, #tpu.memory_space<hbm>>
      %dma_start3A_22 = arith.constant 0 : i32
      %dma_start3A_23 = arith.constant 0 : i32
      %dma_start3A_24 = tpu.memref_slice %arg3[%add3A, %dma_start3A_22, %dma_start3A_23] : memref<32x40x125xi32, #tpu.memory_space<hbm>> -> memref<1x40x125xi32, #tpu.memory_space<hbm>>
      %dma_start3A_25 = tpu.memref_squeeze %dma_start3A_24 : memref<1x40x125xi32, #tpu.memory_space<hbm>> -> memref<40x125xi32, #tpu.memory_space<hbm>>
      tpu.enqueue_dma source(%dma_start3A_25 : memref<40x125xi32, #tpu.memory_space<hbm>>) target(%arg5 : memref<40x125xi32, #tpu.memory_space<vmem>>) target_semaphore(%run_scoped3A : memref<!tpu.dma_semaphore, #tpu.memory_space<semaphore_mem>>)
      %dma_wait3A = arith.constant 0 : i32
      %dma_wait3A_26 = arith.constant 0 : i32
      %dma_wait3A_27 = tpu.memref_slice %arg3[%add3A, %dma_wait3A, %dma_wait3A_26] : memref<32x40x125xi32, #tpu.memory_space<hbm>> -> memref<1x40x125xi32, #tpu.memory_space<hbm>>
      %dma_wait3A_28 = tpu.memref_squeeze %dma_wait3A_27 : memref<1x40x125xi32, #tpu.memory_space<hbm>> -> memref<40x125xi32, #tpu.memory_space<hbm>>
      %dma_wait3A_29 = arith.constant 0 : i32
      %dma_wait3A_30 = arith.constant 0 : i32
      %dma_wait3A_31 = tpu.memref_slice %arg3[%add3A, %dma_wait3A_29, %dma_wait3A_30] : memref<32x40x125xi32, #tpu.memory_space<hbm>> -> memref<1x40x125xi32, #tpu.memory_space<hbm>>
      %dma_wait3A_32 = tpu.memref_squeeze %dma_wait3A_31 : memref<1x40x125xi32, #tpu.memory_space<hbm>> -> memref<40x125xi32, #tpu.memory_space<hbm>>
      tpu.wait_dma2 semaphore(%run_scoped3A : memref<!tpu.dma_semaphore, #tpu.memory_space<semaphore_mem>>) src(%dma_wait3A_32 : memref<40x125xi32, #tpu.memory_space<hbm>>) dst(%arg5 : memref<40x125xi32, #tpu.memory_space<vmem>>)
      tpu.yield
    }) : () -> ()
    "tpu.region"() ({
      %run_scoped3A = tpu.sem_alloc : memref<!tpu.dma_semaphore, #tpu.memory_space<semaphore_mem>>
      %dma_start3A = arith.constant 0 : i32
      %dma_start3A_19 = arith.constant 0 : i32
      %dma_start3A_20 = arith.constant 0 : i32
      %dma_start3A_21 = tpu.memref_slice %arg2[%add3A, %dma_start3A, %dma_start3A_19, %dma_start3A_20] : memref<32x40x125x16xf32, #tpu.memory_space<hbm>> -> memref<1x40x125x16xf32, #tpu.memory_space<hbm>>
      %dma_start3A_22 = tpu.memref_squeeze %dma_start3A_21 : memref<1x40x125x16xf32, #tpu.memory_space<hbm>> -> memref<40x125x16xf32, #tpu.memory_space<hbm>>
      %dma_start3A_23 = arith.constant 0 : i32
      %dma_start3A_24 = arith.constant 0 : i32
      %dma_start3A_25 = arith.constant 0 : i32
      %dma_start3A_26 = tpu.memref_slice %arg2[%add3A, %dma_start3A_23, %dma_start3A_24, %dma_start3A_25] : memref<32x40x125x16xf32, #tpu.memory_space<hbm>> -> memref<1x40x125x16xf32, #tpu.memory_space<hbm>>
      %dma_start3A_27 = tpu.memref_squeeze %dma_start3A_26 : memref<1x40x125x16xf32, #tpu.memory_space<hbm>> -> memref<40x125x16xf32, #tpu.memory_space<hbm>>
      tpu.enqueue_dma source(%dma_start3A_27 : memref<40x125x16xf32, #tpu.memory_space<hbm>>) target(%arg6 : memref<40x125x16xf32, #tpu.memory_space<vmem>>) target_semaphore(%run_scoped3A : memref<!tpu.dma_semaphore, #tpu.memory_space<semaphore_mem>>)
      %dma_wait3A = arith.constant 0 : i32
      %dma_wait3A_28 = arith.constant 0 : i32
      %dma_wait3A_29 = arith.constant 0 : i32
      %dma_wait3A_30 = tpu.memref_slice %arg2[%add3A, %dma_wait3A, %dma_wait3A_28, %dma_wait3A_29] : memref<32x40x125x16xf32, #tpu.memory_space<hbm>> -> memref<1x40x125x16xf32, #tpu.memory_space<hbm>>
      %dma_wait3A_31 = tpu.memref_squeeze %dma_wait3A_30 : memref<1x40x125x16xf32, #tpu.memory_space<hbm>> -> memref<40x125x16xf32, #tpu.memory_space<hbm>>
      %dma_wait3A_32 = arith.constant 0 : i32
      %dma_wait3A_33 = arith.constant 0 : i32
      %dma_wait3A_34 = arith.constant 0 : i32
      %dma_wait3A_35 = tpu.memref_slice %arg2[%add3A, %dma_wait3A_32, %dma_wait3A_33, %dma_wait3A_34] : memref<32x40x125x16xf32, #tpu.memory_space<hbm>> -> memref<1x40x125x16xf32, #tpu.memory_space<hbm>>
      %dma_wait3A_36 = tpu.memref_squeeze %dma_wait3A_35 : memref<1x40x125x16xf32, #tpu.memory_space<hbm>> -> memref<40x125x16xf32, #tpu.memory_space<hbm>>
      tpu.wait_dma2 semaphore(%run_scoped3A : memref<!tpu.dma_semaphore, #tpu.memory_space<semaphore_mem>>) src(%dma_wait3A_36 : memref<40x125x16xf32, #tpu.memory_space<hbm>>) dst(%arg6 : memref<40x125x16xf32, #tpu.memory_space<vmem>>)
      tpu.yield
    }) : () -> ()
    %barrier3A = arith.constant 0 : index
    tpu.barrier barrier_id(%barrier3A)
    %scan3A_8 = arith.constant 0 : i32
    %scan3A_9 = arith.constant 0 : i32
    %scan3A_10 = arith.constant 40 : i32
    %scan3A_11 = arith.addi %scan3A_9, %scan3A_10 : i32
    %scan3A_12 = arith.constant 1 : i32
    scf.for %scan3A_19 = %scan3A_9 to %scan3A_11 step %scan3A_12  : i32 {
      "tpu.region"() ({
        %run_scoped3A = tpu.sem_alloc : memref<!tpu.dma_semaphore, #tpu.memory_space<semaphore_mem>>
        %dma_start3A = arith.constant 0 : i32
        %dma_start3A_20 = arith.constant 0 : i32
        %dma_start3A_21 = tpu.memref_slice %arg6[%scan3A_19, %dma_start3A, %dma_start3A_20] : memref<40x125x16xf32, #tpu.memory_space<vmem>> -> memref<1x125x16xf32, #tpu.memory_space<vmem>>
        %dma_start3A_22 = tpu.memref_squeeze %dma_start3A_21 : memref<1x125x16xf32, #tpu.memory_space<vmem>> -> memref<125x16xf32, #tpu.memory_space<vmem>>
        %dma_start3A_23 = arith.constant 0 : i32
        %dma_start3A_24 = tpu.memref_slice %arg5[%scan3A_19, %dma_start3A_23] : memref<40x125xi32, #tpu.memory_space<vmem>> -> memref<1x125xi32, #tpu.memory_space<vmem>>
        %dma_start3A_25 = tpu.memref_squeeze %dma_start3A_24 : memref<1x125xi32, #tpu.memory_space<vmem>> -> memref<125xi32, #tpu.memory_space<vmem>>
        %dma_start3A_26 = arith.constant 0 : i32
        %dma_start3A_27 = arith.constant 0 : i32
        %dma_start3A_28 = tpu.memref_slice %arg8[%dma_start3A_26, %dma_start3A_27] : memref<10000x16xf32, #tpu.memory_space<vmem_shared>> -> memref<10000x16xf32, #tpu.memory_space<vmem_shared>>
        tpu.enqueue_indirect_dma source(%dma_start3A_22 : memref<125x16xf32, #tpu.memory_space<vmem>>) target(%dma_start3A_28 : memref<10000x16xf32, #tpu.memory_space<vmem_shared>>) offsets(%dma_start3A_25 : memref<125xi32, #tpu.memory_space<vmem>>) semaphore(%run_scoped3A : memref<!tpu.dma_semaphore, #tpu.memory_space<semaphore_mem>>) {add = true}
        %dma_wait3A = arith.constant 0 : i32
        %dma_wait3A_29 = arith.constant 0 : i32
        %dma_wait3A_30 = tpu.memref_slice %arg6[%scan3A_19, %dma_wait3A, %dma_wait3A_29] : memref<40x125x16xf32, #tpu.memory_space<vmem>> -> memref<1x125x16xf32, #tpu.memory_space<vmem>>
        %dma_wait3A_31 = tpu.memref_squeeze %dma_wait3A_30 : memref<1x125x16xf32, #tpu.memory_space<vmem>> -> memref<125x16xf32, #tpu.memory_space<vmem>>
        %dma_wait3A_32 = arith.constant 0 : i32
        %dma_wait3A_33 = tpu.memref_slice %arg5[%scan3A_19, %dma_wait3A_32] : memref<40x125xi32, #tpu.memory_space<vmem>> -> memref<1x125xi32, #tpu.memory_space<vmem>>
        %dma_wait3A_34 = tpu.memref_squeeze %dma_wait3A_33 : memref<1x125xi32, #tpu.memory_space<vmem>> -> memref<125xi32, #tpu.memory_space<vmem>>
        %dma_wait3A_35 = arith.constant 0 : i32
        %dma_wait3A_36 = arith.constant 0 : i32
        %dma_wait3A_37 = tpu.memref_slice %arg8[%dma_wait3A_35, %dma_wait3A_36] : memref<10000x16xf32, #tpu.memory_space<vmem_shared>> -> memref<10000x16xf32, #tpu.memory_space<vmem_shared>>
        tpu.wait_indirect_dma semaphore(%run_scoped3A : memref<!tpu.dma_semaphore, #tpu.memory_space<semaphore_mem>>) src(%dma_wait3A_31 : memref<125x16xf32, #tpu.memory_space<vmem>>) dst(%dma_wait3A_37 : memref<10000x16xf32, #tpu.memory_space<vmem_shared>>)
        tpu.yield
      }) : () -> ()
    }
    %scan3A_13 = arith.constant 40 : i32
    %barrier3A_14 = arith.constant 0 : index
    tpu.barrier barrier_id(%barrier3A_14)
    %mul3A_15 = arith.constant 625 : i32
    %mul3A_16 = arith.muli %arg1, %mul3A_15 : i32
    %mul3A_17 = arith.constant 625 : i32
    %mul3A_18 = arith.muli %arg1, %mul3A_17 : i32
    "tpu.region"() ({
      %run_scoped3A = tpu.sem_alloc : memref<!tpu.dma_semaphore, #tpu.memory_space<semaphore_mem>>
      %dma_start3A = arith.constant 0 : i32
      %dma_start3A_19 = tpu.memref_slice %arg4[%arg0, %mul3A_18, %dma_start3A] : memref<2x10000x16xf32, #tpu.memory_space<hbm>> -> memref<1x625x16xf32, #tpu.memory_space<hbm>>
      %dma_start3A_20 = tpu.memref_squeeze %dma_start3A_19 : memref<1x625x16xf32, #tpu.memory_space<hbm>> -> memref<625x16xf32, #tpu.memory_space<hbm>>
      %dma_start3A_21 = arith.constant 0 : i32
      %dma_start3A_22 = tpu.memref_slice %arg8[%mul3A_16, %dma_start3A_21] : memref<10000x16xf32, #tpu.memory_space<vmem_shared>> -> memref<625x16xf32, #tpu.memory_space<vmem_shared>>
      tpu.enqueue_dma source(%dma_start3A_22 : memref<625x16xf32, #tpu.memory_space<vmem_shared>>) target(%dma_start3A_20 : memref<625x16xf32, #tpu.memory_space<hbm>>) target_semaphore(%run_scoped3A : memref<!tpu.dma_semaphore, #tpu.memory_space<semaphore_mem>>)
      %dma_wait3A = arith.constant 0 : i32
      %dma_wait3A_23 = tpu.memref_slice %arg4[%arg0, %mul3A_18, %dma_wait3A] : memref<2x10000x16xf32, #tpu.memory_space<hbm>> -> memref<1x625x16xf32, #tpu.memory_space<hbm>>
      %dma_wait3A_24 = tpu.memref_squeeze %dma_wait3A_23 : memref<1x625x16xf32, #tpu.memory_space<hbm>> -> memref<625x16xf32, #tpu.memory_space<hbm>>
      %dma_wait3A_25 = arith.constant 0 : i32
      %dma_wait3A_26 = tpu.memref_slice %arg8[%mul3A_16, %dma_wait3A_25] : memref<10000x16xf32, #tpu.memory_space<vmem_shared>> -> memref<625x16xf32, #tpu.memory_space<vmem_shared>>
      tpu.wait_dma2 semaphore(%run_scoped3A : memref<!tpu.dma_semaphore, #tpu.memory_space<semaphore_mem>>) src(%dma_wait3A_26 : memref<625x16xf32, #tpu.memory_space<vmem_shared>>) dst(%dma_wait3A_24 : memref<625x16xf32, #tpu.memory_space<hbm>>)
      tpu.yield
    }) : () -> ()
    return
  }
}

#map = affine_map<(d0, d1) -> (0, 0)>
#map1 = affine_map<(d0, d1) -> (0, 0, 0)>
#map2 = affine_map<(d0, d1) -> (0, 0, 0, 0)>
module attributes {stable_mosaic.version = 14 : i64} {
  func.func @_sc_gather_body(%arg0: i32, %arg1: i32, %arg2: memref<10000x16xf32, #tpu.memory_space<hbm>>, %arg3: memref<32x40x125xi32, #tpu.memory_space<hbm>>, %arg4: memref<32x40x125x16xf32, #tpu.memory_space<hbm>>, %arg5: memref<40x125xi32, #tpu.memory_space<vmem>>, %arg6: memref<40x125x16xf32, #tpu.memory_space<vmem>>, %arg7: memref<!tpu.dma_semaphore, #tpu.memory_space<semaphore_mem>>) attributes {dimension_semantics = [#tpu.dimension_semantics<core_parallel>, #tpu.dimension_semantics<subcore_parallel>], iteration_bounds = array<i64: 2, 16>, scalar_prefetch = 0 : i64, scratch_operands = 3 : i64, tpu.core_type = #tpu.core_type<sc_vector_subcore>, window_params = [{transform_indices = #map}, {transform_indices = #map1}, {transform_indices = #map2}]} {
    %mul3A = arith.constant 16 : i32
    %mul3A_0 = arith.muli %arg0, %mul3A : i32
    %add3A = arith.addi %mul3A_0, %arg1 : i32
    "tpu.region"() ({
      %run_scoped3A = tpu.sem_alloc : memref<!tpu.dma_semaphore, #tpu.memory_space<semaphore_mem>>
      %dma_start3A = arith.constant 0 : i32
      %dma_start3A_12 = arith.constant 0 : i32
      %dma_start3A_13 = tpu.memref_slice %arg3[%add3A, %dma_start3A, %dma_start3A_12] : memref<32x40x125xi32, #tpu.memory_space<hbm>> -> memref<1x40x125xi32, #tpu.memory_space<hbm>>
      %dma_start3A_14 = tpu.memref_squeeze %dma_start3A_13 : memref<1x40x125xi32, #tpu.memory_space<hbm>> -> memref<40x125xi32, #tpu.memory_space<hbm>>
      %dma_start3A_15 = arith.constant 0 : i32
      %dma_start3A_16 = arith.constant 0 : i32
      %dma_start3A_17 = tpu.memref_slice %arg3[%add3A, %dma_start3A_15, %dma_start3A_16] : memref<32x40x125xi32, #tpu.memory_space<hbm>> -> memref<1x40x125xi32, #tpu.memory_space<hbm>>
      %dma_start3A_18 = tpu.memref_squeeze %dma_start3A_17 : memref<1x40x125xi32, #tpu.memory_space<hbm>> -> memref<40x125xi32, #tpu.memory_space<hbm>>
      tpu.enqueue_dma source(%dma_start3A_18 : memref<40x125xi32, #tpu.memory_space<hbm>>) target(%arg5 : memref<40x125xi32, #tpu.memory_space<vmem>>) target_semaphore(%run_scoped3A : memref<!tpu.dma_semaphore, #tpu.memory_space<semaphore_mem>>)
      %dma_wait3A = arith.constant 0 : i32
      %dma_wait3A_19 = arith.constant 0 : i32
      %dma_wait3A_20 = tpu.memref_slice %arg3[%add3A, %dma_wait3A, %dma_wait3A_19] : memref<32x40x125xi32, #tpu.memory_space<hbm>> -> memref<1x40x125xi32, #tpu.memory_space<hbm>>
      %dma_wait3A_21 = tpu.memref_squeeze %dma_wait3A_20 : memref<1x40x125xi32, #tpu.memory_space<hbm>> -> memref<40x125xi32, #tpu.memory_space<hbm>>
      %dma_wait3A_22 = arith.constant 0 : i32
      %dma_wait3A_23 = arith.constant 0 : i32
      %dma_wait3A_24 = tpu.memref_slice %arg3[%add3A, %dma_wait3A_22, %dma_wait3A_23] : memref<32x40x125xi32, #tpu.memory_space<hbm>> -> memref<1x40x125xi32, #tpu.memory_space<hbm>>
      %dma_wait3A_25 = tpu.memref_squeeze %dma_wait3A_24 : memref<1x40x125xi32, #tpu.memory_space<hbm>> -> memref<40x125xi32, #tpu.memory_space<hbm>>
      tpu.wait_dma2 semaphore(%run_scoped3A : memref<!tpu.dma_semaphore, #tpu.memory_space<semaphore_mem>>) src(%dma_wait3A_25 : memref<40x125xi32, #tpu.memory_space<hbm>>) dst(%arg5 : memref<40x125xi32, #tpu.memory_space<vmem>>)
      tpu.yield
    }) : () -> ()
    %scan3A = arith.constant 0 : i32
    %scan3A_1 = arith.constant 0 : i32
    %scan3A_2 = arith.constant 40 : i32
    %scan3A_3 = arith.addi %scan3A_1, %scan3A_2 : i32
    %scan3A_4 = arith.constant 1 : i32
    scf.for %scan3A_12 = %scan3A_1 to %scan3A_3 step %scan3A_4  : i32 {
      %dma_start3A = arith.constant 0 : i32
      %dma_start3A_13 = arith.constant 0 : i32
      %dma_start3A_14 = tpu.memref_slice %arg6[%scan3A_12, %dma_start3A, %dma_start3A_13] : memref<40x125x16xf32, #tpu.memory_space<vmem>> -> memref<1x125x16xf32, #tpu.memory_space<vmem>>
      %dma_start3A_15 = tpu.memref_squeeze %dma_start3A_14 : memref<1x125x16xf32, #tpu.memory_space<vmem>> -> memref<125x16xf32, #tpu.memory_space<vmem>>
      %dma_start3A_16 = arith.constant 0 : i32
      %dma_start3A_17 = tpu.memref_slice %arg5[%scan3A_12, %dma_start3A_16] : memref<40x125xi32, #tpu.memory_space<vmem>> -> memref<1x125xi32, #tpu.memory_space<vmem>>
      %dma_start3A_18 = tpu.memref_squeeze %dma_start3A_17 : memref<1x125xi32, #tpu.memory_space<vmem>> -> memref<125xi32, #tpu.memory_space<vmem>>
      %dma_start3A_19 = arith.constant 0 : i32
      %dma_start3A_20 = arith.constant 0 : i32
      %dma_start3A_21 = tpu.memref_slice %arg2[%dma_start3A_19, %dma_start3A_20] : memref<10000x16xf32, #tpu.memory_space<hbm>> -> memref<10000x16xf32, #tpu.memory_space<hbm>>
      tpu.enqueue_indirect_dma source(%dma_start3A_21 : memref<10000x16xf32, #tpu.memory_space<hbm>>) target(%dma_start3A_15 : memref<125x16xf32, #tpu.memory_space<vmem>>) offsets(%dma_start3A_18 : memref<125xi32, #tpu.memory_space<vmem>>) semaphore(%arg7 : memref<!tpu.dma_semaphore, #tpu.memory_space<semaphore_mem>>)
    }
    %scan3A_5 = arith.constant 40 : i32
    %scan3A_6 = arith.constant 0 : i32
    %scan3A_7 = arith.constant 0 : i32
    %scan3A_8 = arith.constant 40 : i32
    %scan3A_9 = arith.addi %scan3A_7, %scan3A_8 : i32
    %scan3A_10 = arith.constant 1 : i32
    scf.for %scan3A_12 = %scan3A_7 to %scan3A_9 step %scan3A_10  : i32 {
      %dma_wait3A = arith.constant 0 : i32
      %dma_wait3A_13 = arith.constant 0 : i32
      %dma_wait3A_14 = tpu.memref_slice %arg6[%scan3A_12, %dma_wait3A, %dma_wait3A_13] : memref<40x125x16xf32, #tpu.memory_space<vmem>> -> memref<1x125x16xf32, #tpu.memory_space<vmem>>
      %dma_wait3A_15 = tpu.memref_squeeze %dma_wait3A_14 : memref<1x125x16xf32, #tpu.memory_space<vmem>> -> memref<125x16xf32, #tpu.memory_space<vmem>>
      %dma_wait3A_16 = arith.constant 0 : i32
      %dma_wait3A_17 = tpu.memref_slice %arg5[%scan3A_12, %dma_wait3A_16] : memref<40x125xi32, #tpu.memory_space<vmem>> -> memref<1x125xi32, #tpu.memory_space<vmem>>
      %dma_wait3A_18 = tpu.memref_squeeze %dma_wait3A_17 : memref<1x125xi32, #tpu.memory_space<vmem>> -> memref<125xi32, #tpu.memory_space<vmem>>
      %dma_wait3A_19 = arith.constant 0 : i32
      %dma_wait3A_20 = arith.constant 0 : i32
      %dma_wait3A_21 = tpu.memref_slice %arg2[%dma_wait3A_19, %dma_wait3A_20] : memref<10000x16xf32, #tpu.memory_space<hbm>> -> memref<10000x16xf32, #tpu.memory_space<hbm>>
      tpu.wait_indirect_dma semaphore(%arg7 : memref<!tpu.dma_semaphore, #tpu.memory_space<semaphore_mem>>) src(%dma_wait3A_21 : memref<10000x16xf32, #tpu.memory_space<hbm>>) dst(%dma_wait3A_15 : memref<125x16xf32, #tpu.memory_space<vmem>>)
    }
    %scan3A_11 = arith.constant 40 : i32
    "tpu.region"() ({
      %run_scoped3A = tpu.sem_alloc : memref<!tpu.dma_semaphore, #tpu.memory_space<semaphore_mem>>
      %dma_start3A = arith.constant 0 : i32
      %dma_start3A_12 = arith.constant 0 : i32
      %dma_start3A_13 = arith.constant 0 : i32
      %dma_start3A_14 = tpu.memref_slice %arg4[%add3A, %dma_start3A, %dma_start3A_12, %dma_start3A_13] : memref<32x40x125x16xf32, #tpu.memory_space<hbm>> -> memref<1x40x125x16xf32, #tpu.memory_space<hbm>>
      %dma_start3A_15 = tpu.memref_squeeze %dma_start3A_14 : memref<1x40x125x16xf32, #tpu.memory_space<hbm>> -> memref<40x125x16xf32, #tpu.memory_space<hbm>>
      %dma_start3A_16 = arith.constant 0 : i32
      %dma_start3A_17 = arith.constant 0 : i32
      %dma_start3A_18 = arith.constant 0 : i32
      %dma_start3A_19 = tpu.memref_slice %arg4[%add3A, %dma_start3A_16, %dma_start3A_17, %dma_start3A_18] : memref<32x40x125x16xf32, #tpu.memory_space<hbm>> -> memref<1x40x125x16xf32, #tpu.memory_space<hbm>>
      %dma_start3A_20 = tpu.memref_squeeze %dma_start3A_19 : memref<1x40x125x16xf32, #tpu.memory_space<hbm>> -> memref<40x125x16xf32, #tpu.memory_space<hbm>>
      tpu.enqueue_dma source(%arg6 : memref<40x125x16xf32, #tpu.memory_space<vmem>>) target(%dma_start3A_20 : memref<40x125x16xf32, #tpu.memory_space<hbm>>) target_semaphore(%run_scoped3A : memref<!tpu.dma_semaphore, #tpu.memory_space<semaphore_mem>>)
      %dma_wait3A = arith.constant 0 : i32
      %dma_wait3A_21 = arith.constant 0 : i32
      %dma_wait3A_22 = arith.constant 0 : i32
      %dma_wait3A_23 = tpu.memref_slice %arg4[%add3A, %dma_wait3A, %dma_wait3A_21, %dma_wait3A_22] : memref<32x40x125x16xf32, #tpu.memory_space<hbm>> -> memref<1x40x125x16xf32, #tpu.memory_space<hbm>>
      %dma_wait3A_24 = tpu.memref_squeeze %dma_wait3A_23 : memref<1x40x125x16xf32, #tpu.memory_space<hbm>> -> memref<40x125x16xf32, #tpu.memory_space<hbm>>
      %dma_wait3A_25 = arith.constant 0 : i32
      %dma_wait3A_26 = arith.constant 0 : i32
      %dma_wait3A_27 = arith.constant 0 : i32
      %dma_wait3A_28 = tpu.memref_slice %arg4[%add3A, %dma_wait3A_25, %dma_wait3A_26, %dma_wait3A_27] : memref<32x40x125x16xf32, #tpu.memory_space<hbm>> -> memref<1x40x125x16xf32, #tpu.memory_space<hbm>>
      %dma_wait3A_29 = tpu.memref_squeeze %dma_wait3A_28 : memref<1x40x125x16xf32, #tpu.memory_space<hbm>> -> memref<40x125x16xf32, #tpu.memory_space<hbm>>
      tpu.wait_dma2 semaphore(%run_scoped3A : memref<!tpu.dma_semaphore, #tpu.memory_space<semaphore_mem>>) src(%arg6 : memref<40x125x16xf32, #tpu.memory_space<vmem>>) dst(%dma_wait3A_29 : memref<40x125x16xf32, #tpu.memory_space<hbm>>)
      tpu.yield
    }) : () -> ()
    return
  }
}

#map = affine_map<(d0, d1) -> (0, 0, 0, 0)>
#map1 = affine_map<(d0, d1) -> (0, 0, 0)>
module attributes {stable_mosaic.version = 14 : i64} {
  func.func @_sc_scatter_body(%arg0: i32, %arg1: i32, %arg2: memref<32x40x125x16xf32, #tpu.memory_space<hbm>>, %arg3: memref<32x40x125xi32, #tpu.memory_space<hbm>>, %arg4: memref<2x10000x16xf32, #tpu.memory_space<hbm>>, %arg5: memref<40x125xi32, #tpu.memory_space<vmem>>, %arg6: memref<40x125x16xf32, #tpu.memory_space<vmem>>, %arg7: memref<625x16xf32, #tpu.memory_space<vmem>>, %arg8: memref<10000x16xf32, #tpu.memory_space<vmem_shared>>) attributes {dimension_semantics = [#tpu.dimension_semantics<core_parallel>, #tpu.dimension_semantics<subcore_parallel>], iteration_bounds = array<i64: 2, 16>, scalar_prefetch = 0 : i64, scratch_operands = 4 : i64, tpu.core_type = #tpu.core_type<sc_vector_subcore>, window_params = [{transform_indices = #map}, {transform_indices = #map1}, {transform_indices = #map1}]} {
    %mul3A = arith.constant 16 : i32
    %mul3A_0 = arith.muli %arg0, %mul3A : i32
    %add3A = arith.addi %mul3A_0, %arg1 : i32
    %scan3A = arith.constant 0 : i32
    %scan3A_1 = arith.constant 0 : i32
    %scan3A_2 = arith.constant 625 : i32
    %scan3A_3 = arith.addi %scan3A_1, %scan3A_2 : i32
    %scan3A_4 = arith.constant 1 : i32
    scf.for %scan3A_19 = %scan3A_1 to %scan3A_3 step %scan3A_4  : i32 {
      %broadcast_in_dim3A = arith.constant 0.000000e+00 : f32
      %broadcast_in_dim3A_20 = vector.broadcast %broadcast_in_dim3A : f32 to vector<16xf32>
      %swap3A = arith.index_cast %scan3A_19 : i32 to index
      %swap3A_21 = arith.constant 0 : index
      %swap3A_22 = tpu.vector_load %arg7[%swap3A, %swap3A_21] {strides = array<i32>} : memref<625x16xf32, #tpu.memory_space<vmem>>, vector<1x16xf32>,
      %swap3A_23 = vector.shape_cast %swap3A_22 : vector<1x16xf32> to vector<16xf32>
      %swap3A_24 = vector.shape_cast %broadcast_in_dim3A_20 : vector<16xf32> to vector<1x16xf32>
      tpu.vector_store %arg7[%swap3A, %swap3A_21], %swap3A_24 {strides = array<i32>} : memref<625x16xf32, #tpu.memory_space<vmem>>, vector<1x16xf32>,
    }
    %scan3A_5 = arith.constant 625 : i32
    %mul3A_6 = arith.constant 625 : i32
    %mul3A_7 = arith.muli %arg1, %mul3A_6 : i32
    "tpu.region"() ({
      %run_scoped3A = tpu.sem_alloc : memref<!tpu.dma_semaphore, #tpu.memory_space<semaphore_mem>>
      %dma_start3A = arith.constant 0 : i32
      %dma_start3A_19 = tpu.memref_slice %arg8[%mul3A_7, %dma_start3A] : memref<10000x16xf32, #tpu.memory_space<vmem_shared>> -> memref<625x16xf32, #tpu.memory_space<vmem_shared>>
      %dma_start3A_20 = arith.constant 0 : i32
      %dma_start3A_21 = tpu.memref_slice %arg8[%mul3A_7, %dma_start3A_20] : memref<10000x16xf32, #tpu.memory_space<vmem_shared>> -> memref<625x16xf32, #tpu.memory_space<vmem_shared>>
      tpu.enqueue_dma source(%arg7 : memref<625x16xf32, #tpu.memory_space<vmem>>) target(%dma_start3A_21 : memref<625x16xf32, #tpu.memory_space<vmem_shared>>) target_semaphore(%run_scoped3A : memref<!tpu.dma_semaphore, #tpu.memory_space<semaphore_mem>>)
      %dma_wait3A = arith.constant 0 : i32
      %dma_wait3A_22 = tpu.memref_slice %arg8[%mul3A_7, %dma_wait3A] : memref<10000x16xf32, #tpu.memory_space<vmem_shared>> -> memref<625x16xf32, #tpu.memory_space<vmem_shared>>
      %dma_wait3A_23 = arith.constant 0 : i32
      %dma_wait3A_24 = tpu.memref_slice %arg8[%mul3A_7, %dma_wait3A_23] : memref<10000x16xf32, #tpu.memory_space<vmem_shared>> -> memref<625x16xf32, #tpu.memory_space<vmem_shared>>
      tpu.wait_dma2 semaphore(%run_scoped3A : memref<!tpu.dma_semaphore, #tpu.memory_space<semaphore_mem>>) src(%arg7 : memref<625x16xf32, #tpu.memory_space<vmem>>) dst(%dma_wait3A_24 : memref<625x16xf32, #tpu.memory_space<vmem_shared>>)
      tpu.yield
    }) : () -> ()
    "tpu.region"() ({
      %run_scoped3A = tpu.sem_alloc : memref<!tpu.dma_semaphore, #tpu.memory_space<semaphore_mem>>
      %dma_start3A = arith.constant 0 : i32
      %dma_start3A_19 = arith.constant 0 : i32
      %dma_start3A_20 = tpu.memref_slice %arg3[%add3A, %dma_start3A, %dma_start3A_19] : memref<32x40x125xi32, #tpu.memory_space<hbm>> -> memref<1x40x125xi32, #tpu.memory_space<hbm>>
      %dma_start3A_21 = tpu.memref_squeeze %dma_start3A_20 : memref<1x40x125xi32, #tpu.memory_space<hbm>> -> memref<40x125xi32, #tpu.memory_space<hbm>>
      %dma_start3A_22 = arith.constant 0 : i32
      %dma_start3A_23 = arith.constant 0 : i32
      %dma_start3A_24 = tpu.memref_slice %arg3[%add3A, %dma_start3A_22, %dma_start3A_23] : memref<32x40x125xi32, #tpu.memory_space<hbm>> -> memref<1x40x125xi32, #tpu.memory_space<hbm>>
      %dma_start3A_25 = tpu.memref_squeeze %dma_start3A_24 : memref<1x40x125xi32, #tpu.memory_space<hbm>> -> memref<40x125xi32, #tpu.memory_space<hbm>>
      tpu.enqueue_dma source(%dma_start3A_25 : memref<40x125xi32, #tpu.memory_space<hbm>>) target(%arg5 : memref<40x125xi32, #tpu.memory_space<vmem>>) target_semaphore(%run_scoped3A : memref<!tpu.dma_semaphore, #tpu.memory_space<semaphore_mem>>)
      %dma_wait3A = arith.constant 0 : i32
      %dma_wait3A_26 = arith.constant 0 : i32
      %dma_wait3A_27 = tpu.memref_slice %arg3[%add3A, %dma_wait3A, %dma_wait3A_26] : memref<32x40x125xi32, #tpu.memory_space<hbm>> -> memref<1x40x125xi32, #tpu.memory_space<hbm>>
      %dma_wait3A_28 = tpu.memref_squeeze %dma_wait3A_27 : memref<1x40x125xi32, #tpu.memory_space<hbm>> -> memref<40x125xi32, #tpu.memory_space<hbm>>
      %dma_wait3A_29 = arith.constant 0 : i32
      %dma_wait3A_30 = arith.constant 0 : i32
      %dma_wait3A_31 = tpu.memref_slice %arg3[%add3A, %dma_wait3A_29, %dma_wait3A_30] : memref<32x40x125xi32, #tpu.memory_space<hbm>> -> memref<1x40x125xi32, #tpu.memory_space<hbm>>
      %dma_wait3A_32 = tpu.memref_squeeze %dma_wait3A_31 : memref<1x40x125xi32, #tpu.memory_space<hbm>> -> memref<40x125xi32, #tpu.memory_space<hbm>>
      tpu.wait_dma2 semaphore(%run_scoped3A : memref<!tpu.dma_semaphore, #tpu.memory_space<semaphore_mem>>) src(%dma_wait3A_32 : memref<40x125xi32, #tpu.memory_space<hbm>>) dst(%arg5 : memref<40x125xi32, #tpu.memory_space<vmem>>)
      tpu.yield
    }) : () -> ()
    "tpu.region"() ({
      %run_scoped3A = tpu.sem_alloc : memref<!tpu.dma_semaphore, #tpu.memory_space<semaphore_mem>>
      %dma_start3A = arith.constant 0 : i32
      %dma_start3A_19 = arith.constant 0 : i32
      %dma_start3A_20 = arith.constant 0 : i32
      %dma_start3A_21 = tpu.memref_slice %arg2[%add3A, %dma_start3A, %dma_start3A_19, %dma_start3A_20] : memref<32x40x125x16xf32, #tpu.memory_space<hbm>> -> memref<1x40x125x16xf32, #tpu.memory_space<hbm>>
      %dma_start3A_22 = tpu.memref_squeeze %dma_start3A_21 : memref<1x40x125x16xf32, #tpu.memory_space<hbm>> -> memref<40x125x16xf32, #tpu.memory_space<hbm>>
      %dma_start3A_23 = arith.constant 0 : i32
      %dma_start3A_24 = arith.constant 0 : i32
      %dma_start3A_25 = arith.constant 0 : i32
      %dma_start3A_26 = tpu.memref_slice %arg2[%add3A, %dma_start3A_23, %dma_start3A_24, %dma_start3A_25] : memref<32x40x125x16xf32, #tpu.memory_space<hbm>> -> memref<1x40x125x16xf32, #tpu.memory_space<hbm>>
      %dma_start3A_27 = tpu.memref_squeeze %dma_start3A_26 : memref<1x40x125x16xf32, #tpu.memory_space<hbm>> -> memref<40x125x16xf32, #tpu.memory_space<hbm>>
      tpu.enqueue_dma source(%dma_start3A_27 : memref<40x125x16xf32, #tpu.memory_space<hbm>>) target(%arg6 : memref<40x125x16xf32, #tpu.memory_space<vmem>>) target_semaphore(%run_scoped3A : memref<!tpu.dma_semaphore, #tpu.memory_space<semaphore_mem>>)
      %dma_wait3A = arith.constant 0 : i32
      %dma_wait3A_28 = arith.constant 0 : i32
      %dma_wait3A_29 = arith.constant 0 : i32
      %dma_wait3A_30 = tpu.memref_slice %arg2[%add3A, %dma_wait3A, %dma_wait3A_28, %dma_wait3A_29] : memref<32x40x125x16xf32, #tpu.memory_space<hbm>> -> memref<1x40x125x16xf32, #tpu.memory_space<hbm>>
      %dma_wait3A_31 = tpu.memref_squeeze %dma_wait3A_30 : memref<1x40x125x16xf32, #tpu.memory_space<hbm>> -> memref<40x125x16xf32, #tpu.memory_space<hbm>>
      %dma_wait3A_32 = arith.constant 0 : i32
      %dma_wait3A_33 = arith.constant 0 : i32
      %dma_wait3A_34 = arith.constant 0 : i32
      %dma_wait3A_35 = tpu.memref_slice %arg2[%add3A, %dma_wait3A_32, %dma_wait3A_33, %dma_wait3A_34] : memref<32x40x125x16xf32, #tpu.memory_space<hbm>> -> memref<1x40x125x16xf32, #tpu.memory_space<hbm>>
      %dma_wait3A_36 = tpu.memref_squeeze %dma_wait3A_35 : memref<1x40x125x16xf32, #tpu.memory_space<hbm>> -> memref<40x125x16xf32, #tpu.memory_space<hbm>>
      tpu.wait_dma2 semaphore(%run_scoped3A : memref<!tpu.dma_semaphore, #tpu.memory_space<semaphore_mem>>) src(%dma_wait3A_36 : memref<40x125x16xf32, #tpu.memory_space<hbm>>) dst(%arg6 : memref<40x125x16xf32, #tpu.memory_space<vmem>>)
      tpu.yield
    }) : () -> ()
    %barrier3A = arith.constant 0 : index
    tpu.barrier barrier_id(%barrier3A)
    %scan3A_8 = arith.constant 0 : i32
    %scan3A_9 = arith.constant 0 : i32
    %scan3A_10 = arith.constant 40 : i32
    %scan3A_11 = arith.addi %scan3A_9, %scan3A_10 : i32
    %scan3A_12 = arith.constant 1 : i32
    scf.for %scan3A_19 = %scan3A_9 to %scan3A_11 step %scan3A_12  : i32 {
      "tpu.region"() ({
        %run_scoped3A = tpu.sem_alloc : memref<!tpu.dma_semaphore, #tpu.memory_space<semaphore_mem>>
        %dma_start3A = arith.constant 0 : i32
        %dma_start3A_20 = arith.constant 0 : i32
        %dma_start3A_21 = tpu.memref_slice %arg6[%scan3A_19, %dma_start3A, %dma_start3A_20] : memref<40x125x16xf32, #tpu.memory_space<vmem>> -> memref<1x125x16xf32, #tpu.memory_space<vmem>>
        %dma_start3A_22 = tpu.memref_squeeze %dma_start3A_21 : memref<1x125x16xf32, #tpu.memory_space<vmem>> -> memref<125x16xf32, #tpu.memory_space<vmem>>
        %dma_start3A_23 = arith.constant 0 : i32
        %dma_start3A_24 = tpu.memref_slice %arg5[%scan3A_19, %dma_start3A_23] : memref<40x125xi32, #tpu.memory_space<vmem>> -> memref<1x125xi32, #tpu.memory_space<vmem>>
        %dma_start3A_25 = tpu.memref_squeeze %dma_start3A_24 : memref<1x125xi32, #tpu.memory_space<vmem>> -> memref<125xi32, #tpu.memory_space<vmem>>
        %dma_start3A_26 = arith.constant 0 : i32
        %dma_start3A_27 = arith.constant 0 : i32
        %dma_start3A_28 = tpu.memref_slice %arg8[%dma_start3A_26, %dma_start3A_27] : memref<10000x16xf32, #tpu.memory_space<vmem_shared>> -> memref<10000x16xf32, #tpu.memory_space<vmem_shared>>
        tpu.enqueue_indirect_dma source(%dma_start3A_22 : memref<125x16xf32, #tpu.memory_space<vmem>>) target(%dma_start3A_28 : memref<10000x16xf32, #tpu.memory_space<vmem_shared>>) offsets(%dma_start3A_25 : memref<125xi32, #tpu.memory_space<vmem>>) semaphore(%run_scoped3A : memref<!tpu.dma_semaphore, #tpu.memory_space<semaphore_mem>>) {add = true}
        %dma_wait3A = arith.constant 0 : i32
        %dma_wait3A_29 = arith.constant 0 : i32
        %dma_wait3A_30 = tpu.memref_slice %arg6[%scan3A_19, %dma_wait3A, %dma_wait3A_29] : memref<40x125x16xf32, #tpu.memory_space<vmem>> -> memref<1x125x16xf32, #tpu.memory_space<vmem>>
        %dma_wait3A_31 = tpu.memref_squeeze %dma_wait3A_30 : memref<1x125x16xf32, #tpu.memory_space<vmem>> -> memref<125x16xf32, #tpu.memory_space<vmem>>
        %dma_wait3A_32 = arith.constant 0 : i32
        %dma_wait3A_33 = tpu.memref_slice %arg5[%scan3A_19, %dma_wait3A_32] : memref<40x125xi32, #tpu.memory_space<vmem>> -> memref<1x125xi32, #tpu.memory_space<vmem>>
        %dma_wait3A_34 = tpu.memref_squeeze %dma_wait3A_33 : memref<1x125xi32, #tpu.memory_space<vmem>> -> memref<125xi32, #tpu.memory_space<vmem>>
        %dma_wait3A_35 = arith.constant 0 : i32
        %dma_wait3A_36 = arith.constant 0 : i32
        %dma_wait3A_37 = tpu.memref_slice %arg8[%dma_wait3A_35, %dma_wait3A_36] : memref<10000x16xf32, #tpu.memory_space<vmem_shared>> -> memref<10000x16xf32, #tpu.memory_space<vmem_shared>>
        tpu.wait_indirect_dma semaphore(%run_scoped3A : memref<!tpu.dma_semaphore, #tpu.memory_space<semaphore_mem>>) src(%dma_wait3A_31 : memref<125x16xf32, #tpu.memory_space<vmem>>) dst(%dma_wait3A_37 : memref<10000x16xf32, #tpu.memory_space<vmem_shared>>)
        tpu.yield
      }) : () -> ()
    }
    %scan3A_13 = arith.constant 40 : i32
    %barrier3A_14 = arith.constant 0 : index
    tpu.barrier barrier_id(%barrier3A_14)
    %mul3A_15 = arith.constant 625 : i32
    %mul3A_16 = arith.muli %arg1, %mul3A_15 : i32
    %mul3A_17 = arith.constant 625 : i32
    %mul3A_18 = arith.muli %arg1, %mul3A_17 : i32
    "tpu.region"() ({
      %run_scoped3A = tpu.sem_alloc : memref<!tpu.dma_semaphore, #tpu.memory_space<semaphore_mem>>
      %dma_start3A = arith.constant 0 : i32
      %dma_start3A_19 = tpu.memref_slice %arg4[%arg0, %mul3A_18, %dma_start3A] : memref<2x10000x16xf32, #tpu.memory_space<hbm>> -> memref<1x625x16xf32, #tpu.memory_space<hbm>>
      %dma_start3A_20 = tpu.memref_squeeze %dma_start3A_19 : memref<1x625x16xf32, #tpu.memory_space<hbm>> -> memref<625x16xf32, #tpu.memory_space<hbm>>
      %dma_start3A_21 = arith.constant 0 : i32
      %dma_start3A_22 = tpu.memref_slice %arg8[%mul3A_16, %dma_start3A_21] : memref<10000x16xf32, #tpu.memory_space<vmem_shared>> -> memref<625x16xf32, #tpu.memory_space<vmem_shared>>
      tpu.enqueue_dma source(%dma_start3A_22 : memref<625x16xf32, #tpu.memory_space<vmem_shared>>) target(%dma_start3A_20 : memref<625x16xf32, #tpu.memory_space<hbm>>) target_semaphore(%run_scoped3A : memref<!tpu.dma_semaphore, #tpu.memory_space<semaphore_mem>>)
      %dma_wait3A = arith.constant 0 : i32
      %dma_wait3A_23 = tpu.memref_slice %arg4[%arg0, %mul3A_18, %dma_wait3A] : memref<2x10000x16xf32, #tpu.memory_space<hbm>> -> memref<1x625x16xf32, #tpu.memory_space<hbm>>
      %dma_wait3A_24 = tpu.memref_squeeze %dma_wait3A_23 : memref<1x625x16xf32, #tpu.memory_space<hbm>> -> memref<625x16xf32, #tpu.memory_space<hbm>>
      %dma_wait3A_25 = arith.constant 0 : i32
      %dma_wait3A_26 = tpu.memref_slice %arg8[%mul3A_16, %dma_wait3A_25] : memref<10000x16xf32, #tpu.memory_space<vmem_shared>> -> memref<625x16xf32, #tpu.memory_space<vmem_shared>>
      tpu.wait_dma2 semaphore(%run_scoped3A : memref<!tpu.dma_semaphore, #tpu.memory_space<semaphore_mem>>) src(%dma_wait3A_26 : memref<625x16xf32, #tpu.memory_space<vmem_shared>>) dst(%dma_wait3A_24 : memref<625x16xf32, #tpu.memory_space<hbm>>)
      tpu.yield
    }) : () -> ()
    return
  }
}

module attributes {stable_mosaic.version = 14 : i64} {
  func.func @_proj_body(%arg0: memref<10000x128xf32, #tpu.memory_space<vmem>>, %arg1: memref<128x16xf32, #tpu.memory_space<vmem>>, %arg2: memref<1x16xf32, #tpu.memory_space<vmem>>, %arg3: memref<1250x128xf32, #tpu.memory_space<vmem>>) attributes {dimension_semantics = [], scalar_prefetch = 0 : i64, scratch_operands = 0 : i64, tpu.core_type = #tpu.core_type<tc>} {
    %get3A = arith.constant 0 : index
    %get3A_0 = arith.constant 0 : index
    %get3A_1 = vector.load %arg0[%get3A, %get3A_0] : memref<10000x128xf32, #tpu.memory_space<vmem>>, vector<10000x128xf32>
    %get3A_2 = arith.constant 0 : index
    %get3A_3 = arith.constant 0 : index
    %get3A_4 = vector.load %arg1[%get3A_2, %get3A_3] : memref<128x16xf32, #tpu.memory_space<vmem>>, vector<128x16xf32>
    %dot_general3A = arith.constant dense<0.000000e+00> : vector<10000x16xf32>
    %dot_general3A_5 = tpu.matmul %get3A_1, %get3A_4, %dot_general3A {dimension_numbers = #tpu.dot_dimension_numbers<[1], [0], [0], [1], [0, 0, 1, 1], [], []>, transpose_lhs_hint = false} : vector<10000x128xf32>, vector<128x16xf32>, vector<10000x16xf32> -> vector<10000x16xf32>
    %get3A_6 = arith.constant 0 : index
    %get3A_7 = arith.constant 0 : index
    %get3A_8 = vector.load %arg2[%get3A_6, %get3A_7] : memref<1x16xf32, #tpu.memory_space<vmem>>, vector<1x16xf32>
    %add3A = vector.broadcast %get3A_8 : vector<1x16xf32> to vector<10000x16xf32>
    %add3A_9 = arith.addf %dot_general3A_5, %add3A : vector<10000x16xf32>
    %max3A = arith.constant 0.000000e+00 : f32
    %max3A_10 = vector.broadcast %max3A : f32 to vector<10000x16xf32>
    %max3A_11 = arith.maximumf %add3A_9, %max3A_10 : vector<10000x16xf32>
    %slice3A = vector.extract_strided_slice %max3A_11 {offsets = [0, 0], sizes = [1250, 16], strides = [1, 1]} : vector<10000x16xf32> to vector<1250x16xf32>
    %swap3A = arith.constant 0 : index
    %swap3A_12 = arith.constant 0 : index
    %swap3A_13 = vector.load %arg3[%swap3A, %swap3A_12] : memref<1250x128xf32, #tpu.memory_space<vmem>>, vector<1250x16xf32>
    tpu.vector_store %arg3[%swap3A, %swap3A_12], %slice3A {strides = array<i32>} : memref<1250x128xf32, #tpu.memory_space<vmem>>, vector<1250x16xf32>,
    %slice3A_14 = vector.extract_strided_slice %max3A_11 {offsets = [1250, 0], sizes = [1250, 16], strides = [1, 1]} : vector<10000x16xf32> to vector<1250x16xf32>
    %swap3A_15 = arith.constant 0 : index
    %swap3A_16 = arith.constant 16 : index
    %swap3A_17 = vector.load %arg3[%swap3A_15, %swap3A_16] : memref<1250x128xf32, #tpu.memory_space<vmem>>, vector<1250x16xf32>
    tpu.vector_store %arg3[%swap3A_15, %swap3A_16], %slice3A_14 {strides = array<i32>} : memref<1250x128xf32, #tpu.memory_space<vmem>>, vector<1250x16xf32>,
    %slice3A_18 = vector.extract_strided_slice %max3A_11 {offsets = [2500, 0], sizes = [1250, 16], strides = [1, 1]} : vector<10000x16xf32> to vector<1250x16xf32>
    %swap3A_19 = arith.constant 0 : index
    %swap3A_20 = arith.constant 32 : index
    %swap3A_21 = vector.load %arg3[%swap3A_19, %swap3A_20] : memref<1250x128xf32, #tpu.memory_space<vmem>>, vector<1250x16xf32>
    tpu.vector_store %arg3[%swap3A_19, %swap3A_20], %slice3A_18 {strides = array<i32>} : memref<1250x128xf32, #tpu.memory_space<vmem>>, vector<1250x16xf32>,
    %slice3A_22 = vector.extract_strided_slice %max3A_11 {offsets = [3750, 0], sizes = [1250, 16], strides = [1, 1]} : vector<10000x16xf32> to vector<1250x16xf32>
    %swap3A_23 = arith.constant 0 : index
    %swap3A_24 = arith.constant 48 : index
    %swap3A_25 = vector.load %arg3[%swap3A_23, %swap3A_24] : memref<1250x128xf32, #tpu.memory_space<vmem>>, vector<1250x16xf32>
    tpu.vector_store %arg3[%swap3A_23, %swap3A_24], %slice3A_22 {strides = array<i32>} : memref<1250x128xf32, #tpu.memory_space<vmem>>, vector<1250x16xf32>,
    %slice3A_26 = vector.extract_strided_slice %max3A_11 {offsets = [5000, 0], sizes = [1250, 16], strides = [1, 1]} : vector<10000x16xf32> to vector<1250x16xf32>
    %swap3A_27 = arith.constant 0 : index
    %swap3A_28 = arith.constant 64 : index
    %swap3A_29 = vector.load %arg3[%swap3A_27, %swap3A_28] : memref<1250x128xf32, #tpu.memory_space<vmem>>, vector<1250x16xf32>
    tpu.vector_store %arg3[%swap3A_27, %swap3A_28], %slice3A_26 {strides = array<i32>} : memref<1250x128xf32, #tpu.memory_space<vmem>>, vector<1250x16xf32>,
    %slice3A_30 = vector.extract_strided_slice %max3A_11 {offsets = [6250, 0], sizes = [1250, 16], strides = [1, 1]} : vector<10000x16xf32> to vector<1250x16xf32>
    %swap3A_31 = arith.constant 0 : index
    %swap3A_32 = arith.constant 80 : index
    %swap3A_33 = vector.load %arg3[%swap3A_31, %swap3A_32] : memref<1250x128xf32, #tpu.memory_space<vmem>>, vector<1250x16xf32>
    tpu.vector_store %arg3[%swap3A_31, %swap3A_32], %slice3A_30 {strides = array<i32>} : memref<1250x128xf32, #tpu.memory_space<vmem>>, vector<1250x16xf32>,
    %slice3A_34 = vector.extract_strided_slice %max3A_11 {offsets = [7500, 0], sizes = [1250, 16], strides = [1, 1]} : vector<10000x16xf32> to vector<1250x16xf32>
    %swap3A_35 = arith.constant 0 : index
    %swap3A_36 = arith.constant 96 : index
    %swap3A_37 = vector.load %arg3[%swap3A_35, %swap3A_36] : memref<1250x128xf32, #tpu.memory_space<vmem>>, vector<1250x16xf32>
    tpu.vector_store %arg3[%swap3A_35, %swap3A_36], %slice3A_34 {strides = array<i32>} : memref<1250x128xf32, #tpu.memory_space<vmem>>, vector<1250x16xf32>,
    %slice3A_38 = vector.extract_strided_slice %max3A_11 {offsets = [8750, 0], sizes = [1250, 16], strides = [1, 1]} : vector<10000x16xf32> to vector<1250x16xf32>
    %swap3A_39 = arith.constant 0 : index
    %swap3A_40 = arith.constant 112 : index
    %swap3A_41 = vector.load %arg3[%swap3A_39, %swap3A_40] : memref<1250x128xf32, #tpu.memory_space<vmem>>, vector<1250x16xf32>
    tpu.vector_store %arg3[%swap3A_39, %swap3A_40], %slice3A_38 {strides = array<i32>} : memref<1250x128xf32, #tpu.memory_space<vmem>>, vector<1250x16xf32>,
    return
  }
}

module attributes {stable_mosaic.version = 14 : i64} {
  func.func @_msg_body(%arg0: i32, %arg1: memref<2000x128xf32, #tpu.memory_space<vmem>>, %arg2: memref<2000x128xf32, #tpu.memory_space<vmem>>, %arg3: memref<16x128xf32, #tpu.memory_space<vmem>>, %arg4: memref<1x128xf32, #tpu.memory_space<vmem>>, %arg5: memref<128x256xf32, #tpu.memory_space<vmem>>, %arg6: memref<1x256xf32, #tpu.memory_space<vmem>>, %arg7: memref<16x256xf32, #tpu.memory_space<vmem>>, %arg8: memref<256x16xf32, #tpu.memory_space<vmem>>, %arg9: memref<2000x128xf32, #tpu.memory_space<vmem>>) attributes {dimension_semantics = [#tpu.dimension_semantics<arbitrary>], iteration_bounds = array<i64: 10>, scalar_prefetch = 0 : i64, scratch_operands = 0 : i64, tpu.core_type = #tpu.core_type<tc>, window_params = [{transform_indices = @transform_0, window_bounds = array<i64: 2000, 128>}, {transform_indices = @transform_1, window_bounds = array<i64: 2000, 128>}, {pipeline_mode = #tpu.pipeline_mode<synchronous>, transform_indices = @transform_2, window_bounds = array<i64: 16, 128>}, {pipeline_mode = #tpu.pipeline_mode<synchronous>, transform_indices = @transform_3, window_bounds = array<i64: 1, 128>}, {pipeline_mode = #tpu.pipeline_mode<synchronous>, transform_indices = @transform_4, window_bounds = array<i64: 128, 256>}, {pipeline_mode = #tpu.pipeline_mode<synchronous>, transform_indices = @transform_5, window_bounds = array<i64: 1, 256>}, {pipeline_mode = #tpu.pipeline_mode<synchronous>, transform_indices = @transform_6, window_bounds = array<i64: 16, 256>}, {pipeline_mode = #tpu.pipeline_mode<synchronous>, transform_indices = @transform_7, window_bounds = array<i64: 256, 16>}, {transform_indices = @transform_8, window_bounds = array<i64: 2000, 128>}]} {
    %get3A = arith.constant 0 : index
    %get3A_0 = arith.constant 0 : index
    %get3A_1 = vector.load %arg1[%get3A, %get3A_0] : memref<2000x128xf32, #tpu.memory_space<vmem>>, vector<2000x128xf32>
    %get3A_2 = arith.constant 0 : index
    %get3A_3 = arith.constant 0 : index
    %get3A_4 = vector.load %arg2[%get3A_2, %get3A_3] : memref<2000x128xf32, #tpu.memory_space<vmem>>, vector<2000x128xf32>
    %get3A_5 = arith.constant 0 : index
    %get3A_6 = arith.constant 0 : index
    %get3A_7 = vector.load %arg3[%get3A_5, %get3A_6] : memref<16x128xf32, #tpu.memory_space<vmem>>, vector<16x128xf32>
    %convert_element_type3A = arith.truncf %get3A_7 : vector<16x128xf32> to vector<16x128xbf16>
    %get3A_8 = arith.constant 0 : index
    %get3A_9 = arith.constant 0 : index
    %get3A_10 = vector.load %arg4[%get3A_8, %get3A_9] : memref<1x128xf32, #tpu.memory_space<vmem>>, vector<1x128xf32>
    %get3A_11 = arith.constant 0 : index
    %get3A_12 = arith.constant 0 : index
    %get3A_13 = vector.load %arg5[%get3A_11, %get3A_12] : memref<128x256xf32, #tpu.memory_space<vmem>>, vector<128x256xf32>
    %convert_element_type3A_14 = arith.truncf %get3A_13 : vector<128x256xf32> to vector<128x256xbf16>
    %get3A_15 = arith.constant 0 : index
    %get3A_16 = arith.constant 0 : index
    %get3A_17 = vector.load %arg6[%get3A_15, %get3A_16] : memref<1x256xf32, #tpu.memory_space<vmem>>, vector<1x256xf32>
    %get3A_18 = arith.constant 0 : index
    %get3A_19 = arith.constant 0 : index
    %get3A_20 = vector.load %arg7[%get3A_18, %get3A_19] : memref<16x256xf32, #tpu.memory_space<vmem>>, vector<16x256xf32>
    %get3A_21 = arith.constant 0 : index
    %get3A_22 = arith.constant 0 : index
    %get3A_23 = vector.load %arg8[%get3A_21, %get3A_22] : memref<256x16xf32, #tpu.memory_space<vmem>>, vector<256x16xf32>
    %slice3A = vector.extract_strided_slice %get3A_1 {offsets = [0, 0], sizes = [2000, 16], strides = [1, 1]} : vector<2000x128xf32> to vector<2000x16xf32>
    %slice3A_24 = vector.extract_strided_slice %get3A_1 {offsets = [0, 16], sizes = [2000, 16], strides = [1, 1]} : vector<2000x128xf32> to vector<2000x16xf32>
    %slice3A_25 = vector.extract_strided_slice %get3A_1 {offsets = [0, 32], sizes = [2000, 16], strides = [1, 1]} : vector<2000x128xf32> to vector<2000x16xf32>
    %slice3A_26 = vector.extract_strided_slice %get3A_1 {offsets = [0, 48], sizes = [2000, 16], strides = [1, 1]} : vector<2000x128xf32> to vector<2000x16xf32>
    %slice3A_27 = vector.extract_strided_slice %get3A_1 {offsets = [0, 64], sizes = [2000, 16], strides = [1, 1]} : vector<2000x128xf32> to vector<2000x16xf32>
    %slice3A_28 = vector.extract_strided_slice %get3A_1 {offsets = [0, 80], sizes = [2000, 16], strides = [1, 1]} : vector<2000x128xf32> to vector<2000x16xf32>
    %slice3A_29 = vector.extract_strided_slice %get3A_1 {offsets = [0, 96], sizes = [2000, 16], strides = [1, 1]} : vector<2000x128xf32> to vector<2000x16xf32>
    %slice3A_30 = vector.extract_strided_slice %get3A_1 {offsets = [0, 112], sizes = [2000, 16], strides = [1, 1]} : vector<2000x128xf32> to vector<2000x16xf32>
    %concatenate3A = tpu.concatenate %slice3A, %slice3A_24, %slice3A_25, %slice3A_26, %slice3A_27, %slice3A_28, %slice3A_29, %slice3A_30 in 0 : vector<2000x16xf32>, vector<2000x16xf32>, vector<2000x16xf32>, vector<2000x16xf32>, vector<2000x16xf32>, vector<2000x16xf32>, vector<2000x16xf32>, vector<2000x16xf32> -> vector<16000x16xf32>
    %convert_element_type3A_31 = arith.truncf %concatenate3A : vector<16000x16xf32> to vector<16000x16xbf16>
    %slice3A_32 = vector.extract_strided_slice %get3A_4 {offsets = [0, 0], sizes = [2000, 16], strides = [1, 1]} : vector<2000x128xf32> to vector<2000x16xf32>
    %slice3A_33 = vector.extract_strided_slice %get3A_4 {offsets = [0, 16], sizes = [2000, 16], strides = [1, 1]} : vector<2000x128xf32> to vector<2000x16xf32>
    %slice3A_34 = vector.extract_strided_slice %get3A_4 {offsets = [0, 32], sizes = [2000, 16], strides = [1, 1]} : vector<2000x128xf32> to vector<2000x16xf32>
    %slice3A_35 = vector.extract_strided_slice %get3A_4 {offsets = [0, 48], sizes = [2000, 16], strides = [1, 1]} : vector<2000x128xf32> to vector<2000x16xf32>
    %slice3A_36 = vector.extract_strided_slice %get3A_4 {offsets = [0, 64], sizes = [2000, 16], strides = [1, 1]} : vector<2000x128xf32> to vector<2000x16xf32>
    %slice3A_37 = vector.extract_strided_slice %get3A_4 {offsets = [0, 80], sizes = [2000, 16], strides = [1, 1]} : vector<2000x128xf32> to vector<2000x16xf32>
    %slice3A_38 = vector.extract_strided_slice %get3A_4 {offsets = [0, 96], sizes = [2000, 16], strides = [1, 1]} : vector<2000x128xf32> to vector<2000x16xf32>
    %slice3A_39 = vector.extract_strided_slice %get3A_4 {offsets = [0, 112], sizes = [2000, 16], strides = [1, 1]} : vector<2000x128xf32> to vector<2000x16xf32>
    %concatenate3A_40 = tpu.concatenate %slice3A_32, %slice3A_33, %slice3A_34, %slice3A_35, %slice3A_36, %slice3A_37, %slice3A_38, %slice3A_39 in 0 : vector<2000x16xf32>, vector<2000x16xf32>, vector<2000x16xf32>, vector<2000x16xf32>, vector<2000x16xf32>, vector<2000x16xf32>, vector<2000x16xf32>, vector<2000x16xf32> -> vector<16000x16xf32>
    %dot_general3A = arith.constant dense<0.000000e+00> : vector<16000x128xf32>
    %dot_general3A_41 = tpu.matmul %convert_element_type3A_31, %convert_element_type3A, %dot_general3A {dimension_numbers = #tpu.dot_dimension_numbers<[1], [0], [0], [1], [0, 0, 1, 1], [], []>, transpose_lhs_hint = false} : vector<16000x16xbf16>, vector<16x128xbf16>, vector<16000x128xf32> -> vector<16000x128xf32>
    %add3A = vector.broadcast %get3A_10 : vector<1x128xf32> to vector<16000x128xf32>
    %add3A_42 = arith.addf %dot_general3A_41, %add3A : vector<16000x128xf32>
    %max3A = arith.constant 0.000000e+00 : f32
    %max3A_43 = vector.broadcast %max3A : f32 to vector<16000x128xf32>
    %max3A_44 = arith.maximumf %add3A_42, %max3A_43 : vector<16000x128xf32>
    %convert_element_type3A_45 = arith.truncf %max3A_44 : vector<16000x128xf32> to vector<16000x128xbf16>
    %dot_general3A_46 = arith.constant dense<0.000000e+00> : vector<16000x256xf32>
    %dot_general3A_47 = tpu.matmul %convert_element_type3A_45, %convert_element_type3A_14, %dot_general3A_46 {dimension_numbers = #tpu.dot_dimension_numbers<[1], [0], [0], [1], [0, 0, 1, 1], [], []>, transpose_lhs_hint = false} : vector<16000x128xbf16>, vector<128x256xbf16>, vector<16000x256xf32> -> vector<16000x256xf32>
    %add3A_48 = vector.broadcast %get3A_17 : vector<1x256xf32> to vector<16000x256xf32>
    %add3A_49 = arith.addf %dot_general3A_47, %add3A_48 : vector<16000x256xf32>
    %dot_general3A_50 = arith.constant dense<0.000000e+00> : vector<16000x256xf32>
    %dot_general3A_51 = tpu.matmul %concatenate3A_40, %get3A_20, %dot_general3A_50 {dimension_numbers = #tpu.dot_dimension_numbers<[1], [0], [0], [1], [0, 0, 1, 1], [], []>, transpose_lhs_hint = false} : vector<16000x16xf32>, vector<16x256xf32>, vector<16000x256xf32> -> vector<16000x256xf32>
    %mul3A = arith.mulf %dot_general3A_51, %add3A_49 : vector<16000x256xf32>
    %dot_general3A_52 = arith.constant dense<0.000000e+00> : vector<16000x16xf32>
    %dot_general3A_53 = tpu.matmul %mul3A, %get3A_23, %dot_general3A_52 {dimension_numbers = #tpu.dot_dimension_numbers<[1], [0], [0], [1], [0, 0, 1, 1], [], []>, transpose_lhs_hint = false} : vector<16000x256xf32>, vector<256x16xf32>, vector<16000x16xf32> -> vector<16000x16xf32>
    %slice3A_54 = vector.extract_strided_slice %dot_general3A_53 {offsets = [0, 0], sizes = [2000, 16], strides = [1, 1]} : vector<16000x16xf32> to vector<2000x16xf32>
    %swap3A = arith.constant 0 : index
    %swap3A_55 = arith.constant 0 : index
    %swap3A_56 = vector.load %arg9[%swap3A, %swap3A_55] : memref<2000x128xf32, #tpu.memory_space<vmem>>, vector<2000x16xf32>
    tpu.vector_store %arg9[%swap3A, %swap3A_55], %slice3A_54 {strides = array<i32>} : memref<2000x128xf32, #tpu.memory_space<vmem>>, vector<2000x16xf32>,
    %slice3A_57 = vector.extract_strided_slice %dot_general3A_53 {offsets = [2000, 0], sizes = [2000, 16], strides = [1, 1]} : vector<16000x16xf32> to vector<2000x16xf32>
    %swap3A_58 = arith.constant 0 : index
    %swap3A_59 = arith.constant 16 : index
    %swap3A_60 = vector.load %arg9[%swap3A_58, %swap3A_59] : memref<2000x128xf32, #tpu.memory_space<vmem>>, vector<2000x16xf32>
    tpu.vector_store %arg9[%swap3A_58, %swap3A_59], %slice3A_57 {strides = array<i32>} : memref<2000x128xf32, #tpu.memory_space<vmem>>, vector<2000x16xf32>,
    %slice3A_61 = vector.extract_strided_slice %dot_general3A_53 {offsets = [4000, 0], sizes = [2000, 16], strides = [1, 1]} : vector<16000x16xf32> to vector<2000x16xf32>
    %swap3A_62 = arith.constant 0 : index
    %swap3A_63 = arith.constant 32 : index
    %swap3A_64 = vector.load %arg9[%swap3A_62, %swap3A_63] : memref<2000x128xf32, #tpu.memory_space<vmem>>, vector<2000x16xf32>
    tpu.vector_store %arg9[%swap3A_62, %swap3A_63], %slice3A_61 {strides = array<i32>} : memref<2000x128xf32, #tpu.memory_space<vmem>>, vector<2000x16xf32>,
    %slice3A_65 = vector.extract_strided_slice %dot_general3A_53 {offsets = [6000, 0], sizes = [2000, 16], strides = [1, 1]} : vector<16000x16xf32> to vector<2000x16xf32>
    %swap3A_66 = arith.constant 0 : index
    %swap3A_67 = arith.constant 48 : index
    %swap3A_68 = vector.load %arg9[%swap3A_66, %swap3A_67] : memref<2000x128xf32, #tpu.memory_space<vmem>>, vector<2000x16xf32>
    tpu.vector_store %arg9[%swap3A_66, %swap3A_67], %slice3A_65 {strides = array<i32>} : memref<2000x128xf32, #tpu.memory_space<vmem>>, vector<2000x16xf32>,
    %slice3A_69 = vector.extract_strided_slice %dot_general3A_53 {offsets = [8000, 0], sizes = [2000, 16], strides = [1, 1]} : vector<16000x16xf32> to vector<2000x16xf32>
    %swap3A_70 = arith.constant 0 : index
    %swap3A_71 = arith.constant 64 : index
    %swap3A_72 = vector.load %arg9[%swap3A_70, %swap3A_71] : memref<2000x128xf32, #tpu.memory_space<vmem>>, vector<2000x16xf32>
    tpu.vector_store %arg9[%swap3A_70, %swap3A_71], %slice3A_69 {strides = array<i32>} : memref<2000x128xf32, #tpu.memory_space<vmem>>, vector<2000x16xf32>,
    %slice3A_73 = vector.extract_strided_slice %dot_general3A_53 {offsets = [10000, 0], sizes = [2000, 16], strides = [1, 1]} : vector<16000x16xf32> to vector<2000x16xf32>
    %swap3A_74 = arith.constant 0 : index
    %swap3A_75 = arith.constant 80 : index
    %swap3A_76 = vector.load %arg9[%swap3A_74, %swap3A_75] : memref<2000x128xf32, #tpu.memory_space<vmem>>, vector<2000x16xf32>
    tpu.vector_store %arg9[%swap3A_74, %swap3A_75], %slice3A_73 {strides = array<i32>} : memref<2000x128xf32, #tpu.memory_space<vmem>>, vector<2000x16xf32>,
    %slice3A_77 = vector.extract_strided_slice %dot_general3A_53 {offsets = [12000, 0], sizes = [2000, 16], strides = [1, 1]} : vector<16000x16xf32> to vector<2000x16xf32>
    %swap3A_78 = arith.constant 0 : index
    %swap3A_79 = arith.constant 96 : index
    %swap3A_80 = vector.load %arg9[%swap3A_78, %swap3A_79] : memref<2000x128xf32, #tpu.memory_space<vmem>>, vector<2000x16xf32>
    tpu.vector_store %arg9[%swap3A_78, %swap3A_79], %slice3A_77 {strides = array<i32>} : memref<2000x128xf32, #tpu.memory_space<vmem>>, vector<2000x16xf32>,
    %slice3A_81 = vector.extract_strided_slice %dot_general3A_53 {offsets = [14000, 0], sizes = [2000, 16], strides = [1, 1]} : vector<16000x16xf32> to vector<2000x16xf32>
    %swap3A_82 = arith.constant 0 : index
    %swap3A_83 = arith.constant 112 : index
    %swap3A_84 = vector.load %arg9[%swap3A_82, %swap3A_83] : memref<2000x128xf32, #tpu.memory_space<vmem>>, vector<2000x16xf32>
    tpu.vector_store %arg9[%swap3A_82, %swap3A_83], %slice3A_81 {strides = array<i32>} : memref<2000x128xf32, #tpu.memory_space<vmem>>, vector<2000x16xf32>,
    return
  }
  func.func @transform_0(%arg0: i32) -> (i32, i32) {
    %c0_i32 = arith.constant 0 : i32
    %c0_i32_0 = arith.constant 0 : i32
    return %arg0, %c0_i32 : i32, i32
  }
  func.func @transform_1(%arg0: i32) -> (i32, i32) {
    %c0_i32 = arith.constant 0 : i32
    %c0_i32_0 = arith.constant 0 : i32
    return %arg0, %c0_i32 : i32, i32
  }
  func.func @transform_2(%arg0: i32) -> (i32, i32) {
    %c0_i32 = arith.constant 0 : i32
    %c0_i32_0 = arith.constant 0 : i32
    %c0_i32_1 = arith.constant 0 : i32
    return %c0_i32, %c0_i32_0 : i32, i32
  }
  func.func @transform_3(%arg0: i32) -> (i32, i32) {
    %c0_i32 = arith.constant 0 : i32
    %c0_i32_0 = arith.constant 0 : i32
    %c0_i32_1 = arith.constant 0 : i32
    return %c0_i32, %c0_i32_0 : i32, i32
  }
  func.func @transform_4(%arg0: i32) -> (i32, i32) {
    %c0_i32 = arith.constant 0 : i32
    %c0_i32_0 = arith.constant 0 : i32
    %c0_i32_1 = arith.constant 0 : i32
    return %c0_i32, %c0_i32_0 : i32, i32
  }
  func.func @transform_5(%arg0: i32) -> (i32, i32) {
    %c0_i32 = arith.constant 0 : i32
    %c0_i32_0 = arith.constant 0 : i32
    %c0_i32_1 = arith.constant 0 : i32
    return %c0_i32, %c0_i32_0 : i32, i32
  }
  func.func @transform_6(%arg0: i32) -> (i32, i32) {
    %c0_i32 = arith.constant 0 : i32
    %c0_i32_0 = arith.constant 0 : i32
    %c0_i32_1 = arith.constant 0 : i32
    return %c0_i32, %c0_i32_0 : i32, i32
  }
  func.func @transform_7(%arg0: i32) -> (i32, i32) {
    %c0_i32 = arith.constant 0 : i32
    %c0_i32_0 = arith.constant 0 : i32
    %c0_i32_1 = arith.constant 0 : i32
    return %c0_i32, %c0_i32_0 : i32, i32
  }
  func.func @transform_8(%arg0: i32) -> (i32, i32) {
    %c0_i32 = arith.constant 0 : i32
    %c0_i32_0 = arith.constant 0 : i32
    return %arg0, %c0_i32 : i32, i32
  }
}

module attributes {stable_mosaic.version = 14 : i64} {
  func.func @_post_body(%arg0: memref<2500x128xf32, #tpu.memory_space<vmem>>, %arg1: memref<2500x128xf32, #tpu.memory_space<vmem>>, %arg2: memref<1250x128xf32, #tpu.memory_space<vmem>>, %arg3: memref<1x128xf32, #tpu.memory_space<vmem>>, %arg4: memref<1x128xf32, #tpu.memory_space<vmem>>, %arg5: memref<1x128xf32, #tpu.memory_space<vmem>>, %arg6: memref<128x384xf32, #tpu.memory_space<vmem>>, %arg7: memref<128x384xf32, #tpu.memory_space<vmem>>, %arg8: memref<1x384xf32, #tpu.memory_space<vmem>>, %arg9: memref<1x384xf32, #tpu.memory_space<vmem>>, %arg10: memref<128x16xf32, #tpu.memory_space<vmem>>, %arg11: memref<16x128xf32, #tpu.memory_space<vmem>>, %arg12: memref<1250x128xf32, #tpu.memory_space<vmem>>) attributes {dimension_semantics = [], scalar_prefetch = 0 : i64, scratch_operands = 0 : i64, tpu.core_type = #tpu.core_type<tc>} {
    %get3A = arith.constant 0 : index
    %get3A_0 = arith.constant 0 : index
    %get3A_1 = vector.load %arg0[%get3A, %get3A_0] : memref<2500x128xf32, #tpu.memory_space<vmem>>, vector<1250x128xf32>
    %get3A_2 = arith.constant 1250 : index
    %get3A_3 = arith.constant 0 : index
    %get3A_4 = vector.load %arg0[%get3A_2, %get3A_3] : memref<2500x128xf32, #tpu.memory_space<vmem>>, vector<1250x128xf32>
    %add3A = arith.addf %get3A_1, %get3A_4 : vector<1250x128xf32>
    %get3A_5 = arith.constant 0 : index
    %get3A_6 = arith.constant 0 : index
    %get3A_7 = vector.load %arg1[%get3A_5, %get3A_6] : memref<2500x128xf32, #tpu.memory_space<vmem>>, vector<1250x128xf32>
    %get3A_8 = arith.constant 1250 : index
    %get3A_9 = arith.constant 0 : index
    %get3A_10 = vector.load %arg1[%get3A_8, %get3A_9] : memref<2500x128xf32, #tpu.memory_space<vmem>>, vector<1250x128xf32>
    %add3A_11 = arith.addf %get3A_7, %get3A_10 : vector<1250x128xf32>
    %max3A = arith.constant 1.000000e+00 : f32
    %max3A_12 = vector.broadcast %max3A : f32 to vector<1250x128xf32>
    %max3A_13 = arith.maximumf %add3A_11, %max3A_12 : vector<1250x128xf32>
    %div3A = arith.divf %add3A, %max3A_13 : vector<1250x128xf32>
    %get3A_14 = arith.constant 0 : index
    %get3A_15 = arith.constant 0 : index
    %get3A_16 = vector.load %arg3[%get3A_14, %get3A_15] : memref<1x128xf32, #tpu.memory_space<vmem>>, vector<1x128xf32>
    %add3A_17 = vector.broadcast %get3A_16 : vector<1x128xf32> to vector<1250x128xf32>
    %add3A_18 = arith.addf %div3A, %add3A_17 : vector<1250x128xf32>
    %reduce_sum3A = arith.constant dense<0.000000e+00> : vector<128xf32>
    %reduce_sum3A_19 = vector.multi_reduction <add>, %add3A_18, %reduce_sum3A [0] : vector<1250x128xf32> to vector<128xf32>
    %broadcast_in_dim3A = vector.shape_cast %reduce_sum3A_19 : vector<128xf32> to vector<1x128xf32>
    %get3A_20 = arith.constant 0 : index
    %get3A_21 = arith.constant 0 : index
    %get3A_22 = vector.load %arg10[%get3A_20, %get3A_21] : memref<128x16xf32, #tpu.memory_space<vmem>>, vector<128x16xf32>
    %dot_general3A = arith.constant dense<0.000000e+00> : vector<1x16xf32>
    %dot_general3A_23 = tpu.matmul %broadcast_in_dim3A, %get3A_22, %dot_general3A {dimension_numbers = #tpu.dot_dimension_numbers<[1], [0], [0], [1], [0, 0, 1, 1], [], []>, transpose_lhs_hint = false} : vector<1x128xf32>, vector<128x16xf32>, vector<1x16xf32> -> vector<1x16xf32>
    %mul3A = arith.constant 9.99999974E-5 : f32
    %mul3A_24 = vector.broadcast %mul3A : f32 to vector<1x16xf32>
    %mul3A_25 = arith.mulf %dot_general3A_23, %mul3A_24 : vector<1x16xf32>
    %get3A_26 = arith.constant 0 : index
    %get3A_27 = arith.constant 0 : index
    %get3A_28 = vector.load %arg11[%get3A_26, %get3A_27] : memref<16x128xf32, #tpu.memory_space<vmem>>, vector<16x128xf32>
    %dot_general3A_29 = arith.constant dense<0.000000e+00> : vector<1x128xf32>
    %dot_general3A_30 = tpu.matmul %mul3A_25, %get3A_28, %dot_general3A_29 {dimension_numbers = #tpu.dot_dimension_numbers<[1], [0], [0], [1], [0, 0, 1, 1], [], []>, transpose_lhs_hint = false} : vector<1x16xf32>, vector<16x128xf32>, vector<1x128xf32> -> vector<1x128xf32>
    %sub3A = vector.broadcast %dot_general3A_30 : vector<1x128xf32> to vector<1250x128xf32>
    %sub3A_31 = arith.subf %add3A_18, %sub3A : vector<1250x128xf32>
    %mul3A_32 = arith.mulf %sub3A_31, %sub3A_31 : vector<1250x128xf32>
    %reduce_sum3A_33 = arith.constant dense<0.000000e+00> : vector<128xf32>
    %reduce_sum3A_34 = vector.multi_reduction <add>, %mul3A_32, %reduce_sum3A_33 [0] : vector<1250x128xf32> to vector<128xf32>
    %broadcast_in_dim3A_35 = vector.shape_cast %reduce_sum3A_34 : vector<128xf32> to vector<1x128xf32>
    %get3A_36 = arith.constant 0 : index
    %get3A_37 = arith.constant 0 : index
    %get3A_38 = vector.load %arg10[%get3A_36, %get3A_37] : memref<128x16xf32, #tpu.memory_space<vmem>>, vector<128x16xf32>
    %dot_general3A_39 = arith.constant dense<0.000000e+00> : vector<1x16xf32>
    %dot_general3A_40 = tpu.matmul %broadcast_in_dim3A_35, %get3A_38, %dot_general3A_39 {dimension_numbers = #tpu.dot_dimension_numbers<[1], [0], [0], [1], [0, 0, 1, 1], [], []>, transpose_lhs_hint = false} : vector<1x128xf32>, vector<128x16xf32>, vector<1x16xf32> -> vector<1x16xf32>
    %mul3A_41 = arith.constant 9.99999974E-5 : f32
    %mul3A_42 = vector.broadcast %mul3A_41 : f32 to vector<1x16xf32>
    %mul3A_43 = arith.mulf %dot_general3A_40, %mul3A_42 : vector<1x16xf32>
    %get3A_44 = arith.constant 0 : index
    %get3A_45 = arith.constant 0 : index
    %get3A_46 = vector.load %arg11[%get3A_44, %get3A_45] : memref<16x128xf32, #tpu.memory_space<vmem>>, vector<16x128xf32>
    %dot_general3A_47 = arith.constant dense<0.000000e+00> : vector<1x128xf32>
    %dot_general3A_48 = tpu.matmul %mul3A_43, %get3A_46, %dot_general3A_47 {dimension_numbers = #tpu.dot_dimension_numbers<[1], [0], [0], [1], [0, 0, 1, 1], [], []>, transpose_lhs_hint = false} : vector<1x16xf32>, vector<16x128xf32>, vector<1x128xf32> -> vector<1x128xf32>
    %add3A_49 = arith.constant 9.99999974E-6 : f32
    %add3A_50 = vector.broadcast %add3A_49 : f32 to vector<1x128xf32>
    %add3A_51 = arith.addf %dot_general3A_48, %add3A_50 : vector<1x128xf32>
    %rsqrt3A = math.rsqrt %add3A_51 : vector<1x128xf32>
    %mul3A_52 = vector.broadcast %rsqrt3A : vector<1x128xf32> to vector<1250x128xf32>
    %mul3A_53 = arith.mulf %sub3A_31, %mul3A_52 : vector<1250x128xf32>
    %get3A_54 = arith.constant 0 : index
    %get3A_55 = arith.constant 0 : index
    %get3A_56 = vector.load %arg4[%get3A_54, %get3A_55] : memref<1x128xf32, #tpu.memory_space<vmem>>, vector<1x128xf32>
    %mul3A_57 = vector.broadcast %get3A_56 : vector<1x128xf32> to vector<1250x128xf32>
    %mul3A_58 = arith.mulf %mul3A_53, %mul3A_57 : vector<1250x128xf32>
    %get3A_59 = arith.constant 0 : index
    %get3A_60 = arith.constant 0 : index
    %get3A_61 = vector.load %arg5[%get3A_59, %get3A_60] : memref<1x128xf32, #tpu.memory_space<vmem>>, vector<1x128xf32>
    %add3A_62 = vector.broadcast %get3A_61 : vector<1x128xf32> to vector<1250x128xf32>
    %add3A_63 = arith.addf %mul3A_58, %add3A_62 : vector<1250x128xf32>
    %max3A_64 = arith.constant 0.000000e+00 : f32
    %max3A_65 = vector.broadcast %max3A_64 : f32 to vector<1250x128xf32>
    %max3A_66 = arith.maximumf %add3A_63, %max3A_65 : vector<1250x128xf32>
    %get3A_67 = arith.constant 0 : index
    %get3A_68 = arith.constant 0 : index
    %get3A_69 = vector.load %arg2[%get3A_67, %get3A_68] : memref<1250x128xf32, #tpu.memory_space<vmem>>, vector<1250x128xf32>
    %get3A_70 = arith.constant 0 : index
    %get3A_71 = arith.constant 0 : index
    %get3A_72 = vector.load %arg6[%get3A_70, %get3A_71] : memref<128x384xf32, #tpu.memory_space<vmem>>, vector<128x384xf32>
    %dot_general3A_73 = arith.constant dense<0.000000e+00> : vector<1250x384xf32>
    %dot_general3A_74 = tpu.matmul %max3A_66, %get3A_72, %dot_general3A_73 {dimension_numbers = #tpu.dot_dimension_numbers<[1], [0], [0], [1], [0, 0, 1, 1], [], []>, transpose_lhs_hint = false} : vector<1250x128xf32>, vector<128x384xf32>, vector<1250x384xf32> -> vector<1250x384xf32>
    %get3A_75 = arith.constant 0 : index
    %get3A_76 = arith.constant 0 : index
    %get3A_77 = vector.load %arg8[%get3A_75, %get3A_76] : memref<1x384xf32, #tpu.memory_space<vmem>>, vector<1x384xf32>
    %add3A_78 = vector.broadcast %get3A_77 : vector<1x384xf32> to vector<1250x384xf32>
    %add3A_79 = arith.addf %dot_general3A_74, %add3A_78 : vector<1250x384xf32>
    %get3A_80 = arith.constant 0 : index
    %get3A_81 = arith.constant 0 : index
    %get3A_82 = vector.load %arg7[%get3A_80, %get3A_81] : memref<128x384xf32, #tpu.memory_space<vmem>>, vector<128x384xf32>
    %dot_general3A_83 = arith.constant dense<0.000000e+00> : vector<1250x384xf32>
    %dot_general3A_84 = tpu.matmul %get3A_69, %get3A_82, %dot_general3A_83 {dimension_numbers = #tpu.dot_dimension_numbers<[1], [0], [0], [1], [0, 0, 1, 1], [], []>, transpose_lhs_hint = false} : vector<1250x128xf32>, vector<128x384xf32>, vector<1250x384xf32> -> vector<1250x384xf32>
    %get3A_85 = arith.constant 0 : index
    %get3A_86 = arith.constant 0 : index
    %get3A_87 = vector.load %arg9[%get3A_85, %get3A_86] : memref<1x384xf32, #tpu.memory_space<vmem>>, vector<1x384xf32>
    %add3A_88 = vector.broadcast %get3A_87 : vector<1x384xf32> to vector<1250x384xf32>
    %add3A_89 = arith.addf %dot_general3A_84, %add3A_88 : vector<1250x384xf32>
    %slice3A = vector.extract_strided_slice %add3A_79 {offsets = [0, 0], sizes = [1250, 48], strides = [1, 1]} : vector<1250x384xf32> to vector<1250x48xf32>
    %slice3A_90 = vector.extract_strided_slice %add3A_89 {offsets = [0, 0], sizes = [1250, 48], strides = [1, 1]} : vector<1250x384xf32> to vector<1250x48xf32>
    %slice3A_91 = vector.extract_strided_slice %get3A_69 {offsets = [0, 0], sizes = [1250, 16], strides = [1, 1]} : vector<1250x128xf32> to vector<1250x16xf32>
    %slice3A_92 = vector.extract_strided_slice %slice3A {offsets = [0, 0], sizes = [1250, 16], strides = [1, 1]} : vector<1250x48xf32> to vector<1250x16xf32>
    %slice3A_93 = vector.extract_strided_slice %slice3A_90 {offsets = [0, 0], sizes = [1250, 16], strides = [1, 1]} : vector<1250x48xf32> to vector<1250x16xf32>
    %add3A_94 = arith.addf %slice3A_92, %slice3A_93 : vector<1250x16xf32>
    %logistic3A = arith.negf %add3A_94 : vector<1250x16xf32>
    %logistic3A_95 = math.exp %logistic3A : vector<1250x16xf32>
    %logistic3A_96 = arith.constant 1.000000e+00 : f32
    %logistic3A_97 = vector.broadcast %logistic3A_96 : f32 to vector<1250x16xf32>
    %logistic3A_98 = arith.addf %logistic3A_97, %logistic3A_95 : vector<1250x16xf32>
    %logistic3A_99 = arith.divf %logistic3A_97, %logistic3A_98 : vector<1250x16xf32>
    %slice3A_100 = vector.extract_strided_slice %slice3A {offsets = [0, 16], sizes = [1250, 16], strides = [1, 1]} : vector<1250x48xf32> to vector<1250x16xf32>
    %slice3A_101 = vector.extract_strided_slice %slice3A_90 {offsets = [0, 16], sizes = [1250, 16], strides = [1, 1]} : vector<1250x48xf32> to vector<1250x16xf32>
    %add3A_102 = arith.addf %slice3A_100, %slice3A_101 : vector<1250x16xf32>
    %logistic3A_103 = arith.negf %add3A_102 : vector<1250x16xf32>
    %logistic3A_104 = math.exp %logistic3A_103 : vector<1250x16xf32>
    %logistic3A_105 = arith.constant 1.000000e+00 : f32
    %logistic3A_106 = vector.broadcast %logistic3A_105 : f32 to vector<1250x16xf32>
    %logistic3A_107 = arith.addf %logistic3A_106, %logistic3A_104 : vector<1250x16xf32>
    %logistic3A_108 = arith.divf %logistic3A_106, %logistic3A_107 : vector<1250x16xf32>
    %slice3A_109 = vector.extract_strided_slice %slice3A {offsets = [0, 32], sizes = [1250, 16], strides = [1, 1]} : vector<1250x48xf32> to vector<1250x16xf32>
    %slice3A_110 = vector.extract_strided_slice %slice3A_90 {offsets = [0, 32], sizes = [1250, 16], strides = [1, 1]} : vector<1250x48xf32> to vector<1250x16xf32>
    %mul3A_111 = arith.mulf %logistic3A_99, %slice3A_110 : vector<1250x16xf32>
    %add3A_112 = arith.addf %slice3A_109, %mul3A_111 : vector<1250x16xf32>
    %tanh3A = math.tanh %add3A_112 : vector<1250x16xf32>
    %sub3A_113 = arith.constant 1.000000e+00 : f32
    %sub3A_114 = vector.broadcast %sub3A_113 : f32 to vector<1250x16xf32>
    %sub3A_115 = arith.subf %sub3A_114, %logistic3A_108 : vector<1250x16xf32>
    %mul3A_116 = arith.mulf %sub3A_115, %tanh3A : vector<1250x16xf32>
    %mul3A_117 = arith.mulf %logistic3A_108, %slice3A_91 : vector<1250x16xf32>
    %add3A_118 = arith.addf %mul3A_116, %mul3A_117 : vector<1250x16xf32>
    %swap3A = arith.constant 0 : index
    %swap3A_119 = arith.constant 0 : index
    %swap3A_120 = vector.load %arg12[%swap3A, %swap3A_119] : memref<1250x128xf32, #tpu.memory_space<vmem>>, vector<1250x16xf32>
    tpu.vector_store %arg12[%swap3A, %swap3A_119], %add3A_118 {strides = array<i32>} : memref<1250x128xf32, #tpu.memory_space<vmem>>, vector<1250x16xf32>,
    %slice3A_121 = vector.extract_strided_slice %add3A_79 {offsets = [0, 48], sizes = [1250, 48], strides = [1, 1]} : vector<1250x384xf32> to vector<1250x48xf32>
    %slice3A_122 = vector.extract_strided_slice %add3A_89 {offsets = [0, 48], sizes = [1250, 48], strides = [1, 1]} : vector<1250x384xf32> to vector<1250x48xf32>
    %slice3A_123 = vector.extract_strided_slice %get3A_69 {offsets = [0, 16], sizes = [1250, 16], strides = [1, 1]} : vector<1250x128xf32> to vector<1250x16xf32>
    %slice3A_124 = vector.extract_strided_slice %slice3A_121 {offsets = [0, 0], sizes = [1250, 16], strides = [1, 1]} : vector<1250x48xf32> to vector<1250x16xf32>
    %slice3A_125 = vector.extract_strided_slice %slice3A_122 {offsets = [0, 0], sizes = [1250, 16], strides = [1, 1]} : vector<1250x48xf32> to vector<1250x16xf32>
    %add3A_126 = arith.addf %slice3A_124, %slice3A_125 : vector<1250x16xf32>
    %logistic3A_127 = arith.negf %add3A_126 : vector<1250x16xf32>
    %logistic3A_128 = math.exp %logistic3A_127 : vector<1250x16xf32>
    %logistic3A_129 = arith.constant 1.000000e+00 : f32
    %logistic3A_130 = vector.broadcast %logistic3A_129 : f32 to vector<1250x16xf32>
    %logistic3A_131 = arith.addf %logistic3A_130, %logistic3A_128 : vector<1250x16xf32>
    %logistic3A_132 = arith.divf %logistic3A_130, %logistic3A_131 : vector<1250x16xf32>
    %slice3A_133 = vector.extract_strided_slice %slice3A_121 {offsets = [0, 16], sizes = [1250, 16], strides = [1, 1]} : vector<1250x48xf32> to vector<1250x16xf32>
    %slice3A_134 = vector.extract_strided_slice %slice3A_122 {offsets = [0, 16], sizes = [1250, 16], strides = [1, 1]} : vector<1250x48xf32> to vector<1250x16xf32>
    %add3A_135 = arith.addf %slice3A_133, %slice3A_134 : vector<1250x16xf32>
    %logistic3A_136 = arith.negf %add3A_135 : vector<1250x16xf32>
    %logistic3A_137 = math.exp %logistic3A_136 : vector<1250x16xf32>
    %logistic3A_138 = arith.constant 1.000000e+00 : f32
    %logistic3A_139 = vector.broadcast %logistic3A_138 : f32 to vector<1250x16xf32>
    %logistic3A_140 = arith.addf %logistic3A_139, %logistic3A_137 : vector<1250x16xf32>
    %logistic3A_141 = arith.divf %logistic3A_139, %logistic3A_140 : vector<1250x16xf32>
    %slice3A_142 = vector.extract_strided_slice %slice3A_121 {offsets = [0, 32], sizes = [1250, 16], strides = [1, 1]} : vector<1250x48xf32> to vector<1250x16xf32>
    %slice3A_143 = vector.extract_strided_slice %slice3A_122 {offsets = [0, 32], sizes = [1250, 16], strides = [1, 1]} : vector<1250x48xf32> to vector<1250x16xf32>
    %mul3A_144 = arith.mulf %logistic3A_132, %slice3A_143 : vector<1250x16xf32>
    %add3A_145 = arith.addf %slice3A_142, %mul3A_144 : vector<1250x16xf32>
    %tanh3A_146 = math.tanh %add3A_145 : vector<1250x16xf32>
    %sub3A_147 = arith.constant 1.000000e+00 : f32
    %sub3A_148 = vector.broadcast %sub3A_147 : f32 to vector<1250x16xf32>
    %sub3A_149 = arith.subf %sub3A_148, %logistic3A_141 : vector<1250x16xf32>
    %mul3A_150 = arith.mulf %sub3A_149, %tanh3A_146 : vector<1250x16xf32>
    %mul3A_151 = arith.mulf %logistic3A_141, %slice3A_123 : vector<1250x16xf32>
    %add3A_152 = arith.addf %mul3A_150, %mul3A_151 : vector<1250x16xf32>
    %swap3A_153 = arith.constant 0 : index
    %swap3A_154 = arith.constant 16 : index
    %swap3A_155 = vector.load %arg12[%swap3A_153, %swap3A_154] : memref<1250x128xf32, #tpu.memory_space<vmem>>, vector<1250x16xf32>
    tpu.vector_store %arg12[%swap3A_153, %swap3A_154], %add3A_152 {strides = array<i32>} : memref<1250x128xf32, #tpu.memory_space<vmem>>, vector<1250x16xf32>,
    %slice3A_156 = vector.extract_strided_slice %add3A_79 {offsets = [0, 96], sizes = [1250, 48], strides = [1, 1]} : vector<1250x384xf32> to vector<1250x48xf32>
    %slice3A_157 = vector.extract_strided_slice %add3A_89 {offsets = [0, 96], sizes = [1250, 48], strides = [1, 1]} : vector<1250x384xf32> to vector<1250x48xf32>
    %slice3A_158 = vector.extract_strided_slice %get3A_69 {offsets = [0, 32], sizes = [1250, 16], strides = [1, 1]} : vector<1250x128xf32> to vector<1250x16xf32>
    %slice3A_159 = vector.extract_strided_slice %slice3A_156 {offsets = [0, 0], sizes = [1250, 16], strides = [1, 1]} : vector<1250x48xf32> to vector<1250x16xf32>
    %slice3A_160 = vector.extract_strided_slice %slice3A_157 {offsets = [0, 0], sizes = [1250, 16], strides = [1, 1]} : vector<1250x48xf32> to vector<1250x16xf32>
    %add3A_161 = arith.addf %slice3A_159, %slice3A_160 : vector<1250x16xf32>
    %logistic3A_162 = arith.negf %add3A_161 : vector<1250x16xf32>
    %logistic3A_163 = math.exp %logistic3A_162 : vector<1250x16xf32>
    %logistic3A_164 = arith.constant 1.000000e+00 : f32
    %logistic3A_165 = vector.broadcast %logistic3A_164 : f32 to vector<1250x16xf32>
    %logistic3A_166 = arith.addf %logistic3A_165, %logistic3A_163 : vector<1250x16xf32>
    %logistic3A_167 = arith.divf %logistic3A_165, %logistic3A_166 : vector<1250x16xf32>
    %slice3A_168 = vector.extract_strided_slice %slice3A_156 {offsets = [0, 16], sizes = [1250, 16], strides = [1, 1]} : vector<1250x48xf32> to vector<1250x16xf32>
    %slice3A_169 = vector.extract_strided_slice %slice3A_157 {offsets = [0, 16], sizes = [1250, 16], strides = [1, 1]} : vector<1250x48xf32> to vector<1250x16xf32>
    %add3A_170 = arith.addf %slice3A_168, %slice3A_169 : vector<1250x16xf32>
    %logistic3A_171 = arith.negf %add3A_170 : vector<1250x16xf32>
    %logistic3A_172 = math.exp %logistic3A_171 : vector<1250x16xf32>
    %logistic3A_173 = arith.constant 1.000000e+00 : f32
    %logistic3A_174 = vector.broadcast %logistic3A_173 : f32 to vector<1250x16xf32>
    %logistic3A_175 = arith.addf %logistic3A_174, %logistic3A_172 : vector<1250x16xf32>
    %logistic3A_176 = arith.divf %logistic3A_174, %logistic3A_175 : vector<1250x16xf32>
    %slice3A_177 = vector.extract_strided_slice %slice3A_156 {offsets = [0, 32], sizes = [1250, 16], strides = [1, 1]} : vector<1250x48xf32> to vector<1250x16xf32>
    %slice3A_178 = vector.extract_strided_slice %slice3A_157 {offsets = [0, 32], sizes = [1250, 16], strides = [1, 1]} : vector<1250x48xf32> to vector<1250x16xf32>
    %mul3A_179 = arith.mulf %logistic3A_167, %slice3A_178 : vector<1250x16xf32>
    %add3A_180 = arith.addf %slice3A_177, %mul3A_179 : vector<1250x16xf32>
    %tanh3A_181 = math.tanh %add3A_180 : vector<1250x16xf32>
    %sub3A_182 = arith.constant 1.000000e+00 : f32
    %sub3A_183 = vector.broadcast %sub3A_182 : f32 to vector<1250x16xf32>
    %sub3A_184 = arith.subf %sub3A_183, %logistic3A_176 : vector<1250x16xf32>
    %mul3A_185 = arith.mulf %sub3A_184, %tanh3A_181 : vector<1250x16xf32>
    %mul3A_186 = arith.mulf %logistic3A_176, %slice3A_158 : vector<1250x16xf32>
    %add3A_187 = arith.addf %mul3A_185, %mul3A_186 : vector<1250x16xf32>
    %swap3A_188 = arith.constant 0 : index
    %swap3A_189 = arith.constant 32 : index
    %swap3A_190 = vector.load %arg12[%swap3A_188, %swap3A_189] : memref<1250x128xf32, #tpu.memory_space<vmem>>, vector<1250x16xf32>
    tpu.vector_store %arg12[%swap3A_188, %swap3A_189], %add3A_187 {strides = array<i32>} : memref<1250x128xf32, #tpu.memory_space<vmem>>, vector<1250x16xf32>,
    %slice3A_191 = vector.extract_strided_slice %add3A_79 {offsets = [0, 144], sizes = [1250, 48], strides = [1, 1]} : vector<1250x384xf32> to vector<1250x48xf32>
    %slice3A_192 = vector.extract_strided_slice %add3A_89 {offsets = [0, 144], sizes = [1250, 48], strides = [1, 1]} : vector<1250x384xf32> to vector<1250x48xf32>
    %slice3A_193 = vector.extract_strided_slice %get3A_69 {offsets = [0, 48], sizes = [1250, 16], strides = [1, 1]} : vector<1250x128xf32> to vector<1250x16xf32>
    %slice3A_194 = vector.extract_strided_slice %slice3A_191 {offsets = [0, 0], sizes = [1250, 16], strides = [1, 1]} : vector<1250x48xf32> to vector<1250x16xf32>
    %slice3A_195 = vector.extract_strided_slice %slice3A_192 {offsets = [0, 0], sizes = [1250, 16], strides = [1, 1]} : vector<1250x48xf32> to vector<1250x16xf32>
    %add3A_196 = arith.addf %slice3A_194, %slice3A_195 : vector<1250x16xf32>
    %logistic3A_197 = arith.negf %add3A_196 : vector<1250x16xf32>
    %logistic3A_198 = math.exp %logistic3A_197 : vector<1250x16xf32>
    %logistic3A_199 = arith.constant 1.000000e+00 : f32
    %logistic3A_200 = vector.broadcast %logistic3A_199 : f32 to vector<1250x16xf32>
    %logistic3A_201 = arith.addf %logistic3A_200, %logistic3A_198 : vector<1250x16xf32>
    %logistic3A_202 = arith.divf %logistic3A_200, %logistic3A_201 : vector<1250x16xf32>
    %slice3A_203 = vector.extract_strided_slice %slice3A_191 {offsets = [0, 16], sizes = [1250, 16], strides = [1, 1]} : vector<1250x48xf32> to vector<1250x16xf32>
    %slice3A_204 = vector.extract_strided_slice %slice3A_192 {offsets = [0, 16], sizes = [1250, 16], strides = [1, 1]} : vector<1250x48xf32> to vector<1250x16xf32>
    %add3A_205 = arith.addf %slice3A_203, %slice3A_204 : vector<1250x16xf32>
    %logistic3A_206 = arith.negf %add3A_205 : vector<1250x16xf32>
    %logistic3A_207 = math.exp %logistic3A_206 : vector<1250x16xf32>
    %logistic3A_208 = arith.constant 1.000000e+00 : f32
    %logistic3A_209 = vector.broadcast %logistic3A_208 : f32 to vector<1250x16xf32>
    %logistic3A_210 = arith.addf %logistic3A_209, %logistic3A_207 : vector<1250x16xf32>
    %logistic3A_211 = arith.divf %logistic3A_209, %logistic3A_210 : vector<1250x16xf32>
    %slice3A_212 = vector.extract_strided_slice %slice3A_191 {offsets = [0, 32], sizes = [1250, 16], strides = [1, 1]} : vector<1250x48xf32> to vector<1250x16xf32>
    %slice3A_213 = vector.extract_strided_slice %slice3A_192 {offsets = [0, 32], sizes = [1250, 16], strides = [1, 1]} : vector<1250x48xf32> to vector<1250x16xf32>
    %mul3A_214 = arith.mulf %logistic3A_202, %slice3A_213 : vector<1250x16xf32>
    %add3A_215 = arith.addf %slice3A_212, %mul3A_214 : vector<1250x16xf32>
    %tanh3A_216 = math.tanh %add3A_215 : vector<1250x16xf32>
    %sub3A_217 = arith.constant 1.000000e+00 : f32
    %sub3A_218 = vector.broadcast %sub3A_217 : f32 to vector<1250x16xf32>
    %sub3A_219 = arith.subf %sub3A_218, %logistic3A_211 : vector<1250x16xf32>
    %mul3A_220 = arith.mulf %sub3A_219, %tanh3A_216 : vector<1250x16xf32>
    %mul3A_221 = arith.mulf %logistic3A_211, %slice3A_193 : vector<1250x16xf32>
    %add3A_222 = arith.addf %mul3A_220, %mul3A_221 : vector<1250x16xf32>
    %swap3A_223 = arith.constant 0 : index
    %swap3A_224 = arith.constant 48 : index
    %swap3A_225 = vector.load %arg12[%swap3A_223, %swap3A_224] : memref<1250x128xf32, #tpu.memory_space<vmem>>, vector<1250x16xf32>
    tpu.vector_store %arg12[%swap3A_223, %swap3A_224], %add3A_222 {strides = array<i32>} : memref<1250x128xf32, #tpu.memory_space<vmem>>, vector<1250x16xf32>,
    %slice3A_226 = vector.extract_strided_slice %add3A_79 {offsets = [0, 192], sizes = [1250, 48], strides = [1, 1]} : vector<1250x384xf32> to vector<1250x48xf32>
    %slice3A_227 = vector.extract_strided_slice %add3A_89 {offsets = [0, 192], sizes = [1250, 48], strides = [1, 1]} : vector<1250x384xf32> to vector<1250x48xf32>
    %slice3A_228 = vector.extract_strided_slice %get3A_69 {offsets = [0, 64], sizes = [1250, 16], strides = [1, 1]} : vector<1250x128xf32> to vector<1250x16xf32>
    %slice3A_229 = vector.extract_strided_slice %slice3A_226 {offsets = [0, 0], sizes = [1250, 16], strides = [1, 1]} : vector<1250x48xf32> to vector<1250x16xf32>
    %slice3A_230 = vector.extract_strided_slice %slice3A_227 {offsets = [0, 0], sizes = [1250, 16], strides = [1, 1]} : vector<1250x48xf32> to vector<1250x16xf32>
    %add3A_231 = arith.addf %slice3A_229, %slice3A_230 : vector<1250x16xf32>
    %logistic3A_232 = arith.negf %add3A_231 : vector<1250x16xf32>
    %logistic3A_233 = math.exp %logistic3A_232 : vector<1250x16xf32>
    %logistic3A_234 = arith.constant 1.000000e+00 : f32
    %logistic3A_235 = vector.broadcast %logistic3A_234 : f32 to vector<1250x16xf32>
    %logistic3A_236 = arith.addf %logistic3A_235, %logistic3A_233 : vector<1250x16xf32>
    %logistic3A_237 = arith.divf %logistic3A_235, %logistic3A_236 : vector<1250x16xf32>
    %slice3A_238 = vector.extract_strided_slice %slice3A_226 {offsets = [0, 16], sizes = [1250, 16], strides = [1, 1]} : vector<1250x48xf32> to vector<1250x16xf32>
    %slice3A_239 = vector.extract_strided_slice %slice3A_227 {offsets = [0, 16], sizes = [1250, 16], strides = [1, 1]} : vector<1250x48xf32> to vector<1250x16xf32>
    %add3A_240 = arith.addf %slice3A_238, %slice3A_239 : vector<1250x16xf32>
    %logistic3A_241 = arith.negf %add3A_240 : vector<1250x16xf32>
    %logistic3A_242 = math.exp %logistic3A_241 : vector<1250x16xf32>
    %logistic3A_243 = arith.constant 1.000000e+00 : f32
    %logistic3A_244 = vector.broadcast %logistic3A_243 : f32 to vector<1250x16xf32>
    %logistic3A_245 = arith.addf %logistic3A_244, %logistic3A_242 : vector<1250x16xf32>
    %logistic3A_246 = arith.divf %logistic3A_244, %logistic3A_245 : vector<1250x16xf32>
    %slice3A_247 = vector.extract_strided_slice %slice3A_226 {offsets = [0, 32], sizes = [1250, 16], strides = [1, 1]} : vector<1250x48xf32> to vector<1250x16xf32>
    %slice3A_248 = vector.extract_strided_slice %slice3A_227 {offsets = [0, 32], sizes = [1250, 16], strides = [1, 1]} : vector<1250x48xf32> to vector<1250x16xf32>
    %mul3A_249 = arith.mulf %logistic3A_237, %slice3A_248 : vector<1250x16xf32>
    %add3A_250 = arith.addf %slice3A_247, %mul3A_249 : vector<1250x16xf32>
    %tanh3A_251 = math.tanh %add3A_250 : vector<1250x16xf32>
    %sub3A_252 = arith.constant 1.000000e+00 : f32
    %sub3A_253 = vector.broadcast %sub3A_252 : f32 to vector<1250x16xf32>
    %sub3A_254 = arith.subf %sub3A_253, %logistic3A_246 : vector<1250x16xf32>
    %mul3A_255 = arith.mulf %sub3A_254, %tanh3A_251 : vector<1250x16xf32>
    %mul3A_256 = arith.mulf %logistic3A_246, %slice3A_228 : vector<1250x16xf32>
    %add3A_257 = arith.addf %mul3A_255, %mul3A_256 : vector<1250x16xf32>
    %swap3A_258 = arith.constant 0 : index
    %swap3A_259 = arith.constant 64 : index
    %swap3A_260 = vector.load %arg12[%swap3A_258, %swap3A_259] : memref<1250x128xf32, #tpu.memory_space<vmem>>, vector<1250x16xf32>
    tpu.vector_store %arg12[%swap3A_258, %swap3A_259], %add3A_257 {strides = array<i32>} : memref<1250x128xf32, #tpu.memory_space<vmem>>, vector<1250x16xf32>,
    %slice3A_261 = vector.extract_strided_slice %add3A_79 {offsets = [0, 240], sizes = [1250, 48], strides = [1, 1]} : vector<1250x384xf32> to vector<1250x48xf32>
    %slice3A_262 = vector.extract_strided_slice %add3A_89 {offsets = [0, 240], sizes = [1250, 48], strides = [1, 1]} : vector<1250x384xf32> to vector<1250x48xf32>
    %slice3A_263 = vector.extract_strided_slice %get3A_69 {offsets = [0, 80], sizes = [1250, 16], strides = [1, 1]} : vector<1250x128xf32> to vector<1250x16xf32>
    %slice3A_264 = vector.extract_strided_slice %slice3A_261 {offsets = [0, 0], sizes = [1250, 16], strides = [1, 1]} : vector<1250x48xf32> to vector<1250x16xf32>
    %slice3A_265 = vector.extract_strided_slice %slice3A_262 {offsets = [0, 0], sizes = [1250, 16], strides = [1, 1]} : vector<1250x48xf32> to vector<1250x16xf32>
    %add3A_266 = arith.addf %slice3A_264, %slice3A_265 : vector<1250x16xf32>
    %logistic3A_267 = arith.negf %add3A_266 : vector<1250x16xf32>
    %logistic3A_268 = math.exp %logistic3A_267 : vector<1250x16xf32>
    %logistic3A_269 = arith.constant 1.000000e+00 : f32
    %logistic3A_270 = vector.broadcast %logistic3A_269 : f32 to vector<1250x16xf32>
    %logistic3A_271 = arith.addf %logistic3A_270, %logistic3A_268 : vector<1250x16xf32>
    %logistic3A_272 = arith.divf %logistic3A_270, %logistic3A_271 : vector<1250x16xf32>
    %slice3A_273 = vector.extract_strided_slice %slice3A_261 {offsets = [0, 16], sizes = [1250, 16], strides = [1, 1]} : vector<1250x48xf32> to vector<1250x16xf32>
    %slice3A_274 = vector.extract_strided_slice %slice3A_262 {offsets = [0, 16], sizes = [1250, 16], strides = [1, 1]} : vector<1250x48xf32> to vector<1250x16xf32>
    %add3A_275 = arith.addf %slice3A_273, %slice3A_274 : vector<1250x16xf32>
    %logistic3A_276 = arith.negf %add3A_275 : vector<1250x16xf32>
    %logistic3A_277 = math.exp %logistic3A_276 : vector<1250x16xf32>
    %logistic3A_278 = arith.constant 1.000000e+00 : f32
    %logistic3A_279 = vector.broadcast %logistic3A_278 : f32 to vector<1250x16xf32>
    %logistic3A_280 = arith.addf %logistic3A_279, %logistic3A_277 : vector<1250x16xf32>
    %logistic3A_281 = arith.divf %logistic3A_279, %logistic3A_280 : vector<1250x16xf32>
    %slice3A_282 = vector.extract_strided_slice %slice3A_261 {offsets = [0, 32], sizes = [1250, 16], strides = [1, 1]} : vector<1250x48xf32> to vector<1250x16xf32>
    %slice3A_283 = vector.extract_strided_slice %slice3A_262 {offsets = [0, 32], sizes = [1250, 16], strides = [1, 1]} : vector<1250x48xf32> to vector<1250x16xf32>
    %mul3A_284 = arith.mulf %logistic3A_272, %slice3A_283 : vector<1250x16xf32>
    %add3A_285 = arith.addf %slice3A_282, %mul3A_284 : vector<1250x16xf32>
    %tanh3A_286 = math.tanh %add3A_285 : vector<1250x16xf32>
    %sub3A_287 = arith.constant 1.000000e+00 : f32
    %sub3A_288 = vector.broadcast %sub3A_287 : f32 to vector<1250x16xf32>
    %sub3A_289 = arith.subf %sub3A_288, %logistic3A_281 : vector<1250x16xf32>
    %mul3A_290 = arith.mulf %sub3A_289, %tanh3A_286 : vector<1250x16xf32>
    %mul3A_291 = arith.mulf %logistic3A_281, %slice3A_263 : vector<1250x16xf32>
    %add3A_292 = arith.addf %mul3A_290, %mul3A_291 : vector<1250x16xf32>
    %swap3A_293 = arith.constant 0 : index
    %swap3A_294 = arith.constant 80 : index
    %swap3A_295 = vector.load %arg12[%swap3A_293, %swap3A_294] : memref<1250x128xf32, #tpu.memory_space<vmem>>, vector<1250x16xf32>
    tpu.vector_store %arg12[%swap3A_293, %swap3A_294], %add3A_292 {strides = array<i32>} : memref<1250x128xf32, #tpu.memory_space<vmem>>, vector<1250x16xf32>,
    %slice3A_296 = vector.extract_strided_slice %add3A_79 {offsets = [0, 288], sizes = [1250, 48], strides = [1, 1]} : vector<1250x384xf32> to vector<1250x48xf32>
    %slice3A_297 = vector.extract_strided_slice %add3A_89 {offsets = [0, 288], sizes = [1250, 48], strides = [1, 1]} : vector<1250x384xf32> to vector<1250x48xf32>
    %slice3A_298 = vector.extract_strided_slice %get3A_69 {offsets = [0, 96], sizes = [1250, 16], strides = [1, 1]} : vector<1250x128xf32> to vector<1250x16xf32>
    %slice3A_299 = vector.extract_strided_slice %slice3A_296 {offsets = [0, 0], sizes = [1250, 16], strides = [1, 1]} : vector<1250x48xf32> to vector<1250x16xf32>
    %slice3A_300 = vector.extract_strided_slice %slice3A_297 {offsets = [0, 0], sizes = [1250, 16], strides = [1, 1]} : vector<1250x48xf32> to vector<1250x16xf32>
    %add3A_301 = arith.addf %slice3A_299, %slice3A_300 : vector<1250x16xf32>
    %logistic3A_302 = arith.negf %add3A_301 : vector<1250x16xf32>
    %logistic3A_303 = math.exp %logistic3A_302 : vector<1250x16xf32>
    %logistic3A_304 = arith.constant 1.000000e+00 : f32
    %logistic3A_305 = vector.broadcast %logistic3A_304 : f32 to vector<1250x16xf32>
    %logistic3A_306 = arith.addf %logistic3A_305, %logistic3A_303 : vector<1250x16xf32>
    %logistic3A_307 = arith.divf %logistic3A_305, %logistic3A_306 : vector<1250x16xf32>
    %slice3A_308 = vector.extract_strided_slice %slice3A_296 {offsets = [0, 16], sizes = [1250, 16], strides = [1, 1]} : vector<1250x48xf32> to vector<1250x16xf32>
    %slice3A_309 = vector.extract_strided_slice %slice3A_297 {offsets = [0, 16], sizes = [1250, 16], strides = [1, 1]} : vector<1250x48xf32> to vector<1250x16xf32>
    %add3A_310 = arith.addf %slice3A_308, %slice3A_309 : vector<1250x16xf32>
    %logistic3A_311 = arith.negf %add3A_310 : vector<1250x16xf32>
    %logistic3A_312 = math.exp %logistic3A_311 : vector<1250x16xf32>
    %logistic3A_313 = arith.constant 1.000000e+00 : f32
    %logistic3A_314 = vector.broadcast %logistic3A_313 : f32 to vector<1250x16xf32>
    %logistic3A_315 = arith.addf %logistic3A_314, %logistic3A_312 : vector<1250x16xf32>
    %logistic3A_316 = arith.divf %logistic3A_314, %logistic3A_315 : vector<1250x16xf32>
    %slice3A_317 = vector.extract_strided_slice %slice3A_296 {offsets = [0, 32], sizes = [1250, 16], strides = [1, 1]} : vector<1250x48xf32> to vector<1250x16xf32>
    %slice3A_318 = vector.extract_strided_slice %slice3A_297 {offsets = [0, 32], sizes = [1250, 16], strides = [1, 1]} : vector<1250x48xf32> to vector<1250x16xf32>
    %mul3A_319 = arith.mulf %logistic3A_307, %slice3A_318 : vector<1250x16xf32>
    %add3A_320 = arith.addf %slice3A_317, %mul3A_319 : vector<1250x16xf32>
    %tanh3A_321 = math.tanh %add3A_320 : vector<1250x16xf32>
    %sub3A_322 = arith.constant 1.000000e+00 : f32
    %sub3A_323 = vector.broadcast %sub3A_322 : f32 to vector<1250x16xf32>
    %sub3A_324 = arith.subf %sub3A_323, %logistic3A_316 : vector<1250x16xf32>
    %mul3A_325 = arith.mulf %sub3A_324, %tanh3A_321 : vector<1250x16xf32>
    %mul3A_326 = arith.mulf %logistic3A_316, %slice3A_298 : vector<1250x16xf32>
    %add3A_327 = arith.addf %mul3A_325, %mul3A_326 : vector<1250x16xf32>
    %swap3A_328 = arith.constant 0 : index
    %swap3A_329 = arith.constant 96 : index
    %swap3A_330 = vector.load %arg12[%swap3A_328, %swap3A_329] : memref<1250x128xf32, #tpu.memory_space<vmem>>, vector<1250x16xf32>
    tpu.vector_store %arg12[%swap3A_328, %swap3A_329], %add3A_327 {strides = array<i32>} : memref<1250x128xf32, #tpu.memory_space<vmem>>, vector<1250x16xf32>,
    %slice3A_331 = vector.extract_strided_slice %add3A_79 {offsets = [0, 336], sizes = [1250, 48], strides = [1, 1]} : vector<1250x384xf32> to vector<1250x48xf32>
    %slice3A_332 = vector.extract_strided_slice %add3A_89 {offsets = [0, 336], sizes = [1250, 48], strides = [1, 1]} : vector<1250x384xf32> to vector<1250x48xf32>
    %slice3A_333 = vector.extract_strided_slice %get3A_69 {offsets = [0, 112], sizes = [1250, 16], strides = [1, 1]} : vector<1250x128xf32> to vector<1250x16xf32>
    %slice3A_334 = vector.extract_strided_slice %slice3A_331 {offsets = [0, 0], sizes = [1250, 16], strides = [1, 1]} : vector<1250x48xf32> to vector<1250x16xf32>
    %slice3A_335 = vector.extract_strided_slice %slice3A_332 {offsets = [0, 0], sizes = [1250, 16], strides = [1, 1]} : vector<1250x48xf32> to vector<1250x16xf32>
    %add3A_336 = arith.addf %slice3A_334, %slice3A_335 : vector<1250x16xf32>
    %logistic3A_337 = arith.negf %add3A_336 : vector<1250x16xf32>
    %logistic3A_338 = math.exp %logistic3A_337 : vector<1250x16xf32>
    %logistic3A_339 = arith.constant 1.000000e+00 : f32
    %logistic3A_340 = vector.broadcast %logistic3A_339 : f32 to vector<1250x16xf32>
    %logistic3A_341 = arith.addf %logistic3A_340, %logistic3A_338 : vector<1250x16xf32>
    %logistic3A_342 = arith.divf %logistic3A_340, %logistic3A_341 : vector<1250x16xf32>
    %slice3A_343 = vector.extract_strided_slice %slice3A_331 {offsets = [0, 16], sizes = [1250, 16], strides = [1, 1]} : vector<1250x48xf32> to vector<1250x16xf32>
    %slice3A_344 = vector.extract_strided_slice %slice3A_332 {offsets = [0, 16], sizes = [1250, 16], strides = [1, 1]} : vector<1250x48xf32> to vector<1250x16xf32>
    %add3A_345 = arith.addf %slice3A_343, %slice3A_344 : vector<1250x16xf32>
    %logistic3A_346 = arith.negf %add3A_345 : vector<1250x16xf32>
    %logistic3A_347 = math.exp %logistic3A_346 : vector<1250x16xf32>
    %logistic3A_348 = arith.constant 1.000000e+00 : f32
    %logistic3A_349 = vector.broadcast %logistic3A_348 : f32 to vector<1250x16xf32>
    %logistic3A_350 = arith.addf %logistic3A_349, %logistic3A_347 : vector<1250x16xf32>
    %logistic3A_351 = arith.divf %logistic3A_349, %logistic3A_350 : vector<1250x16xf32>
    %slice3A_352 = vector.extract_strided_slice %slice3A_331 {offsets = [0, 32], sizes = [1250, 16], strides = [1, 1]} : vector<1250x48xf32> to vector<1250x16xf32>
    %slice3A_353 = vector.extract_strided_slice %slice3A_332 {offsets = [0, 32], sizes = [1250, 16], strides = [1, 1]} : vector<1250x48xf32> to vector<1250x16xf32>
    %mul3A_354 = arith.mulf %logistic3A_342, %slice3A_353 : vector<1250x16xf32>
    %add3A_355 = arith.addf %slice3A_352, %mul3A_354 : vector<1250x16xf32>
    %tanh3A_356 = math.tanh %add3A_355 : vector<1250x16xf32>
    %sub3A_357 = arith.constant 1.000000e+00 : f32
    %sub3A_358 = vector.broadcast %sub3A_357 : f32 to vector<1250x16xf32>
    %sub3A_359 = arith.subf %sub3A_358, %logistic3A_351 : vector<1250x16xf32>
    %mul3A_360 = arith.mulf %sub3A_359, %tanh3A_356 : vector<1250x16xf32>
    %mul3A_361 = arith.mulf %logistic3A_351, %slice3A_333 : vector<1250x16xf32>
    %add3A_362 = arith.addf %mul3A_360, %mul3A_361 : vector<1250x16xf32>
    %swap3A_363 = arith.constant 0 : index
    %swap3A_364 = arith.constant 112 : index
    %swap3A_365 = vector.load %arg12[%swap3A_363, %swap3A_364] : memref<1250x128xf32, #tpu.memory_space<vmem>>, vector<1250x16xf32>
    tpu.vector_store %arg12[%swap3A_363, %swap3A_364], %add3A_362 {strides = array<i32>} : memref<1250x128xf32, #tpu.memory_space<vmem>>, vector<1250x16xf32>,
    return
  }
}

</mosaic_0001>

<sc_bundles>
// kernel: kernel.16.cloned.1.call-start
scs
__scs_entry_jumppad:
0x0: {  	(pc) =	sbr.rel $0x88, $3  }
0x1: {  	(tag) =	ssettag $0x0;
	lr =	simm.s32 $0x1  }
0x2: {  	[smem:$0x3F91] =	sst lr;
	_ =	strace $0xD0000000  }
0x3: {  	_ = 	snop  }
0x4: {  	_ = 	snop  }
0x5: {  	_ = 	snop  }
0x6: {  	_ = 	snop  }
0x7: {  	_ = 	snop  }
__scs_overlays_trampoline_lowered:
0x8: {  	[smem:$0x3FA0] =	sst s0  }
0x9: {  	[smem:$0x3FA1] =	sst s1  }
0xa: {  	[smem:$0x3FA2] =	sst s2  }
0xb: {  	[smem:$0x3FA3] =	sst s3  }
0xc: {  	[smem:$0x3FA4] =	sst s4  }
0xd: {  	[smem:$0x3FA5] =	sst s5  }
0xe: {  	[smem:$0x3FA6] =	sst s6  }
0xf: {  	[smem:$0x3FA7] =	sst s7  }
0x10: {  	[smem:$0x3FA8] =	sst s8  }
0x11: {  	[smem:$0x3FA9] =	sst s9;
	s0 =	simm.s32 @!p0 $0x0  }
0x12: {  	s1 =	sld [smem:$0x3F8F];
	s0 =	simm.s32 @p0 $0x1  }
0x13: {  	[smem:$0x3FAA] =	sst s0;
	s0 =	simm.s32 @!p1 $0x0  }
0x14: {  	s2 =	sld [smem:$0x3F8E];
	s0 =	simm.s32 @p1 $0x1  }
0x15: {  	[smem:$0x3FAB] =	sst s0;
	s0 =	simm.s32 @!p2 $0x0  }
0x16: {  	s3 =	sld [smem:$0x3FDB];
	s0 =	simm.s32 @p2 $0x1  }
0x17: {  	s4 =	simm.s32 $0x1BF5;
	[smem:$0x3FAD] =	sst s0  }
0x18: {  	s0 =	sld [smem:$0x3F90];
	_ =	swait.ge [sflag:s4], $0x0  }
0x19: {  	s7 =	sld [smem:$0x3F91]  }
0x1a: {  	s8 =	sadd.s32 $0xFFFFE003, lr  }
0x1b: {  	s9 =	sadd.s32 $0xFFFFFEF7, lr;
	s5 =	simm.s32 $0xFFFFFFFF;
	p2 =	slt.u32 s8, $0xFFFFF086  }
0x1c: {  	p1 =	slt.u32 s9, $0xF7A;
	s5 =	simm.s32 @!p2 $0x0  }
0x1d: {  	s5 =	simm.s32 @p1 $0x1;
	p0 =	seq.s32 s7, s2  }
0x1e: {  	s7 =	smul.u32 @!p0 $0xF7A, s2;
	p2 =	seq.s32 @!p0 s5, $0x0  }
0x1f: {  	s9 =	smul.u32 $0xF7A, s1;
	s8 =	simm.s32 @!p0 $0x1BF5;
	p2 =	por !p2, p0  }
0x20: {  	[sflag:s8] =	ssyncset.s32 @!p0 $0xFFFFF086;
	s6 =	sadd.s32 @!p0 s3, s7;
	s7 =	simm.s32 @!p0 $0x108  }
0x21: {  	s3 =	sadd.s32 s3, s9;
	s6 =	sadd.s32 @!p0 $0x88, s6;
	s7 =	simm.s32 @p2 $0x1082  }
0x22: {  	[simem:s7], [sflag:s8] =	dma.local @!p0 [hbm:s6], $0xF7A  }
0x23: {  	s9 =	sor.u32 $0xD0000000, s2;
	s6 =	simm.s32 $0x108;
	_ =	swait.ge @!p0 [sflag:s8], $0x0  }
0x24: {  	s3 =	sadd.s32 $0x88, s3;
	s6 =	simm.s32 @!p1 $0x1082;
	[sflag:s4] =	ssyncset.s32 $0xFFFFF086  }
0x25: {  	[simem:s6], [sflag:s4] =	dma.local [hbm:s3], $0xF7A  }
0x26: {  	[smem:$0x3F91] =	sst s1;
	(tag) =	ssettag s2;
	_ =	strace s9  }
0x27: {  	s1 =	sld [smem:$0x3FA1]  }
0x28: {  	s2 =	sld [smem:$0x3FA2]  }
0x29: {  	s4 =	sld [smem:$0x3FA4]  }
0x2a: {  	p0 =	seq.s32 s5, $0x0;
	s5 =	sld [smem:$0x3FA5]  }
0x2b: {  	s6 =	sld [smem:$0x3FA6]  }
0x2c: {  	s7 =	sld [smem:$0x3FA7]  }
0x2d: {  	s3 =	simm.s32 $0x108;
	s8 =	sld [smem:$0x3FA8]  }
0x2e: {  	s3 =	simm.s32 @!p0 $0x1082;
	s9 =	sld [smem:$0x3FA9]  }
0x2f: {  	lr =	sadd.s32 s0, s3;
	s0 =	sld [smem:$0x3FA0]  }
0x30: {  	s3 =	sld [smem:$0x3FA3]  }
0x31: {  	[smem:$0x3FAC] =	sst s10  }
0x32: {  	s10 =	sld [smem:$0x3FAA];
	_ =	sdelay $0x3  }
0x33: {  	p0 =	seq.s32 s10, $0x1;
	s10 =	sld [smem:$0x3FAC];
	_ =	sdelay $0x3  }
0x34: {  	[smem:$0x3FAC] =	sst s10  }
0x35: {  	s10 =	sld [smem:$0x3FAB];
	_ =	sdelay $0x3  }
0x36: {  	p1 =	seq.s32 s10, $0x1;
	s10 =	sld [smem:$0x3FAC];
	_ =	sdelay $0x3  }
0x37: {  	[smem:$0x3FAC] =	sst s10  }
0x38: {  	s10 =	sld [smem:$0x3FAD]  }
0x39: {  	_ = 	snop;
	(pc) =	sbr.ind lr, $3  }
0x3a: {  	_ = 	snop  }
0x3b: {  	_ = 	snop  }
0x3c: {  	p2 =	seq.s32 s10, $0x1;
	s10 =	sld [smem:$0x3FAC]  }
0x3d: {  	_ =	shalt  }
0x3e: {  	_ =	shalt  }
0x3f: {  	_ =	shalt  }
0x40: {  	_ =	shalt  }
0x41: {  	_ =	shalt  }
0x42: {  	_ =	shalt  }
0x43: {  	_ =	shalt  }
0x44: {  	_ =	shalt  }
0x45: {  	_ =	shalt  }
0x46: {  	_ =	shalt  }
0x47: {  	_ =	shalt  }
0x48: {  	_ =	shalt  }
0x49: {  	_ =	shalt  }
0x4a: {  	_ =	shalt  }
0x4b: {  	_ =	shalt  }
0x4c: {  	_ =	shalt  }
0x4d: {  	_ =	shalt  }
0x4e: {  	_ =	shalt  }
0x4f: {  	_ =	shalt  }
0x50: {  	_ =	shalt  }
0x51: {  	_ =	shalt  }
0x52: {  	_ =	shalt  }
0x53: {  	_ =	shalt  }
0x54: {  	_ =	shalt  }
0x55: {  	_ =	shalt  }
0x56: {  	_ =	shalt  }
0x57: {  	_ =	shalt  }
0x58: {  	_ =	shalt  }
0x59: {  	_ =	shalt  }
0x5a: {  	_ =	shalt  }
0x5b: {  	_ =	shalt  }
0x5c: {  	_ =	shalt  }
0x5d: {  	_ =	shalt  }
0x5e: {  	_ =	shalt  }
0x5f: {  	_ =	shalt  }
0x60: {  	_ =	shalt  }
0x61: {  	_ =	shalt  }
0x62: {  	_ =	shalt  }
0x63: {  	_ =	shalt  }
0x64: {  	_ =	shalt  }
0x65: {  	_ =	shalt  }
0x66: {  	_ =	shalt  }
0x67: {  	_ =	shalt  }
0x68: {  	_ =	shalt  }
0x69: {  	_ =	shalt  }
0x6a: {  	_ =	shalt  }
0x6b: {  	_ =	shalt  }
0x6c: {  	_ =	shalt  }
0x6d: {  	_ =	shalt  }
0x6e: {  	_ =	shalt  }
0x6f: {  	_ =	shalt  }
0x70: {  	_ =	shalt  }
0x71: {  	_ =	shalt  }
0x72: {  	_ =	shalt  }
0x73: {  	_ =	shalt  }
0x74: {  	_ =	shalt  }
0x75: {  	_ =	shalt  }
0x76: {  	_ =	shalt  }
0x77: {  	_ =	shalt  }
0x78: {  	_ =	shalt  }
0x79: {  	_ =	shalt  }
0x7a: {  	_ =	shalt  }
0x7b: {  	_ =	shalt  }
0x7c: {  	_ =	shalt  }
0x7d: {  	_ =	shalt  }
0x7e: {  	_ =	shalt  }
0x7f: {  	_ =	shalt  }
0x80: {  	_ =	shalt  }
0x81: {  	_ =	shalt  }
0x82: {  	_ =	shalt  }
0x83: {  	_ =	shalt  }
0x84: {  	_ =	shalt  }
0x85: {  	_ =	shalt  }
0x86: {  	_ =	shalt  }
0x87: {  	_ =	shalt  }
.Lfunc_end0:
.L_simem_size_0:
called_computation_lowered:
.L_overlay_start_0:
0x88: {  	s2 =	sld [smem:$0x3FD9]  }
0x89: {  	s3 =	sld [smem:$0x3FFE];
	_ =	sdelay $0x1  }
0x8a: {  	s1 =	srdreg.scid  }
0x8b: {  	s0 =	sand.u32 $0x1, s1  }
0x8c: {  	s17 =	sshll.u32 s0, $0xA;
	s2 =	sadd.s32 s3, s2  }
0x8d: {  	s2 =	sadd.s32 s2, s17  }
0x8e: {  	[smem:$0x3FB8] =	sst s2  }
0x8f: {  	_ = 	snop  }
0x90: {  	(tm) =	ssettm $0x1  }
0x91: {  	s18 =	sld [smem:$0x3FFB];
	_ =	sdelay $0x3  }
0x92: {  	_ =	strace s18  }
0x93: {  	s2 =	sld [smem:$0x3FFC];
	_ =	sdelay $0x3  }
0x94: {  	_ =	strace s2  }
0x95: {  	s2 =	sld [smem:$0x3FFD];
	_ =	sdelay $0x3  }
0x96: {  	_ =	strace s2  }
0x97: {  	_ =	strace $0x8FFFFFFF  }
0x98: {  	s19 =	sld [smem:$0x3FDB];
	_ =	sdelay $0x1  }
0x99: {  	s20 =	simm.s32 $_scs_section_size  }
0x9a: {  	s4 =	simm.s32 $_size__tile_overlayer_lowered;
	s5 =	simm.s32 $_tile_overlayer_lowered  }
0x9b: {  	s6 =	simm.s32 $0x1BFF;
	s21 =	sshll.u32 s5, $0x1;
	s3 =	sadd.s32 s20, s19  }
0x9c: {  	s22 =	simm.s32 $0x0;
	s4 =	sshll.u32 s4, $0x1;
	s5 =	sadd.s32 s21, s3  }
0x9d: {  	[timem:s22], [sflag:s6] =	dma.local [hbm:s5], s4  }
0x9e: {  	_ =	swait.ge [sflag:s6], s4  }
0x9f: {  	s4 =	ssub.s32 $0x0, s4;
	[sflag:s6] =	ssyncset.done $0x0  }
0xa0: {  	[sflag:s6] =	ssyncadd.s32 s4;
	_ =	sdelay $0x1  }
0xa1: {  	s23 =	simm.s32 $0x1B8B  }
0xa2: {  	_ =	swait.ge [sflag:s23], $0x1  }
0xa3: {  	[sflag:s23] =	ssyncset.done $0x0  }
0xa4: {  	[sflag:s23] =	ssyncadd.s32 $0xFFFFFFFF  }
0xa5: {  	s4 =	sld [smem:$0x0]  }
0xa6: {  	s5 =	sand.u32 $0xFFFFFFFE, s1  }
0xa7: {  	p0 =	sne.s32 s1, s5  }
0xa8: {  	s5 =	sshll.u32 @p0 s5, $0xE  }
0xa9: {  	s5 =	sadd.s32 @p0 $0x11B8D, s5;
	s6 =	sshll.u32 @p0 s4, $0x11  }
0xaa: {  	s5 =	sor.u32 @p0 s6, s5  }
0xab: {  	[sflag:s5] =	ssyncadd.remote.s32 @p0 $0x1;
	_ =	sdelay $0x1  }
0xac: {  	s5 =	simm.s32 @p0 $0x1B8D  }
0xad: {  	_ =	swait.eq @p0 [sflag:s5], $0x1  }
0xae: {  	[sflag:s5] =	ssyncadd.s32 @p0 $0xFFFFFFFF  }
0xaf: {  	s6 =	sshll.u32 @!p0 s1, $0xE  }
0xb0: {  	s6 =	sor.u32 @!p0 $0x4000, s6;
	s5 =	simm.s32 @!p0 $0x1B8D  }
0xb1: {  	s4 =	sshll.u32 @!p0 s4, $0x11;
	s6 =	sadd.s32 @!p0 $0x11B8D, s6;
	_ =	swait.eq @!p0 [sflag:s5], $0x1  }
0xb2: {  	s4 =	sor.u32 @!p0 s4, s6;
	[sflag:s5] =	ssyncadd.s32 @!p0 $0xFFFFFFFF  }
0xb3: {  	s25 =	simm.s32 $0x1B8E;
	s24 =	sld [smem:$0x3FFE];
	[sflag:s4] =	ssyncadd.remote.s32 @!p0 $0x1  }
0xb4: {  	s26 =	simm.s32 $execute0_lowered;
	[smem:$0x3FD2] =	sst s25  }
0xb5: {  	s5 =	sshll.u32 s26, $0x1;
	_ =	strace $0x80000049;
	[dreg:$0x1] =	wrdreg $0xFFFFFFFF  }
0xb6: {  	s28 =	simm.s32 $_size_execute0_lowered;
	s3 =	sadd.s32 s3, s5;
	[dreg:$0x0] =	wrdreg $0x0  }
0xb7: {  	s5 =	sshll.u32 s28, $0x1;
	[dreg:$0x2] =	wrdreg s3  }
0xb8: {  	[dreg:$0x3] =	wrdreg s5  }
0xb9: {  	[dreg:$0x4] =	wrdreg $0xC0  }
0xba: {  	_ =	task [dreg:s22], $0x5FFFF  }
0xbb: {  	[dreg:$0x1] =	wrdreg $0xFFFFFFFF  }
0xbc: {  	[dreg:$0x0] =	wrdreg $0x60  }
0xbd: {  	[dreg:$0x2] =	wrdreg s24  }
0xbe: {  	[dreg:$0x3] =	wrdreg $0x42E00  }
0xbf: {  	[dreg:$0x4] =	wrdreg $0x9  }
0xc0: {  	_ =	task.clear_ibuf [dreg:s22], $0x5FFFF;
	_ =	strace $0x90000049  }
0xc1: {  	s29 =	simm.s32 $0x9;
	_ =	strace $0x8000004B  }
0xc2: {  	_ =	swait.ge [sflag:s29], $0x1  }
0xc3: {  	[sflag:s29] =	ssyncadd.s32 $0xFFFFFFFF  }
0xc4: {  	_ =	strace $0x9000004B  }
0xc5: {  	_ =	sfence  }
0xc6: {  	s30 =	sld [smem:$0x0];
	_ =	sdelay $0x2  }
0xc7: {  	s31 =	sshll.u32 s1, $0xD;
	s1 =	sshrl.u32 s1, $0x2  }
0xc8: {  	s4 =	sand.u32 $0x4000, s31;
	s1 =	sadd.s32 s1, s30  }
0xc9: {  	s0 =	sor.u32 s4, s0;
	s1 =	sshll.u32 s1, $0x11  }
0xca: {  	s0 =	sor.u32 s1, s0  }
0xcb: {  	s0 =	sadd.s32 $0x8F2B, s0  }
0xcc: {  	[sflag:s0] =	ssyncadd.remote.s32 $0x1  }
0xcd: {  	_ =	sfence.sel $0xFFFF  }
0xce: {  	[dreg:$0x0] =	wrdreg $0xFFFFFFFF;
	(pc) =	sbr.abs _section_cstart, $3  }
0xcf: {  	[dreg:$0x1] =	wrdreg $0xFFFFFFFF  }
0xd0: {  	_ =	task.clear_ibuf [dreg:s22], $0x2FFFF;
	_ =	strace $0x9FFFFFFF  }
0xd1: {  	(tm) =	ssettm $0x7FFFFFFF  }
tec
execute0_lowered:
.L_overlay_start_1:
0x0: {  	(tag) =	ssettag $0x1  }
0x1: {  	s1 =	srdreg.scid;
	s4 =	rddreg [dreg:$0x0]  }
0x2: {  	s0 =	stileid.u32;
	s2 =	rddreg [dreg:$0x1];
	s3 =	simm.s32 $0x0  }
0x3: {  	s10 =	simm.s32 $0x7D;
	s5 =	sand.u32 $0x1, s1;
	s1 =	rddreg [dreg:$0x2]  }
0x4: {  	s11 =	simm.s32 $0x1400;
	s6 =	smul.u32 $0x2710, s0;
	[smem:$0x7FF] =	sst s3  }
0x5: {  	s12 =	sshll.u32 s0, $0x6;
	s7 =	sshll.u32 s5, $0x4;
	s8 =	smul.u32 $0x27100, s5  }
0x6: {  	_ =	strace $0x8000004A;
	s5 =	ssub.s32 $0x2, s5;
	s7 =	sor.u32 s0, s7  }
0x7: {  	s31 =	sshrl.u32 s5, $0x1;
	s7 =	smul.u32 $0x280, s7;
	s8 =	sadd.s32 s6, s8  }
0x8: {  	s12 =	sor.u32 $0x1C01, s12;
	s9 =	ssub.s32 s5, s31;
	s8 =	sshrl.u32 s8, $0x3  }
0x9: {  	s7 =	sadd.s32 s7, s4;
	s8 =	sadd.s32 s8, s4;
	s4 =	sadd.s32 s6, s2  }
0xa: {  	s5 =	sadd.s32 $0x58C00, s7;
	s6 =	sadd.s32 $0x5DC00, s8;
	s7 =	smax.u32 s9, $0x1  }
0xb: {  	v0 =	vimm.f32 $0.0e+00;
	v1 =	vimm.f32 $1.000000000e+00;
	s8 =	simm.s32 $0x1BD0;
	s9 =	simm.s32 $0x1;
	s13 =	sshrl.u32 s4, $0x3  }
.LBB2_1:
0xc: {  	s14 =	simm.s32 $0x0  }
.LBB2_2:
0xd: {  	p0 =	sne.s32 s14, $0x9C00  }
.Ltmp0:
0xe: {  	_ = 	snop;
	(pc) =	sbr.rel @p0 .LBB2_2-.Ltmp0, $3  }
0xf: {  	_ =	sdelay $0x1  }
0x10: {  	s15 =	sshra.s32 s14, $0x2  }
0x11: {  	s14 =	sadd.s32 $0x40, s14;
	[tilespmem:s15+$0x1BD0] =	vst v0  }
0x12: {  	s14 =	simm.s32 $0x40;
	s15 =	simm.s32 $0x0  }
.LBB2_4:
0x13: {  	p0 =	sne.s32 s14, $0x1F00;
	[tilespmem:s15+$0x1400] =	vst v1;
	s15 =	smov.u32 s14;
	s14 =	sadd.s32 $0x40, s14  }
.Ltmp1:
0x14: {  	(pc) =	sbr.rel @p0 .LBB2_4-.Ltmp1, $2  }
0x15: {  	_ =	sdelay $0x2  }
0x16: {  	s15 =	sshra.s32 s15, $0x2  }
0x17: {  	[tilespmem:s15+$0x1400] =	vst v1  }
0x18: {  	[spmem:s4] =	stream.linear.scatter [tilespmem:s8], [sflag:$0x1], $0x2710, $0x38;
	[tilespmem:$0x69F0] =	vst v63  }
0x19: {  	_ =	swait.ge [sflag:s9], $0x2710  }
0x1a: {  	[sflag:s9] =	ssyncset.done $0x0  }
0x1b: {  	s14 =	simm.s32 $0x0;
	[sflag:s9] =	ssyncadd.s32 $0xFFFFD8F0  }
0x1c: {  	[tilespmem:s14], [sflag:$0x1] =	stream.linear.gather [hbm4b:s5+s14], $0x1400, $0x38;
	[tilespmem:$0x69F0] =	vst v63  }
0x1d: {  	_ =	swait.ge [sflag:s9], $0x1400  }
0x1e: {  	[sflag:s9] =	ssyncset.done $0x0  }
0x1f: {  	[sflag:s9] =	ssyncadd.s32 $0xFFFFEC00  }
0x20: {  	s31 =	simm.s32 $0x0;
	[bflag:$0x0] =	sbarrier.arrive $0xFFFF  }
0x21: {  	[spmem:s2] =	stream.indirect.scatter.add.f32 [tilespmem:s11], [sflag:$0x1], $0x10, s31, s10, $0xb8;
	[tilespmem:$0x69F0] =	vst v63  }
0x22: {  	_ =	swait.ge [sflag:s9], $0x7D0  }
0x23: {  	s14 =	simm.s32 $0x200;
	[sflag:s9] =	ssyncset.done $0x0  }
.LBB2_6:
0x24: {  	s15 =	sshra.s32 s14, $0x2;
	[sflag:s9] =	ssyncadd.s32 $0xFFFFF830;
	p0 =	sne.s32 s14, $0x4E00  }
0x25: {  	[spmem:s2] =	stream.indirect.scatter.add.f32 [tilespmem:s11], [sflag:$0x1], $0x10, s15, s10, $0xb8;
	[tilespmem:$0x69F0] =	vst v63  }
.Ltmp2:
0x26: {  	_ = 	snop;
	(pc) =	sbr.rel @p0 .LBB2_6-.Ltmp2, $4  }
0x27: {  	_ = 	snop  }
0x28: {  	s14 =	sadd.s32 $0x200, s14  }
0x29: {  	_ =	swait.ge [sflag:s9], $0x7D0  }
0x2a: {  	[sflag:s9] =	ssyncset.done $0x0  }
0x2b: {  	s3 =	sadd.s32 $0x1, s3  }
0x2c: {  	[sflag:s9] =	ssyncadd.s32 $0xFFFFF830;
	p0 =	sne.s32 s3, s7  }
.Ltmp3:
0x2d: {  	[bflag:$0x0] =	sbarrier.arrive $0xFFFF;
	(pc) =	sbr.rel @p0 .LBB2_1-.Ltmp3, $4  }
0x2e: {  	[hbm:s6], [sflag:s12] =	dma.local [spmem:s13], $0x4E2  }
0x2f: {  	_ =	swait.ge [sflag:s9], $0x4E2  }
0x30: {  	[sflag:s9] =	ssyncset.done $0x0  }
0x31: {  	[sflag:s9] =	ssyncadd.s32 $0xFFFFFB1E  }
0x32: {  	_ =	sfence.sel $0x180000  }
0x33: {  	[bflag:$0x0] =	sbarrier.arrive $0xFFFF  }
0x34: {  	p0 =	sne.s32 s0, $0x0;
	_ =	strace $0x9000004A  }
0x35: {  	s0 =	sadd.s32 @!p0 $0x100000, s1;
	[bflag:$0x2] =	sbarrier.arrive $0xFFFF  }
0x36: {  	[sflag:s0] =	ssyncadd.tile.s32 @!p0 $0x1;
	_ =	shalt  }
.Lfunc_end2:
_tile_overlayer_lowered:
.L_overlay_start_2:
0x37: {  	(tag) =	ssettag $0x2  }
0x38: {  	s0 =	rddreg [dreg:$0x0];
	s2 =	stileid.u32  }
0x39: {  	s1 =	rddreg [dreg:$0x1];
	p0 =	sne.s32 s2, $0x0  }
0x3a: {  	s3 =	rddreg [dreg:$0x2];
	[bflag:$0x3] =	sbarrier.arrive $0xFFFF;
	s2 =	simm.s32 @!p0 $0x1C01  }
0x3b: {  	[timem:s3], [sflag:s2] =	dma.local @!p0 [hbm:s0], s1  }
0x3c: {  	s0 =	simm.s32 @!p0 $0x1  }
0x3d: {  	_ =	swait.ge @!p0 [sflag:s0], s1  }
0x3e: {  	s1 =	ssub.s32 @!p0 $0x0, s1;
	[sflag:s0] =	ssyncset.done @!p0 $0x0  }
0x3f: {  	[sflag:s0] =	ssyncadd.s32 @!p0 s1  }
0x40: {  	[bflag:$0x3] =	sbarrier.arrive $0xFFFF  }
0x41: {  	_ =	shalt  }

// kernel: kernel.19.cloned.1.call-start
scs
__scs_entry_jumppad:
0x0: {  	(pc) =	sbr.rel $0x88, $3  }
0x1: {  	(tag) =	ssettag $0x0;
	lr =	simm.s32 $0x1  }
0x2: {  	[smem:$0x3F91] =	sst lr;
	_ =	strace $0xD0000000  }
0x3: {  	_ = 	snop  }
0x4: {  	_ = 	snop  }
0x5: {  	_ = 	snop  }
0x6: {  	_ = 	snop  }
0x7: {  	_ = 	snop  }
__scs_overlays_trampoline_lowered:
0x8: {  	[smem:$0x3FA0] =	sst s0  }
0x9: {  	[smem:$0x3FA1] =	sst s1  }
0xa: {  	[smem:$0x3FA2] =	sst s2  }
0xb: {  	[smem:$0x3FA3] =	sst s3  }
0xc: {  	[smem:$0x3FA4] =	sst s4  }
0xd: {  	[smem:$0x3FA5] =	sst s5  }
0xe: {  	[smem:$0x3FA6] =	sst s6  }
0xf: {  	[smem:$0x3FA7] =	sst s7  }
0x10: {  	[smem:$0x3FA8] =	sst s8  }
0x11: {  	[smem:$0x3FA9] =	sst s9;
	s0 =	simm.s32 @!p0 $0x0  }
0x12: {  	s1 =	sld [smem:$0x3F8F];
	s0 =	simm.s32 @p0 $0x1  }
0x13: {  	[smem:$0x3FAA] =	sst s0;
	s0 =	simm.s32 @!p1 $0x0  }
0x14: {  	s2 =	sld [smem:$0x3F8E];
	s0 =	simm.s32 @p1 $0x1  }
0x15: {  	[smem:$0x3FAB] =	sst s0;
	s0 =	simm.s32 @!p2 $0x0  }
0x16: {  	s3 =	sld [smem:$0x3FDB];
	s0 =	simm.s32 @p2 $0x1  }
0x17: {  	s4 =	simm.s32 $0x1BF5;
	[smem:$0x3FAD] =	sst s0  }
0x18: {  	s0 =	sld [smem:$0x3F90];
	_ =	swait.ge [sflag:s4], $0x0  }
0x19: {  	s7 =	sld [smem:$0x3F91]  }
0x1a: {  	s8 =	sadd.s32 $0xFFFFE003, lr  }
0x1b: {  	s9 =	sadd.s32 $0xFFFFFEF7, lr;
	s5 =	simm.s32 $0xFFFFFFFF;
	p2 =	slt.u32 s8, $0xFFFFF086  }
0x1c: {  	p1 =	slt.u32 s9, $0xF7A;
	s5 =	simm.s32 @!p2 $0x0  }
0x1d: {  	s5 =	simm.s32 @p1 $0x1;
	p0 =	seq.s32 s7, s2  }
0x1e: {  	s7 =	smul.u32 @!p0 $0xF7A, s2;
	p2 =	seq.s32 @!p0 s5, $0x0  }
0x1f: {  	s9 =	smul.u32 $0xF7A, s1;
	s8 =	simm.s32 @!p0 $0x1BF5;
	p2 =	por !p2, p0  }
0x20: {  	[sflag:s8] =	ssyncset.s32 @!p0 $0xFFFFF086;
	s6 =	sadd.s32 @!p0 s3, s7;
	s7 =	simm.s32 @!p0 $0x108  }
0x21: {  	s3 =	sadd.s32 s3, s9;
	s6 =	sadd.s32 @!p0 $0x88, s6;
	s7 =	simm.s32 @p2 $0x1082  }
0x22: {  	[simem:s7], [sflag:s8] =	dma.local @!p0 [hbm:s6], $0xF7A  }
0x23: {  	s9 =	sor.u32 $0xD0000000, s2;
	s6 =	simm.s32 $0x108;
	_ =	swait.ge @!p0 [sflag:s8], $0x0  }
0x24: {  	s3 =	sadd.s32 $0x88, s3;
	s6 =	simm.s32 @!p1 $0x1082;
	[sflag:s4] =	ssyncset.s32 $0xFFFFF086  }
0x25: {  	[simem:s6], [sflag:s4] =	dma.local [hbm:s3], $0xF7A  }
0x26: {  	[smem:$0x3F91] =	sst s1;
	(tag) =	ssettag s2;
	_ =	strace s9  }
0x27: {  	s1 =	sld [smem:$0x3FA1]  }
0x28: {  	s2 =	sld [smem:$0x3FA2]  }
0x29: {  	s4 =	sld [smem:$0x3FA4]  }
0x2a: {  	p0 =	seq.s32 s5, $0x0;
	s5 =	sld [smem:$0x3FA5]  }
0x2b: {  	s6 =	sld [smem:$0x3FA6]  }
0x2c: {  	s7 =	sld [smem:$0x3FA7]  }
0x2d: {  	s3 =	simm.s32 $0x108;
	s8 =	sld [smem:$0x3FA8]  }
0x2e: {  	s3 =	simm.s32 @!p0 $0x1082;
	s9 =	sld [smem:$0x3FA9]  }
0x2f: {  	lr =	sadd.s32 s0, s3;
	s0 =	sld [smem:$0x3FA0]  }
0x30: {  	s3 =	sld [smem:$0x3FA3]  }
0x31: {  	[smem:$0x3FAC] =	sst s10  }
0x32: {  	s10 =	sld [smem:$0x3FAA];
	_ =	sdelay $0x3  }
0x33: {  	p0 =	seq.s32 s10, $0x1;
	s10 =	sld [smem:$0x3FAC];
	_ =	sdelay $0x3  }
0x34: {  	[smem:$0x3FAC] =	sst s10  }
0x35: {  	s10 =	sld [smem:$0x3FAB];
	_ =	sdelay $0x3  }
0x36: {  	p1 =	seq.s32 s10, $0x1;
	s10 =	sld [smem:$0x3FAC];
	_ =	sdelay $0x3  }
0x37: {  	[smem:$0x3FAC] =	sst s10  }
0x38: {  	s10 =	sld [smem:$0x3FAD]  }
0x39: {  	_ = 	snop;
	(pc) =	sbr.ind lr, $3  }
0x3a: {  	_ = 	snop  }
0x3b: {  	_ = 	snop  }
0x3c: {  	p2 =	seq.s32 s10, $0x1;
	s10 =	sld [smem:$0x3FAC]  }
0x3d: {  	_ =	shalt  }
0x3e: {  	_ =	shalt  }
0x3f: {  	_ =	shalt  }
0x40: {  	_ =	shalt  }
0x41: {  	_ =	shalt  }
0x42: {  	_ =	shalt  }
0x43: {  	_ =	shalt  }
0x44: {  	_ =	shalt  }
0x45: {  	_ =	shalt  }
0x46: {  	_ =	shalt  }
0x47: {  	_ =	shalt  }
0x48: {  	_ =	shalt  }
0x49: {  	_ =	shalt  }
0x4a: {  	_ =	shalt  }
0x4b: {  	_ =	shalt  }
0x4c: {  	_ =	shalt  }
0x4d: {  	_ =	shalt  }
0x4e: {  	_ =	shalt  }
0x4f: {  	_ =	shalt  }
0x50: {  	_ =	shalt  }
0x51: {  	_ =	shalt  }
0x52: {  	_ =	shalt  }
0x53: {  	_ =	shalt  }
0x54: {  	_ =	shalt  }
0x55: {  	_ =	shalt  }
0x56: {  	_ =	shalt  }
0x57: {  	_ =	shalt  }
0x58: {  	_ =	shalt  }
0x59: {  	_ =	shalt  }
0x5a: {  	_ =	shalt  }
0x5b: {  	_ =	shalt  }
0x5c: {  	_ =	shalt  }
0x5d: {  	_ =	shalt  }
0x5e: {  	_ =	shalt  }
0x5f: {  	_ =	shalt  }
0x60: {  	_ =	shalt  }
0x61: {  	_ =	shalt  }
0x62: {  	_ =	shalt  }
0x63: {  	_ =	shalt  }
0x64: {  	_ =	shalt  }
0x65: {  	_ =	shalt  }
0x66: {  	_ =	shalt  }
0x67: {  	_ =	shalt  }
0x68: {  	_ =	shalt  }
0x69: {  	_ =	shalt  }
0x6a: {  	_ =	shalt  }
0x6b: {  	_ =	shalt  }
0x6c: {  	_ =	shalt  }
0x6d: {  	_ =	shalt  }
0x6e: {  	_ =	shalt  }
0x6f: {  	_ =	shalt  }
0x70: {  	_ =	shalt  }
0x71: {  	_ =	shalt  }
0x72: {  	_ =	shalt  }
0x73: {  	_ =	shalt  }
0x74: {  	_ =	shalt  }
0x75: {  	_ =	shalt  }
0x76: {  	_ =	shalt  }
0x77: {  	_ =	shalt  }
0x78: {  	_ =	shalt  }
0x79: {  	_ =	shalt  }
0x7a: {  	_ =	shalt  }
0x7b: {  	_ =	shalt  }
0x7c: {  	_ =	shalt  }
0x7d: {  	_ =	shalt  }
0x7e: {  	_ =	shalt  }
0x7f: {  	_ =	shalt  }
0x80: {  	_ =	shalt  }
0x81: {  	_ =	shalt  }
0x82: {  	_ =	shalt  }
0x83: {  	_ =	shalt  }
0x84: {  	_ =	shalt  }
0x85: {  	_ =	shalt  }
0x86: {  	_ =	shalt  }
0x87: {  	_ =	shalt  }
.Lfunc_end0:
.L_simem_size_0:
called_computation.1_lowered:
.L_overlay_start_0:
0x88: {  	s2 =	sld [smem:$0x3FD9]  }
0x89: {  	s3 =	sld [smem:$0x3FFE];
	_ =	sdelay $0x1  }
0x8a: {  	s1 =	srdreg.scid  }
0x8b: {  	s0 =	sand.u32 $0x1, s1  }
0x8c: {  	s17 =	sshll.u32 s0, $0xA;
	s2 =	sadd.s32 s3, s2  }
0x8d: {  	s2 =	sadd.s32 s2, s17  }
0x8e: {  	[smem:$0x3FB8] =	sst s2  }
0x8f: {  	_ = 	snop  }
0x90: {  	s2 =	sld [smem:$0x3FD0];
	(tm) =	ssettm $0x1  }
0x91: {  	s18 =	sld [smem:$0x3FFB];
	_ =	sdelay $0x3  }
0x92: {  	_ =	strace s18  }
0x93: {  	s3 =	sld [smem:$0x3FFC];
	_ =	sdelay $0x3  }
0x94: {  	_ =	strace s3  }
0x95: {  	s3 =	sld [smem:$0x3FFD];
	_ =	sdelay $0x3  }
0x96: {  	_ =	strace s3  }
0x97: {  	_ =	strace $0x8FFFFFFF  }
0x98: {  	s19 =	sld [smem:$0x3FDB];
	_ =	sdelay $0x1  }
0x99: {  	s4 =	simm.s32 $_scs_section_size  }
0x9a: {  	s5 =	simm.s32 $_size__tile_overlayer_lowered;
	s6 =	simm.s32 $_tile_overlayer_lowered  }
0x9b: {  	s22 =	simm.s32 $0x1BFF;
	s21 =	sshll.u32 s6, $0x1;
	s3 =	sadd.s32 s4, s19  }
0x9c: {  	s7 =	simm.s32 $0x0;
	s20 =	sshll.u32 s5, $0x1;
	s5 =	sadd.s32 s21, s3  }
0x9d: {  	[timem:s7], [sflag:s22] =	dma.local [hbm:s5], s20  }
0x9e: {  	_ =	swait.ge [sflag:s22], s20  }
0x9f: {  	s4 =	ssub.s32 $0x0, s20;
	[sflag:s22] =	ssyncset.done $0x0  }
0xa0: {  	[sflag:s22] =	ssyncadd.s32 s4;
	_ =	sdelay $0x1  }
0xa1: {  	s23 =	simm.s32 $0x1B8B  }
0xa2: {  	_ =	swait.ge [sflag:s23], $0x1  }
0xa3: {  	[sflag:s23] =	ssyncset.done $0x0  }
0xa4: {  	s25 =	simm.s32 $0x1B8E;
	s24 =	sld [smem:$0x3FFE];
	[sflag:s23] =	ssyncadd.s32 $0xFFFFFFFF  }
0xa5: {  	s26 =	simm.s32 $execute0_lowered;
	[smem:$0x3FD2] =	sst s25  }
0xa6: {  	s5 =	sshll.u32 s26, $0x1;
	_ =	strace $0x80000046;
	[dreg:$0x1] =	wrdreg $0xFFFFFFFF  }
0xa7: {  	s28 =	simm.s32 $_size_execute0_lowered;
	s3 =	sadd.s32 s3, s5;
	[dreg:$0x0] =	wrdreg $0x0  }
0xa8: {  	s5 =	sshll.u32 s28, $0x1;
	[dreg:$0x2] =	wrdreg s3  }
0xa9: {  	[dreg:$0x3] =	wrdreg s5  }
0xaa: {  	[dreg:$0x4] =	wrdreg $0xC0  }
0xab: {  	_ =	task [dreg:s7], $0x5FFFF  }
0xac: {  	[dreg:$0x1] =	wrdreg $0xFFFFFFFF  }
0xad: {  	[dreg:$0x0] =	wrdreg $0x60  }
0xae: {  	[dreg:$0x2] =	wrdreg s2  }
0xaf: {  	[dreg:$0x3] =	wrdreg s24  }
0xb0: {  	[dreg:$0x4] =	wrdreg $0xA  }
0xb1: {  	_ =	task.clear_ibuf [dreg:s7], $0x5FFFF;
	_ =	strace $0x90000046  }
0xb2: {  	s29 =	simm.s32 $0xA;
	_ =	strace $0x80000048  }
0xb3: {  	_ =	swait.ge [sflag:s29], $0x1  }
0xb4: {  	[sflag:s29] =	ssyncadd.s32 $0xFFFFFFFF  }
0xb5: {  	_ =	strace $0x90000048  }
0xb6: {  	_ =	sfence  }
0xb7: {  	s30 =	sld [smem:$0x0];
	_ =	sdelay $0x2  }
0xb8: {  	s31 =	sshll.u32 s1, $0xD;
	s1 =	sshrl.u32 s1, $0x2  }
0xb9: {  	s3 =	sand.u32 $0x4000, s31;
	s1 =	sadd.s32 s1, s30  }
0xba: {  	s0 =	sor.u32 s3, s0;
	s1 =	sshll.u32 s1, $0x11  }
0xbb: {  	s0 =	sor.u32 s1, s0  }
0xbc: {  	s0 =	sadd.s32 $0x8F2B, s0  }
0xbd: {  	[sflag:s0] =	ssyncadd.remote.s32 $0x1  }
0xbe: {  	_ =	sfence.sel $0xFFFF  }
0xbf: {  	[dreg:$0x0] =	wrdreg $0xFFFFFFFF;
	(pc) =	sbr.abs _section_cstart, $3  }
0xc0: {  	[dreg:$0x1] =	wrdreg $0xFFFFFFFF  }
0xc1: {  	_ =	task.clear_ibuf [dreg:s7], $0x2FFFF;
	_ =	strace $0x9FFFFFFF  }
0xc2: {  	(tm) =	ssettm $0x7FFFFFFF  }
0xc3: {  	_ =	shalt  }
tec
execute0_lowered:
.L_overlay_start_1:
0x0: {  	(tag) =	ssettag $0x1  }
0x1: {  	s0 =	srdreg.scid;
	s2 =	rddreg [dreg:$0x0]  }
0x2: {  	s5 =	rddreg [dreg:$0x1];
	s3 =	simm.s32 $0x0;
	s4 =	sand.u32 $0x1, s0  }
0x3: {  	s8 =	simm.s32 $0x7D;
	s0 =	stileid.u32;
	s1 =	sshll.u32 s4, $0x4  }
0x4: {  	s9 =	simm.s32 $0x1;
	s10 =	simm.s32 $0x1400;
	s6 =	sor.u32 s0, s1  }
0x5: {  	s11 =	simm.s32 $0x0;
	[smem:$0x7FF] =	sst s3;
	s7 =	smul.u32 $0x280, s6  }
0x6: {  	s4 =	ssub.s32 $0x2, s4;
	s1 =	rddreg [dreg:$0x2];
	s6 =	smul.u32 $0x2710, s6  }
0x7: {  	_ =	strace $0x80000047;
	s31 =	sshrl.u32 s4, $0x1;
	s7 =	sadd.s32 s7, s5  }
0x8: {  	s5 =	sadd.s32 s6, s5;
	s6 =	ssub.s32 s4, s31;
	s4 =	sadd.s32 $0x5A00, s7  }
0x9: {  	s5 =	sadd.s32 $0xAA00, s5;
	s6 =	smax.u32 s6, $0x1;
	s7 =	simm.s32 $0x2  }
.LBB2_1:
0xa: {  	[tilespmem:s3], [sflag:$0x2] =	stream.linear.gather [hbm4b:s4+s3], $0x1400, $0x38;
	[tilespmem:$0x14C80] =	vst v63  }
0xb: {  	_ =	swait.ge [sflag:s7], $0x1400  }
0xc: {  	[sflag:s7] =	ssyncset.done $0x0  }
0xd: {  	s12 =	simm.s32 $0x1400;
	s13 =	simm.s32 $0x0;
	[sflag:s7] =	ssyncadd.s32 $0xFFFFEC00  }
.LBB2_2:
0xe: {  	p0 =	sne.s32 s13, $0x4E00  }
.Ltmp0:
0xf: {  	_ = 	snop;
	(pc) =	sbr.rel @p0 .LBB2_2-.Ltmp0, $4  }
0x10: {  	_ = 	snop  }
0x11: {  	s14 =	sshra.s32 s13, $0x2  }
0x12: {  	[tilespmem:s12], [sflag:$0x1] =	stream.indirect.gather [hbm4b:s2+s8], $0x10, s14, s8, $0xb8;
	[tilespmem:$0x14C80] =	vst v63  }
0x13: {  	s13 =	sadd.s32 $0x200, s13;
	s12 =	sadd.s32 $0x7D0, s12  }
0x14: {  	_ =	swait.ge [sflag:s9], $0x7D0  }
0x15: {  	s12 =	simm.s32 $0x27;
	[sflag:s9] =	ssyncset.done $0x0  }
.LBB2_4:
0x16: {  	p0 =	sne.s32 s12, $0x1;
	s12 =	sadd.s32 $0xFFFFFFFF, s12;
	[sflag:s9] =	ssyncadd.s32 $0xFFFFF830  }
.Ltmp1:
0x17: {  	(pc) =	sbr.rel @p0 .LBB2_4-.Ltmp1, $3  }
0x18: {  	_ =	sdelay $0x1  }
0x19: {  	_ =	swait.ge [sflag:s9], $0x7D0  }
0x1a: {  	[sflag:s9] =	ssyncset.done $0x0  }
0x1b: {  	s11 =	sadd.s32 $0x1, s11  }
0x1c: {  	p0 =	sne.s32 s11, s6  }
.Ltmp2:
0x1d: {  	[sflag:s9] =	ssyncadd.s32 $0xFFFFF830;
	(pc) =	sbr.rel @p0 .LBB2_1-.Ltmp2, $4  }
0x1e: {  	[hbm4b:s5+s3] =	stream.linear.scatter [tilespmem:s10], [sflag:$0x2], $0x13880, $0x38;
	[tilespmem:$0x14C80] =	vst v63  }
0x1f: {  	_ =	swait.ge [sflag:s7], $0x13880  }
0x20: {  	[sflag:s7] =	ssyncset.done $0x0  }
0x21: {  	[sflag:s7] =	ssyncadd.s32 $0xFFFEC780  }
0x22: {  	_ =	sfence.sel $0x180000  }
0x23: {  	[bflag:$0x0] =	sbarrier.arrive $0xFFFF  }
0x24: {  	p0 =	sne.s32 s0, $0x0;
	_ =	strace $0x90000047  }
0x25: {  	s0 =	sadd.s32 @!p0 $0x100000, s1;
	[bflag:$0x2] =	sbarrier.arrive $0xFFFF  }
0x26: {  	[sflag:s0] =	ssyncadd.tile.s32 @!p0 $0x1;
	_ =	shalt  }
.Lfunc_end2:
_tile_overlayer_lowered:
.L_overlay_start_2:
0x27: {  	(tag) =	ssettag $0x2  }
0x28: {  	s0 =	rddreg [dreg:$0x0];
	s2 =	stileid.u32  }
0x29: {  	s1 =	rddreg [dreg:$0x1];
	p0 =	sne.s32 s2, $0x0  }
0x2a: {  	s3 =	rddreg [dreg:$0x2];
	[bflag:$0x3] =	sbarrier.arrive $0xFFFF;
	s2 =	simm.s32 @!p0 $0x1C02  }
0x2b: {  	[timem:s3], [sflag:s2] =	dma.local @!p0 [hbm:s0], s1  }
0x2c: {  	s0 =	simm.s32 @!p0 $0x2  }
0x2d: {  	_ =	swait.ge @!p0 [sflag:s0], s1  }
0x2e: {  	s1 =	ssub.s32 @!p0 $0x0, s1;
	[sflag:s0] =	ssyncset.done @!p0 $0x0  }
0x2f: {  	[sflag:s0] =	ssyncadd.s32 @!p0 s1  }
0x30: {  	[bflag:$0x3] =	sbarrier.arrive $0xFFFF  }
0x31: {  	_ =	shalt  }

// kernel: kernel.22.cloned.1.call-start
scs
__scs_entry_jumppad:
0x0: {  	(pc) =	sbr.rel $0x88, $3  }
0x1: {  	(tag) =	ssettag $0x0;
	lr =	simm.s32 $0x1  }
0x2: {  	[smem:$0x3F91] =	sst lr;
	_ =	strace $0xD0000000  }
0x3: {  	_ = 	snop  }
0x4: {  	_ = 	snop  }
0x5: {  	_ = 	snop  }
0x6: {  	_ = 	snop  }
0x7: {  	_ = 	snop  }
__scs_overlays_trampoline_lowered:
0x8: {  	[smem:$0x3FA0] =	sst s0  }
0x9: {  	[smem:$0x3FA1] =	sst s1  }
0xa: {  	[smem:$0x3FA2] =	sst s2  }
0xb: {  	[smem:$0x3FA3] =	sst s3  }
0xc: {  	[smem:$0x3FA4] =	sst s4  }
0xd: {  	[smem:$0x3FA5] =	sst s5  }
0xe: {  	[smem:$0x3FA6] =	sst s6  }
0xf: {  	[smem:$0x3FA7] =	sst s7  }
0x10: {  	[smem:$0x3FA8] =	sst s8  }
0x11: {  	[smem:$0x3FA9] =	sst s9;
	s0 =	simm.s32 @!p0 $0x0  }
0x12: {  	s1 =	sld [smem:$0x3F8F];
	s0 =	simm.s32 @p0 $0x1  }
0x13: {  	[smem:$0x3FAA] =	sst s0;
	s0 =	simm.s32 @!p1 $0x0  }
0x14: {  	s2 =	sld [smem:$0x3F8E];
	s0 =	simm.s32 @p1 $0x1  }
0x15: {  	[smem:$0x3FAB] =	sst s0;
	s0 =	simm.s32 @!p2 $0x0  }
0x16: {  	s3 =	sld [smem:$0x3FDB];
	s0 =	simm.s32 @p2 $0x1  }
0x17: {  	s4 =	simm.s32 $0x1BF5;
	[smem:$0x3FAD] =	sst s0  }
0x18: {  	s0 =	sld [smem:$0x3F90];
	_ =	swait.ge [sflag:s4], $0x0  }
0x19: {  	s7 =	sld [smem:$0x3F91]  }
0x1a: {  	s8 =	sadd.s32 $0xFFFFE003, lr  }
0x1b: {  	s9 =	sadd.s32 $0xFFFFFEF7, lr;
	s5 =	simm.s32 $0xFFFFFFFF;
	p2 =	slt.u32 s8, $0xFFFFF086  }
0x1c: {  	p1 =	slt.u32 s9, $0xF7A;
	s5 =	simm.s32 @!p2 $0x0  }
0x1d: {  	s5 =	simm.s32 @p1 $0x1;
	p0 =	seq.s32 s7, s2  }
0x1e: {  	s7 =	smul.u32 @!p0 $0xF7A, s2;
	p2 =	seq.s32 @!p0 s5, $0x0  }
0x1f: {  	s9 =	smul.u32 $0xF7A, s1;
	s8 =	simm.s32 @!p0 $0x1BF5;
	p2 =	por !p2, p0  }
0x20: {  	[sflag:s8] =	ssyncset.s32 @!p0 $0xFFFFF086;
	s6 =	sadd.s32 @!p0 s3, s7;
	s7 =	simm.s32 @!p0 $0x108  }
0x21: {  	s3 =	sadd.s32 s3, s9;
	s6 =	sadd.s32 @!p0 $0x88, s6;
	s7 =	simm.s32 @p2 $0x1082  }
0x22: {  	[simem:s7], [sflag:s8] =	dma.local @!p0 [hbm:s6], $0xF7A  }
0x23: {  	s9 =	sor.u32 $0xD0000000, s2;
	s6 =	simm.s32 $0x108;
	_ =	swait.ge @!p0 [sflag:s8], $0x0  }
0x24: {  	s3 =	sadd.s32 $0x88, s3;
	s6 =	simm.s32 @!p1 $0x1082;
	[sflag:s4] =	ssyncset.s32 $0xFFFFF086  }
0x25: {  	[simem:s6], [sflag:s4] =	dma.local [hbm:s3], $0xF7A  }
0x26: {  	[smem:$0x3F91] =	sst s1;
	(tag) =	ssettag s2;
	_ =	strace s9  }
0x27: {  	s1 =	sld [smem:$0x3FA1]  }
0x28: {  	s2 =	sld [smem:$0x3FA2]  }
0x29: {  	s4 =	sld [smem:$0x3FA4]  }
0x2a: {  	p0 =	seq.s32 s5, $0x0;
	s5 =	sld [smem:$0x3FA5]  }
0x2b: {  	s6 =	sld [smem:$0x3FA6]  }
0x2c: {  	s7 =	sld [smem:$0x3FA7]  }
0x2d: {  	s3 =	simm.s32 $0x108;
	s8 =	sld [smem:$0x3FA8]  }
0x2e: {  	s3 =	simm.s32 @!p0 $0x1082;
	s9 =	sld [smem:$0x3FA9]  }
0x2f: {  	lr =	sadd.s32 s0, s3;
	s0 =	sld [smem:$0x3FA0]  }
0x30: {  	s3 =	sld [smem:$0x3FA3]  }
0x31: {  	[smem:$0x3FAC] =	sst s10  }
0x32: {  	s10 =	sld [smem:$0x3FAA];
	_ =	sdelay $0x3  }
0x33: {  	p0 =	seq.s32 s10, $0x1;
	s10 =	sld [smem:$0x3FAC];
	_ =	sdelay $0x3  }
0x34: {  	[smem:$0x3FAC] =	sst s10  }
0x35: {  	s10 =	sld [smem:$0x3FAB];
	_ =	sdelay $0x3  }
0x36: {  	p1 =	seq.s32 s10, $0x1;
	s10 =	sld [smem:$0x3FAC];
	_ =	sdelay $0x3  }
0x37: {  	[smem:$0x3FAC] =	sst s10  }
0x38: {  	s10 =	sld [smem:$0x3FAD]  }
0x39: {  	_ = 	snop;
	(pc) =	sbr.ind lr, $3  }
0x3a: {  	_ = 	snop  }
0x3b: {  	_ = 	snop  }
0x3c: {  	p2 =	seq.s32 s10, $0x1;
	s10 =	sld [smem:$0x3FAC]  }
0x3d: {  	_ =	shalt  }
0x3e: {  	_ =	shalt  }
0x3f: {  	_ =	shalt  }
0x40: {  	_ =	shalt  }
0x41: {  	_ =	shalt  }
0x42: {  	_ =	shalt  }
0x43: {  	_ =	shalt  }
0x44: {  	_ =	shalt  }
0x45: {  	_ =	shalt  }
0x46: {  	_ =	shalt  }
0x47: {  	_ =	shalt  }
0x48: {  	_ =	shalt  }
0x49: {  	_ =	shalt  }
0x4a: {  	_ =	shalt  }
0x4b: {  	_ =	shalt  }
0x4c: {  	_ =	shalt  }
0x4d: {  	_ =	shalt  }
0x4e: {  	_ =	shalt  }
0x4f: {  	_ =	shalt  }
0x50: {  	_ =	shalt  }
0x51: {  	_ =	shalt  }
0x52: {  	_ =	shalt  }
0x53: {  	_ =	shalt  }
0x54: {  	_ =	shalt  }
0x55: {  	_ =	shalt  }
0x56: {  	_ =	shalt  }
0x57: {  	_ =	shalt  }
0x58: {  	_ =	shalt  }
0x59: {  	_ =	shalt  }
0x5a: {  	_ =	shalt  }
0x5b: {  	_ =	shalt  }
0x5c: {  	_ =	shalt  }
0x5d: {  	_ =	shalt  }
0x5e: {  	_ =	shalt  }
0x5f: {  	_ =	shalt  }
0x60: {  	_ =	shalt  }
0x61: {  	_ =	shalt  }
0x62: {  	_ =	shalt  }
0x63: {  	_ =	shalt  }
0x64: {  	_ =	shalt  }
0x65: {  	_ =	shalt  }
0x66: {  	_ =	shalt  }
0x67: {  	_ =	shalt  }
0x68: {  	_ =	shalt  }
0x69: {  	_ =	shalt  }
0x6a: {  	_ =	shalt  }
0x6b: {  	_ =	shalt  }
0x6c: {  	_ =	shalt  }
0x6d: {  	_ =	shalt  }
0x6e: {  	_ =	shalt  }
0x6f: {  	_ =	shalt  }
0x70: {  	_ =	shalt  }
0x71: {  	_ =	shalt  }
0x72: {  	_ =	shalt  }
0x73: {  	_ =	shalt  }
0x74: {  	_ =	shalt  }
0x75: {  	_ =	shalt  }
0x76: {  	_ =	shalt  }
0x77: {  	_ =	shalt  }
0x78: {  	_ =	shalt  }
0x79: {  	_ =	shalt  }
0x7a: {  	_ =	shalt  }
0x7b: {  	_ =	shalt  }
0x7c: {  	_ =	shalt  }
0x7d: {  	_ =	shalt  }
0x7e: {  	_ =	shalt  }
0x7f: {  	_ =	shalt  }
0x80: {  	_ =	shalt  }
0x81: {  	_ =	shalt  }
0x82: {  	_ =	shalt  }
0x83: {  	_ =	shalt  }
0x84: {  	_ =	shalt  }
0x85: {  	_ =	shalt  }
0x86: {  	_ =	shalt  }
0x87: {  	_ =	shalt  }
.Lfunc_end0:
.L_simem_size_0:
called_computation.2_lowered:
.L_overlay_start_0:
0x88: {  	s2 =	sld [smem:$0x3FD9]  }
0x89: {  	s3 =	sld [smem:$0x3FFE];
	_ =	sdelay $0x1  }
0x8a: {  	s1 =	srdreg.scid  }
0x8b: {  	s0 =	sand.u32 $0x1, s1  }
0x8c: {  	s17 =	sshll.u32 s0, $0xA;
	s2 =	sadd.s32 s3, s2  }
0x8d: {  	s2 =	sadd.s32 s2, s17  }
0x8e: {  	[smem:$0x3FB8] =	sst s2  }
0x8f: {  	_ = 	snop  }
0x90: {  	(tm) =	ssettm $0x1  }
0x91: {  	s18 =	sld [smem:$0x3FFB];
	_ =	sdelay $0x3  }
0x92: {  	_ =	strace s18  }
0x93: {  	s2 =	sld [smem:$0x3FFC];
	_ =	sdelay $0x3  }
0x94: {  	_ =	strace s2  }
0x95: {  	s2 =	sld [smem:$0x3FFD];
	_ =	sdelay $0x3  }
0x96: {  	_ =	strace s2  }
0x97: {  	_ =	strace $0x8FFFFFFF  }
0x98: {  	s19 =	sld [smem:$0x3FDB];
	_ =	sdelay $0x1  }
0x99: {  	s20 =	simm.s32 $_scs_section_size  }
0x9a: {  	s4 =	simm.s32 $_size__tile_overlayer_lowered;
	s5 =	simm.s32 $_tile_overlayer_lowered  }
0x9b: {  	s6 =	simm.s32 $0x1BFF;
	s21 =	sshll.u32 s5, $0x1;
	s3 =	sadd.s32 s20, s19  }
0x9c: {  	s22 =	simm.s32 $0x0;
	s4 =	sshll.u32 s4, $0x1;
	s5 =	sadd.s32 s21, s3  }
0x9d: {  	[timem:s22], [sflag:s6] =	dma.local [hbm:s5], s4  }
0x9e: {  	_ =	swait.ge [sflag:s6], s4  }
0x9f: {  	s4 =	ssub.s32 $0x0, s4;
	[sflag:s6] =	ssyncset.done $0x0  }
0xa0: {  	[sflag:s6] =	ssyncadd.s32 s4;
	_ =	sdelay $0x1  }
0xa1: {  	s23 =	simm.s32 $0x1B8B  }
0xa2: {  	_ =	swait.ge [sflag:s23], $0x1  }
0xa3: {  	[sflag:s23] =	ssyncset.done $0x0  }
0xa4: {  	[sflag:s23] =	ssyncadd.s32 $0xFFFFFFFF  }
0xa5: {  	s4 =	sld [smem:$0x0]  }
0xa6: {  	s5 =	sand.u32 $0xFFFFFFFE, s1  }
0xa7: {  	p0 =	sne.s32 s1, s5  }
0xa8: {  	s5 =	sshll.u32 @p0 s5, $0xE  }
0xa9: {  	s5 =	sadd.s32 @p0 $0x11B8D, s5;
	s6 =	sshll.u32 @p0 s4, $0x11  }
0xaa: {  	s5 =	sor.u32 @p0 s6, s5  }
0xab: {  	[sflag:s5] =	ssyncadd.remote.s32 @p0 $0x1;
	_ =	sdelay $0x1  }
0xac: {  	s5 =	simm.s32 @p0 $0x1B8D  }
0xad: {  	_ =	swait.eq @p0 [sflag:s5], $0x1  }
0xae: {  	[sflag:s5] =	ssyncadd.s32 @p0 $0xFFFFFFFF  }
0xaf: {  	s6 =	sshll.u32 @!p0 s1, $0xE  }
0xb0: {  	s6 =	sor.u32 @!p0 $0x4000, s6;
	s5 =	simm.s32 @!p0 $0x1B8D  }
0xb1: {  	s4 =	sshll.u32 @!p0 s4, $0x11;
	s6 =	sadd.s32 @!p0 $0x11B8D, s6;
	_ =	swait.eq @!p0 [sflag:s5], $0x1  }
0xb2: {  	s4 =	sor.u32 @!p0 s4, s6;
	[sflag:s5] =	ssyncadd.s32 @!p0 $0xFFFFFFFF  }
0xb3: {  	s25 =	simm.s32 $0x1B8E;
	s24 =	sld [smem:$0x3FFE];
	[sflag:s4] =	ssyncadd.remote.s32 @!p0 $0x1  }
0xb4: {  	s26 =	simm.s32 $execute0_lowered;
	[smem:$0x3FD2] =	sst s25  }
0xb5: {  	s5 =	sshll.u32 s26, $0x1;
	_ =	strace $0x8000004C;
	[dreg:$0x1] =	wrdreg $0xFFFFFFFF  }
0xb6: {  	s28 =	simm.s32 $_size_execute0_lowered;
	s3 =	sadd.s32 s3, s5;
	[dreg:$0x0] =	wrdreg $0x0  }
0xb7: {  	s5 =	sshll.u32 s28, $0x1;
	[dreg:$0x2] =	wrdreg s3  }
0xb8: {  	[dreg:$0x3] =	wrdreg s5  }
0xb9: {  	[dreg:$0x4] =	wrdreg $0xC0  }
0xba: {  	_ =	task [dreg:s22], $0x5FFFF  }
0xbb: {  	[dreg:$0x1] =	wrdreg $0xFFFFFFFF  }
0xbc: {  	[dreg:$0x0] =	wrdreg $0x60  }
0xbd: {  	[dreg:$0x2] =	wrdreg s24  }
0xbe: {  	[dreg:$0x3] =	wrdreg $0x173900  }
0xbf: {  	[dreg:$0x4] =	wrdreg $0xA  }
0xc0: {  	_ =	task.clear_ibuf [dreg:s22], $0x5FFFF;
	_ =	strace $0x9000004C  }
0xc1: {  	s29 =	simm.s32 $0xA;
	_ =	strace $0x8000004E  }
0xc2: {  	_ =	swait.ge [sflag:s29], $0x1  }
0xc3: {  	[sflag:s29] =	ssyncadd.s32 $0xFFFFFFFF  }
0xc4: {  	_ =	strace $0x9000004E  }
0xc5: {  	_ =	sfence  }
0xc6: {  	s30 =	sld [smem:$0x0];
	_ =	sdelay $0x2  }
0xc7: {  	s31 =	sshll.u32 s1, $0xD;
	s1 =	sshrl.u32 s1, $0x2  }
0xc8: {  	s4 =	sand.u32 $0x4000, s31;
	s1 =	sadd.s32 s1, s30  }
0xc9: {  	s0 =	sor.u32 s4, s0;
	s1 =	sshll.u32 s1, $0x11  }
0xca: {  	s0 =	sor.u32 s1, s0  }
0xcb: {  	s0 =	sadd.s32 $0x8F2B, s0  }
0xcc: {  	[sflag:s0] =	ssyncadd.remote.s32 $0x1  }
0xcd: {  	_ =	sfence.sel $0xFFFF  }
0xce: {  	[dreg:$0x0] =	wrdreg $0xFFFFFFFF;
	(pc) =	sbr.abs _section_cstart, $3  }
0xcf: {  	[dreg:$0x1] =	wrdreg $0xFFFFFFFF  }
0xd0: {  	_ =	task.clear_ibuf [dreg:s22], $0x2FFFF;
	_ =	strace $0x9FFFFFFF  }
0xd1: {  	(tm) =	ssettm $0x7FFFFFFF  }
tec
execute0_lowered:
.L_overlay_start_1:
0x0: {  	(tag) =	ssettag $0x1  }
0x1: {  	s4 =	rddreg [dreg:$0x0];
	s0 =	srdreg.scid  }
0x2: {  	s2 =	rddreg [dreg:$0x1];
	s1 =	stileid.u32  }
0x3: {  	s3 =	simm.s32 $0x0;
	s11 =	simm.s32 $0x7D;
	s5 =	sand.u32 $0x1, s0  }
0x4: {  	s0 =	rddreg [dreg:$0x2];
	s7 =	smul.u32 $0x2710, s1;
	s6 =	sshll.u32 s5, $0x4  }
0x5: {  	[smem:$0x7FF] =	sst s3;
	s8 =	smul.u32 $0x27100, s5;
	s6 =	sor.u32 s1, s6  }
0x6: {  	s12 =	sshll.u32 s1, $0x6;
	s5 =	ssub.s32 $0x2, s5;
	s9 =	smul.u32 $0x2710, s6  }
0x7: {  	_ =	strace $0x8000004D;
	s31 =	sshrl.u32 s5, $0x1;
	s6 =	smul.u32 $0x280, s6  }
0x8: {  	s12 =	sor.u32 $0x1C01, s12;
	s8 =	sadd.s32 s7, s8;
	s10 =	ssub.s32 s5, s31  }
0x9: {  	s8 =	sshrl.u32 s8, $0x3;
	s9 =	sadd.s32 s9, s4;
	s6 =	sadd.s32 s6, s4  }
0xa: {  	s8 =	sadd.s32 s8, s4;
	s4 =	sadd.s32 s7, s2;
	s5 =	sadd.s32 $0x58C00, s6  }
0xb: {  	s6 =	sadd.s32 $0xAA00, s9;
	s7 =	sadd.s32 $0x67A00, s8;
	s8 =	smax.u32 s10, $0x1  }
0xc: {  	v0 =	vimm.f32 $0.0e+00;
	s9 =	simm.s32 $0x14C80;
	s10 =	simm.s32 $0x1;
	s13 =	sshrl.u32 s4, $0x3  }
.LBB2_1:
0xd: {  	s14 =	simm.s32 $0x40;
	s15 =	simm.s32 $0x0  }
.LBB2_2:
0xe: {  	p0 =	sne.s32 s14, $0x9C00;
	[tilespmem:s15+$0x14C80] =	vst v0;
	s15 =	smov.u32 s14;
	s14 =	sadd.s32 $0x40, s14  }
.Ltmp0:
0xf: {  	(pc) =	sbr.rel @p0 .LBB2_2-.Ltmp0, $2  }
0x10: {  	_ =	sdelay $0x2  }
0x11: {  	s15 =	sshra.s32 s15, $0x2  }
0x12: {  	[tilespmem:s15+$0x14C80] =	vst v0  }
0x13: {  	[spmem:s4] =	stream.linear.scatter [tilespmem:s9], [sflag:$0x1], $0x2710, $0x38;
	[tilespmem:$0x19AA0] =	vst v63  }
0x14: {  	_ =	swait.ge [sflag:s10], $0x2710  }
0x15: {  	[sflag:s10] =	ssyncset.done $0x0  }
0x16: {  	s30 =	simm.s32 $0x0;
	[sflag:s10] =	ssyncadd.s32 $0xFFFFD8F0  }
0x17: {  	[tilespmem:s30], [sflag:$0x1] =	stream.linear.gather [hbm4b:s5+s30], $0x1400, $0x38;
	[tilespmem:$0x19AA0] =	vst v63  }
0x18: {  	_ =	swait.ge [sflag:s10], $0x1400  }
0x19: {  	[sflag:s10] =	ssyncset.done $0x0  }
0x1a: {  	s14 =	simm.s32 $0x1400;
	[sflag:s10] =	ssyncadd.s32 $0xFFFFEC00  }
0x1b: {  	[tilespmem:s14], [sflag:$0x1] =	stream.linear.gather [hbm4b:s6+s30], $0x13880, $0x38;
	[tilespmem:$0x19AA0] =	vst v63  }
0x1c: {  	_ =	swait.ge [sflag:s10], $0x13880  }
0x1d: {  	[sflag:s10] =	ssyncset.done $0x0  }
0x1e: {  	[sflag:s10] =	ssyncadd.s32 $0xFFFEC780  }
0x1f: {  	s31 =	simm.s32 $0x0;
	[bflag:$0x0] =	sbarrier.arrive $0xFFFF  }
0x20: {  	[spmem:s2] =	stream.indirect.scatter.add.f32 [tilespmem:s14], [sflag:$0x1], $0x10, s31, s11, $0xb8;
	[tilespmem:$0x19AA0] =	vst v63  }
0x21: {  	_ =	swait.ge [sflag:s10], $0x7D0  }
0x22: {  	s15 =	simm.s32 $0x200;
	[sflag:s10] =	ssyncset.done $0x0  }
.LBB2_4:
0x23: {  	s16 =	sshra.s32 s15, $0x2  }
0x24: {  	[sflag:s10] =	ssyncadd.s32 $0xFFFFF830;
	s14 =	sadd.s32 $0x7D0, s14;
	p0 =	sne.s32 s15, $0x4E00  }
0x25: {  	[spmem:s2] =	stream.indirect.scatter.add.f32 [tilespmem:s14], [sflag:$0x1], $0x10, s16, s11, $0xb8;
	[tilespmem:$0x19AA0] =	vst v63  }
.Ltmp1:
0x26: {  	_ = 	snop;
	(pc) =	sbr.rel @p0 .LBB2_4-.Ltmp1, $4  }
0x27: {  	_ = 	snop  }
0x28: {  	s15 =	sadd.s32 $0x200, s15  }
0x29: {  	_ =	swait.ge [sflag:s10], $0x7D0  }
0x2a: {  	[sflag:s10] =	ssyncset.done $0x0  }
0x2b: {  	s3 =	sadd.s32 $0x1, s3  }
0x2c: {  	[sflag:s10] =	ssyncadd.s32 $0xFFFFF830;
	p0 =	sne.s32 s3, s8  }
.Ltmp2:
0x2d: {  	[bflag:$0x0] =	sbarrier.arrive $0xFFFF;
	(pc) =	sbr.rel @p0 .LBB2_1-.Ltmp2, $4  }
0x2e: {  	[hbm:s7], [sflag:s12] =	dma.local [spmem:s13], $0x4E2  }
0x2f: {  	_ =	swait.ge [sflag:s10], $0x4E2  }
0x30: {  	[sflag:s10] =	ssyncset.done $0x0  }
0x31: {  	[sflag:s10] =	ssyncadd.s32 $0xFFFFFB1E  }
0x32: {  	_ =	sfence.sel $0x180000  }
0x33: {  	[bflag:$0x0] =	sbarrier.arrive $0xFFFF  }
0x34: {  	p0 =	sne.s32 s1, $0x0;
	_ =	strace $0x9000004D  }
0x35: {  	s0 =	sadd.s32 @!p0 $0x100000, s0;
	[bflag:$0x2] =	sbarrier.arrive $0xFFFF  }
0x36: {  	[sflag:s0] =	ssyncadd.tile.s32 @!p0 $0x1;
	_ =	shalt  }
.Lfunc_end2:
_tile_overlayer_lowered:
.L_overlay_start_2:
0x37: {  	(tag) =	ssettag $0x2  }
0x38: {  	s0 =	rddreg [dreg:$0x0];
	s2 =	stileid.u32  }
0x39: {  	s1 =	rddreg [dreg:$0x1];
	p0 =	sne.s32 s2, $0x0  }
0x3a: {  	s3 =	rddreg [dreg:$0x2];
	[bflag:$0x3] =	sbarrier.arrive $0xFFFF;
	s2 =	simm.s32 @!p0 $0x1C01  }
0x3b: {  	[timem:s3], [sflag:s2] =	dma.local @!p0 [hbm:s0], s1  }
0x3c: {  	s0 =	simm.s32 @!p0 $0x1  }
0x3d: {  	_ =	swait.ge @!p0 [sflag:s0], s1  }
0x3e: {  	s1 =	ssub.s32 @!p0 $0x0, s1;
	[sflag:s0] =	ssyncset.done @!p0 $0x0  }
0x3f: {  	[sflag:s0] =	ssyncadd.s32 @!p0 s1  }
0x40: {  	[bflag:$0x3] =	sbarrier.arrive $0xFFFF  }
0x41: {  	_ =	shalt  }

// kernel: kernel.25.cloned.1.call-start
scs
__scs_entry_jumppad:
0x0: {  	(pc) =	sbr.rel $0x88, $3  }
0x1: {  	(tag) =	ssettag $0x0;
	lr =	simm.s32 $0x1  }
0x2: {  	[smem:$0x3F91] =	sst lr;
	_ =	strace $0xD0000000  }
0x3: {  	_ = 	snop  }
0x4: {  	_ = 	snop  }
0x5: {  	_ = 	snop  }
0x6: {  	_ = 	snop  }
0x7: {  	_ = 	snop  }
__scs_overlays_trampoline_lowered:
0x8: {  	[smem:$0x3FA0] =	sst s0  }
0x9: {  	[smem:$0x3FA1] =	sst s1  }
0xa: {  	[smem:$0x3FA2] =	sst s2  }
0xb: {  	[smem:$0x3FA3] =	sst s3  }
0xc: {  	[smem:$0x3FA4] =	sst s4  }
0xd: {  	[smem:$0x3FA5] =	sst s5  }
0xe: {  	[smem:$0x3FA6] =	sst s6  }
0xf: {  	[smem:$0x3FA7] =	sst s7  }
0x10: {  	[smem:$0x3FA8] =	sst s8  }
0x11: {  	[smem:$0x3FA9] =	sst s9;
	s0 =	simm.s32 @!p0 $0x0  }
0x12: {  	s1 =	sld [smem:$0x3F8F];
	s0 =	simm.s32 @p0 $0x1  }
0x13: {  	[smem:$0x3FAA] =	sst s0;
	s0 =	simm.s32 @!p1 $0x0  }
0x14: {  	s2 =	sld [smem:$0x3F8E];
	s0 =	simm.s32 @p1 $0x1  }
0x15: {  	[smem:$0x3FAB] =	sst s0;
	s0 =	simm.s32 @!p2 $0x0  }
0x16: {  	s3 =	sld [smem:$0x3FDB];
	s0 =	simm.s32 @p2 $0x1  }
0x17: {  	s4 =	simm.s32 $0x1BF5;
	[smem:$0x3FAD] =	sst s0  }
0x18: {  	s0 =	sld [smem:$0x3F90];
	_ =	swait.ge [sflag:s4], $0x0  }
0x19: {  	s7 =	sld [smem:$0x3F91]  }
0x1a: {  	s8 =	sadd.s32 $0xFFFFE003, lr  }
0x1b: {  	s9 =	sadd.s32 $0xFFFFFEF7, lr;
	s5 =	simm.s32 $0xFFFFFFFF;
	p2 =	slt.u32 s8, $0xFFFFF086  }
0x1c: {  	p1 =	slt.u32 s9, $0xF7A;
	s5 =	simm.s32 @!p2 $0x0  }
0x1d: {  	s5 =	simm.s32 @p1 $0x1;
	p0 =	seq.s32 s7, s2  }
0x1e: {  	s7 =	smul.u32 @!p0 $0xF7A, s2;
	p2 =	seq.s32 @!p0 s5, $0x0  }
0x1f: {  	s9 =	smul.u32 $0xF7A, s1;
	s8 =	simm.s32 @!p0 $0x1BF5;
	p2 =	por !p2, p0  }
0x20: {  	[sflag:s8] =	ssyncset.s32 @!p0 $0xFFFFF086;
	s6 =	sadd.s32 @!p0 s3, s7;
	s7 =	simm.s32 @!p0 $0x108  }
0x21: {  	s3 =	sadd.s32 s3, s9;
	s6 =	sadd.s32 @!p0 $0x88, s6;
	s7 =	simm.s32 @p2 $0x1082  }
0x22: {  	[simem:s7], [sflag:s8] =	dma.local @!p0 [hbm:s6], $0xF7A  }
0x23: {  	s9 =	sor.u32 $0xD0000000, s2;
	s6 =	simm.s32 $0x108;
	_ =	swait.ge @!p0 [sflag:s8], $0x0  }
0x24: {  	s3 =	sadd.s32 $0x88, s3;
	s6 =	simm.s32 @!p1 $0x1082;
	[sflag:s4] =	ssyncset.s32 $0xFFFFF086  }
0x25: {  	[simem:s6], [sflag:s4] =	dma.local [hbm:s3], $0xF7A  }
0x26: {  	[smem:$0x3F91] =	sst s1;
	(tag) =	ssettag s2;
	_ =	strace s9  }
0x27: {  	s1 =	sld [smem:$0x3FA1]  }
0x28: {  	s2 =	sld [smem:$0x3FA2]  }
0x29: {  	s4 =	sld [smem:$0x3FA4]  }
0x2a: {  	p0 =	seq.s32 s5, $0x0;
	s5 =	sld [smem:$0x3FA5]  }
0x2b: {  	s6 =	sld [smem:$0x3FA6]  }
0x2c: {  	s7 =	sld [smem:$0x3FA7]  }
0x2d: {  	s3 =	simm.s32 $0x108;
	s8 =	sld [smem:$0x3FA8]  }
0x2e: {  	s3 =	simm.s32 @!p0 $0x1082;
	s9 =	sld [smem:$0x3FA9]  }
0x2f: {  	lr =	sadd.s32 s0, s3;
	s0 =	sld [smem:$0x3FA0]  }
0x30: {  	s3 =	sld [smem:$0x3FA3]  }
0x31: {  	[smem:$0x3FAC] =	sst s10  }
0x32: {  	s10 =	sld [smem:$0x3FAA];
	_ =	sdelay $0x3  }
0x33: {  	p0 =	seq.s32 s10, $0x1;
	s10 =	sld [smem:$0x3FAC];
	_ =	sdelay $0x3  }
0x34: {  	[smem:$0x3FAC] =	sst s10  }
0x35: {  	s10 =	sld [smem:$0x3FAB];
	_ =	sdelay $0x3  }
0x36: {  	p1 =	seq.s32 s10, $0x1;
	s10 =	sld [smem:$0x3FAC];
	_ =	sdelay $0x3  }
0x37: {  	[smem:$0x3FAC] =	sst s10  }
0x38: {  	s10 =	sld [smem:$0x3FAD]  }
0x39: {  	_ = 	snop;
	(pc) =	sbr.ind lr, $3  }
0x3a: {  	_ = 	snop  }
0x3b: {  	_ = 	snop  }
0x3c: {  	p2 =	seq.s32 s10, $0x1;
	s10 =	sld [smem:$0x3FAC]  }
0x3d: {  	_ =	shalt  }
0x3e: {  	_ =	shalt  }
0x3f: {  	_ =	shalt  }
0x40: {  	_ =	shalt  }
0x41: {  	_ =	shalt  }
0x42: {  	_ =	shalt  }
0x43: {  	_ =	shalt  }
0x44: {  	_ =	shalt  }
0x45: {  	_ =	shalt  }
0x46: {  	_ =	shalt  }
0x47: {  	_ =	shalt  }
0x48: {  	_ =	shalt  }
0x49: {  	_ =	shalt  }
0x4a: {  	_ =	shalt  }
0x4b: {  	_ =	shalt  }
0x4c: {  	_ =	shalt  }
0x4d: {  	_ =	shalt  }
0x4e: {  	_ =	shalt  }
0x4f: {  	_ =	shalt  }
0x50: {  	_ =	shalt  }
0x51: {  	_ =	shalt  }
0x52: {  	_ =	shalt  }
0x53: {  	_ =	shalt  }
0x54: {  	_ =	shalt  }
0x55: {  	_ =	shalt  }
0x56: {  	_ =	shalt  }
0x57: {  	_ =	shalt  }
0x58: {  	_ =	shalt  }
0x59: {  	_ =	shalt  }
0x5a: {  	_ =	shalt  }
0x5b: {  	_ =	shalt  }
0x5c: {  	_ =	shalt  }
0x5d: {  	_ =	shalt  }
0x5e: {  	_ =	shalt  }
0x5f: {  	_ =	shalt  }
0x60: {  	_ =	shalt  }
0x61: {  	_ =	shalt  }
0x62: {  	_ =	shalt  }
0x63: {  	_ =	shalt  }
0x64: {  	_ =	shalt  }
0x65: {  	_ =	shalt  }
0x66: {  	_ =	shalt  }
0x67: {  	_ =	shalt  }
0x68: {  	_ =	shalt  }
0x69: {  	_ =	shalt  }
0x6a: {  	_ =	shalt  }
0x6b: {  	_ =	shalt  }
0x6c: {  	_ =	shalt  }
0x6d: {  	_ =	shalt  }
0x6e: {  	_ =	shalt  }
0x6f: {  	_ =	shalt  }
0x70: {  	_ =	shalt  }
0x71: {  	_ =	shalt  }
0x72: {  	_ =	shalt  }
0x73: {  	_ =	shalt  }
0x74: {  	_ =	shalt  }
0x75: {  	_ =	shalt  }
0x76: {  	_ =	shalt  }
0x77: {  	_ =	shalt  }
0x78: {  	_ =	shalt  }
0x79: {  	_ =	shalt  }
0x7a: {  	_ =	shalt  }
0x7b: {  	_ =	shalt  }
0x7c: {  	_ =	shalt  }
0x7d: {  	_ =	shalt  }
0x7e: {  	_ =	shalt  }
0x7f: {  	_ =	shalt  }
0x80: {  	_ =	shalt  }
0x81: {  	_ =	shalt  }
0x82: {  	_ =	shalt  }
0x83: {  	_ =	shalt  }
0x84: {  	_ =	shalt  }
0x85: {  	_ =	shalt  }
0x86: {  	_ =	shalt  }
0x87: {  	_ =	shalt  }
.Lfunc_end0:
.L_simem_size_0:
called_computation.3_lowered:
.L_overlay_start_0:
0x88: {  	s2 =	sld [smem:$0x3FD9]  }
0x89: {  	s3 =	sld [smem:$0x3FFE];
	_ =	sdelay $0x1  }
0x8a: {  	s1 =	srdreg.scid  }
0x8b: {  	s0 =	sand.u32 $0x1, s1  }
0x8c: {  	s17 =	sshll.u32 s0, $0xA;
	s2 =	sadd.s32 s3, s2  }
0x8d: {  	s2 =	sadd.s32 s2, s17  }
0x8e: {  	[smem:$0x3FB8] =	sst s2  }
0x8f: {  	_ = 	snop  }
0x90: {  	s2 =	sld [smem:$0x3FD0];
	(tm) =	ssettm $0x1  }
0x91: {  	s18 =	sld [smem:$0x3FFB];
	_ =	sdelay $0x3  }
0x92: {  	_ =	strace s18  }
0x93: {  	s3 =	sld [smem:$0x3FFC];
	_ =	sdelay $0x3  }
0x94: {  	_ =	strace s3  }
0x95: {  	s3 =	sld [smem:$0x3FFD];
	_ =	sdelay $0x3  }
0x96: {  	_ =	strace s3  }
0x97: {  	_ =	strace $0x8FFFFFFF  }
0x98: {  	s19 =	sld [smem:$0x3FDB];
	_ =	sdelay $0x1  }
0x99: {  	s4 =	simm.s32 $_scs_section_size  }
0x9a: {  	s5 =	simm.s32 $_size__tile_overlayer_lowered;
	s6 =	simm.s32 $_tile_overlayer_lowered  }
0x9b: {  	s22 =	simm.s32 $0x1BFF;
	s21 =	sshll.u32 s6, $0x1;
	s3 =	sadd.s32 s4, s19  }
0x9c: {  	s7 =	simm.s32 $0x0;
	s20 =	sshll.u32 s5, $0x1;
	s5 =	sadd.s32 s21, s3  }
0x9d: {  	[timem:s7], [sflag:s22] =	dma.local [hbm:s5], s20  }
0x9e: {  	_ =	swait.ge [sflag:s22], s20  }
0x9f: {  	s4 =	ssub.s32 $0x0, s20;
	[sflag:s22] =	ssyncset.done $0x0  }
0xa0: {  	[sflag:s22] =	ssyncadd.s32 s4;
	_ =	sdelay $0x1  }
0xa1: {  	s23 =	simm.s32 $0x1B8B  }
0xa2: {  	_ =	swait.ge [sflag:s23], $0x1  }
0xa3: {  	[sflag:s23] =	ssyncset.done $0x0  }
0xa4: {  	s25 =	simm.s32 $0x1B8E;
	s24 =	sld [smem:$0x3FFE];
	[sflag:s23] =	ssyncadd.s32 $0xFFFFFFFF  }
0xa5: {  	s26 =	simm.s32 $execute0_lowered;
	[smem:$0x3FD2] =	sst s25  }
0xa6: {  	s5 =	sshll.u32 s26, $0x1;
	_ =	strace $0x8000004F;
	[dreg:$0x1] =	wrdreg $0xFFFFFFFF  }
0xa7: {  	s28 =	simm.s32 $_size_execute0_lowered;
	s3 =	sadd.s32 s3, s5;
	[dreg:$0x0] =	wrdreg $0x0  }
0xa8: {  	s5 =	sshll.u32 s28, $0x1;
	[dreg:$0x2] =	wrdreg s3  }
0xa9: {  	[dreg:$0x3] =	wrdreg s5  }
0xaa: {  	[dreg:$0x4] =	wrdreg $0xC0  }
0xab: {  	_ =	task [dreg:s7], $0x5FFFF  }
0xac: {  	[dreg:$0x1] =	wrdreg $0xFFFFFFFF  }
0xad: {  	[dreg:$0x0] =	wrdreg $0x60  }
0xae: {  	[dreg:$0x2] =	wrdreg s2  }
0xaf: {  	[dreg:$0x3] =	wrdreg s24  }
0xb0: {  	[dreg:$0x4] =	wrdreg $0x9  }
0xb1: {  	_ =	task.clear_ibuf [dreg:s7], $0x5FFFF;
	_ =	strace $0x9000004F  }
0xb2: {  	s29 =	simm.s32 $0x9;
	_ =	strace $0x80000051  }
0xb3: {  	_ =	swait.ge [sflag:s29], $0x1  }
0xb4: {  	[sflag:s29] =	ssyncadd.s32 $0xFFFFFFFF  }
0xb5: {  	_ =	strace $0x90000051  }
0xb6: {  	_ =	sfence  }
0xb7: {  	s30 =	sld [smem:$0x0];
	_ =	sdelay $0x2  }
0xb8: {  	s31 =	sshll.u32 s1, $0xD;
	s1 =	sshrl.u32 s1, $0x2  }
0xb9: {  	s3 =	sand.u32 $0x4000, s31;
	s1 =	sadd.s32 s1, s30  }
0xba: {  	s0 =	sor.u32 s3, s0;
	s1 =	sshll.u32 s1, $0x11  }
0xbb: {  	s0 =	sor.u32 s1, s0  }
0xbc: {  	s0 =	sadd.s32 $0x8F2B, s0  }
0xbd: {  	[sflag:s0] =	ssyncadd.remote.s32 $0x1  }
0xbe: {  	_ =	sfence.sel $0xFFFF  }
0xbf: {  	[dreg:$0x0] =	wrdreg $0xFFFFFFFF;
	(pc) =	sbr.abs _section_cstart, $3  }
0xc0: {  	[dreg:$0x1] =	wrdreg $0xFFFFFFFF  }
0xc1: {  	_ =	task.clear_ibuf [dreg:s7], $0x2FFFF;
	_ =	strace $0x9FFFFFFF  }
0xc2: {  	(tm) =	ssettm $0x7FFFFFFF  }
0xc3: {  	_ =	shalt  }
tec
execute0_lowered:
.L_overlay_start_1:
0x0: {  	(tag) =	ssettag $0x1  }
0x1: {  	s0 =	srdreg.scid;
	s2 =	rddreg [dreg:$0x0]  }
0x2: {  	s5 =	rddreg [dreg:$0x1];
	s3 =	simm.s32 $0x0;
	s4 =	sand.u32 $0x1, s0  }
0x3: {  	s8 =	simm.s32 $0x7D;
	s0 =	stileid.u32;
	s1 =	sshll.u32 s4, $0x4  }
0x4: {  	s9 =	simm.s32 $0x1;
	s10 =	simm.s32 $0x1400;
	s6 =	sor.u32 s0, s1  }
0x5: {  	s11 =	simm.s32 $0x0;
	[smem:$0x7FF] =	sst s3;
	s7 =	smul.u32 $0x280, s6  }
0x6: {  	s4 =	ssub.s32 $0x2, s4;
	s1 =	rddreg [dreg:$0x2];
	s6 =	smul.u32 $0x2710, s6  }
0x7: {  	_ =	strace $0x80000050;
	s31 =	sshrl.u32 s4, $0x1;
	s7 =	sadd.s32 s7, s5  }
0x8: {  	s5 =	sadd.s32 s6, s5;
	s6 =	ssub.s32 s4, s31;
	s4 =	sadd.s32 $0x5A00, s7  }
0x9: {  	s5 =	sadd.s32 $0xAA00, s5;
	s6 =	smax.u32 s6, $0x1;
	s7 =	simm.s32 $0x2  }
.LBB2_1:
0xa: {  	[tilespmem:s3], [sflag:$0x2] =	stream.linear.gather [hbm4b:s4+s3], $0x1400, $0x38;
	[tilespmem:$0x14C80] =	vst v63  }
0xb: {  	_ =	swait.ge [sflag:s7], $0x1400  }
0xc: {  	[sflag:s7] =	ssyncset.done $0x0  }
0xd: {  	s12 =	simm.s32 $0x1400;
	s13 =	simm.s32 $0x0;
	[sflag:s7] =	ssyncadd.s32 $0xFFFFEC00  }
.LBB2_2:
0xe: {  	p0 =	sne.s32 s13, $0x4E00  }
.Ltmp0:
0xf: {  	_ = 	snop;
	(pc) =	sbr.rel @p0 .LBB2_2-.Ltmp0, $4  }
0x10: {  	_ = 	snop  }
0x11: {  	s14 =	sshra.s32 s13, $0x2  }
0x12: {  	[tilespmem:s12], [sflag:$0x1] =	stream.indirect.gather [hbm4b:s2+s8], $0x10, s14, s8, $0xb8;
	[tilespmem:$0x14C80] =	vst v63  }
0x13: {  	s13 =	sadd.s32 $0x200, s13;
	s12 =	sadd.s32 $0x7D0, s12  }
0x14: {  	_ =	swait.ge [sflag:s9], $0x7D0  }
0x15: {  	s12 =	simm.s32 $0x27;
	[sflag:s9] =	ssyncset.done $0x0  }
.LBB2_4:
0x16: {  	p0 =	sne.s32 s12, $0x1;
	s12 =	sadd.s32 $0xFFFFFFFF, s12;
	[sflag:s9] =	ssyncadd.s32 $0xFFFFF830  }
.Ltmp1:
0x17: {  	(pc) =	sbr.rel @p0 .LBB2_4-.Ltmp1, $3  }
0x18: {  	_ =	sdelay $0x1  }
0x19: {  	_ =	swait.ge [sflag:s9], $0x7D0  }
0x1a: {  	[sflag:s9] =	ssyncset.done $0x0  }
0x1b: {  	s11 =	sadd.s32 $0x1, s11  }
0x1c: {  	p0 =	sne.s32 s11, s6  }
.Ltmp2:
0x1d: {  	[sflag:s9] =	ssyncadd.s32 $0xFFFFF830;
	(pc) =	sbr.rel @p0 .LBB2_1-.Ltmp2, $4  }
0x1e: {  	[hbm4b:s5+s3] =	stream.linear.scatter [tilespmem:s10], [sflag:$0x2], $0x13880, $0x38;
	[tilespmem:$0x14C80] =	vst v63  }
0x1f: {  	_ =	swait.ge [sflag:s7], $0x13880  }
0x20: {  	[sflag:s7] =	ssyncset.done $0x0  }
0x21: {  	[sflag:s7] =	ssyncadd.s32 $0xFFFEC780  }
0x22: {  	_ =	sfence.sel $0x180000  }
0x23: {  	[bflag:$0x0] =	sbarrier.arrive $0xFFFF  }
0x24: {  	p0 =	sne.s32 s0, $0x0;
	_ =	strace $0x90000050  }
0x25: {  	s0 =	sadd.s32 @!p0 $0x100000, s1;
	[bflag:$0x2] =	sbarrier.arrive $0xFFFF  }
0x26: {  	[sflag:s0] =	ssyncadd.tile.s32 @!p0 $0x1;
	_ =	shalt  }
.Lfunc_end2:
_tile_overlayer_lowered:
.L_overlay_start_2:
0x27: {  	(tag) =	ssettag $0x2  }
0x28: {  	s0 =	rddreg [dreg:$0x0];
	s2 =	stileid.u32  }
0x29: {  	s1 =	rddreg [dreg:$0x1];
	p0 =	sne.s32 s2, $0x0  }
0x2a: {  	s3 =	rddreg [dreg:$0x2];
	[bflag:$0x3] =	sbarrier.arrive $0xFFFF;
	s2 =	simm.s32 @!p0 $0x1C02  }
0x2b: {  	[timem:s3], [sflag:s2] =	dma.local @!p0 [hbm:s0], s1  }
0x2c: {  	s0 =	simm.s32 @!p0 $0x2  }
0x2d: {  	_ =	swait.ge @!p0 [sflag:s0], s1  }
0x2e: {  	s1 =	ssub.s32 @!p0 $0x0, s1;
	[sflag:s0] =	ssyncset.done @!p0 $0x0  }
0x2f: {  	[sflag:s0] =	ssyncadd.s32 @!p0 s1  }
0x30: {  	[bflag:$0x3] =	sbarrier.arrive $0xFFFF  }
0x31: {  	_ =	shalt  }

// kernel: kernel.28.cloned.1.call-start
scs
__scs_entry_jumppad:
0x0: {  	(pc) =	sbr.rel $0x88, $3  }
0x1: {  	(tag) =	ssettag $0x0;
	lr =	simm.s32 $0x1  }
0x2: {  	[smem:$0x3F91] =	sst lr;
	_ =	strace $0xD0000000  }
0x3: {  	_ = 	snop  }
0x4: {  	_ = 	snop  }
0x5: {  	_ = 	snop  }
0x6: {  	_ = 	snop  }
0x7: {  	_ = 	snop  }
__scs_overlays_trampoline_lowered:
0x8: {  	[smem:$0x3FA0] =	sst s0  }
0x9: {  	[smem:$0x3FA1] =	sst s1  }
0xa: {  	[smem:$0x3FA2] =	sst s2  }
0xb: {  	[smem:$0x3FA3] =	sst s3  }
0xc: {  	[smem:$0x3FA4] =	sst s4  }
0xd: {  	[smem:$0x3FA5] =	sst s5  }
0xe: {  	[smem:$0x3FA6] =	sst s6  }
0xf: {  	[smem:$0x3FA7] =	sst s7  }
0x10: {  	[smem:$0x3FA8] =	sst s8  }
0x11: {  	[smem:$0x3FA9] =	sst s9;
	s0 =	simm.s32 @!p0 $0x0  }
0x12: {  	s1 =	sld [smem:$0x3F8F];
	s0 =	simm.s32 @p0 $0x1  }
0x13: {  	[smem:$0x3FAA] =	sst s0;
	s0 =	simm.s32 @!p1 $0x0  }
0x14: {  	s2 =	sld [smem:$0x3F8E];
	s0 =	simm.s32 @p1 $0x1  }
0x15: {  	[smem:$0x3FAB] =	sst s0;
	s0 =	simm.s32 @!p2 $0x0  }
0x16: {  	s3 =	sld [smem:$0x3FDB];
	s0 =	simm.s32 @p2 $0x1  }
0x17: {  	s4 =	simm.s32 $0x1BF5;
	[smem:$0x3FAD] =	sst s0  }
0x18: {  	s0 =	sld [smem:$0x3F90];
	_ =	swait.ge [sflag:s4], $0x0  }
0x19: {  	s7 =	sld [smem:$0x3F91]  }
0x1a: {  	s8 =	sadd.s32 $0xFFFFE003, lr  }
0x1b: {  	s9 =	sadd.s32 $0xFFFFFEF7, lr;
	s5 =	simm.s32 $0xFFFFFFFF;
	p2 =	slt.u32 s8, $0xFFFFF086  }
0x1c: {  	p1 =	slt.u32 s9, $0xF7A;
	s5 =	simm.s32 @!p2 $0x0  }
0x1d: {  	s5 =	simm.s32 @p1 $0x1;
	p0 =	seq.s32 s7, s2  }
0x1e: {  	s7 =	smul.u32 @!p0 $0xF7A, s2;
	p2 =	seq.s32 @!p0 s5, $0x0  }
0x1f: {  	s9 =	smul.u32 $0xF7A, s1;
	s8 =	simm.s32 @!p0 $0x1BF5;
	p2 =	por !p2, p0  }
0x20: {  	[sflag:s8] =	ssyncset.s32 @!p0 $0xFFFFF086;
	s6 =	sadd.s32 @!p0 s3, s7;
	s7 =	simm.s32 @!p0 $0x108  }
0x21: {  	s3 =	sadd.s32 s3, s9;
	s6 =	sadd.s32 @!p0 $0x88, s6;
	s7 =	simm.s32 @p2 $0x1082  }
0x22: {  	[simem:s7], [sflag:s8] =	dma.local @!p0 [hbm:s6], $0xF7A  }
0x23: {  	s9 =	sor.u32 $0xD0000000, s2;
	s6 =	simm.s32 $0x108;
	_ =	swait.ge @!p0 [sflag:s8], $0x0  }
0x24: {  	s3 =	sadd.s32 $0x88, s3;
	s6 =	simm.s32 @!p1 $0x1082;
	[sflag:s4] =	ssyncset.s32 $0xFFFFF086  }
0x25: {  	[simem:s6], [sflag:s4] =	dma.local [hbm:s3], $0xF7A  }
0x26: {  	[smem:$0x3F91] =	sst s1;
	(tag) =	ssettag s2;
	_ =	strace s9  }
0x27: {  	s1 =	sld [smem:$0x3FA1]  }
0x28: {  	s2 =	sld [smem:$0x3FA2]  }
0x29: {  	s4 =	sld [smem:$0x3FA4]  }
0x2a: {  	p0 =	seq.s32 s5, $0x0;
	s5 =	sld [smem:$0x3FA5]  }
0x2b: {  	s6 =	sld [smem:$0x3FA6]  }
0x2c: {  	s7 =	sld [smem:$0x3FA7]  }
0x2d: {  	s3 =	simm.s32 $0x108;
	s8 =	sld [smem:$0x3FA8]  }
0x2e: {  	s3 =	simm.s32 @!p0 $0x1082;
	s9 =	sld [smem:$0x3FA9]  }
0x2f: {  	lr =	sadd.s32 s0, s3;
	s0 =	sld [smem:$0x3FA0]  }
0x30: {  	s3 =	sld [smem:$0x3FA3]  }
0x31: {  	[smem:$0x3FAC] =	sst s10  }
0x32: {  	s10 =	sld [smem:$0x3FAA];
	_ =	sdelay $0x3  }
0x33: {  	p0 =	seq.s32 s10, $0x1;
	s10 =	sld [smem:$0x3FAC];
	_ =	sdelay $0x3  }
0x34: {  	[smem:$0x3FAC] =	sst s10  }
0x35: {  	s10 =	sld [smem:$0x3FAB];
	_ =	sdelay $0x3  }
0x36: {  	p1 =	seq.s32 s10, $0x1;
	s10 =	sld [smem:$0x3FAC];
	_ =	sdelay $0x3  }
0x37: {  	[smem:$0x3FAC] =	sst s10  }
0x38: {  	s10 =	sld [smem:$0x3FAD]  }
0x39: {  	_ = 	snop;
	(pc) =	sbr.ind lr, $3  }
0x3a: {  	_ = 	snop  }
0x3b: {  	_ = 	snop  }
0x3c: {  	p2 =	seq.s32 s10, $0x1;
	s10 =	sld [smem:$0x3FAC]  }
0x3d: {  	_ =	shalt  }
0x3e: {  	_ =	shalt  }
0x3f: {  	_ =	shalt  }
0x40: {  	_ =	shalt  }
0x41: {  	_ =	shalt  }
0x42: {  	_ =	shalt  }
0x43: {  	_ =	shalt  }
0x44: {  	_ =	shalt  }
0x45: {  	_ =	shalt  }
0x46: {  	_ =	shalt  }
0x47: {  	_ =	shalt  }
0x48: {  	_ =	shalt  }
0x49: {  	_ =	shalt  }
0x4a: {  	_ =	shalt  }
0x4b: {  	_ =	shalt  }
0x4c: {  	_ =	shalt  }
0x4d: {  	_ =	shalt  }
0x4e: {  	_ =	shalt  }
0x4f: {  	_ =	shalt  }
0x50: {  	_ =	shalt  }
0x51: {  	_ =	shalt  }
0x52: {  	_ =	shalt  }
0x53: {  	_ =	shalt  }
0x54: {  	_ =	shalt  }
0x55: {  	_ =	shalt  }
0x56: {  	_ =	shalt  }
0x57: {  	_ =	shalt  }
0x58: {  	_ =	shalt  }
0x59: {  	_ =	shalt  }
0x5a: {  	_ =	shalt  }
0x5b: {  	_ =	shalt  }
0x5c: {  	_ =	shalt  }
0x5d: {  	_ =	shalt  }
0x5e: {  	_ =	shalt  }
0x5f: {  	_ =	shalt  }
0x60: {  	_ =	shalt  }
0x61: {  	_ =	shalt  }
0x62: {  	_ =	shalt  }
0x63: {  	_ =	shalt  }
0x64: {  	_ =	shalt  }
0x65: {  	_ =	shalt  }
0x66: {  	_ =	shalt  }
0x67: {  	_ =	shalt  }
0x68: {  	_ =	shalt  }
0x69: {  	_ =	shalt  }
0x6a: {  	_ =	shalt  }
0x6b: {  	_ =	shalt  }
0x6c: {  	_ =	shalt  }
0x6d: {  	_ =	shalt  }
0x6e: {  	_ =	shalt  }
0x6f: {  	_ =	shalt  }
0x70: {  	_ =	shalt  }
0x71: {  	_ =	shalt  }
0x72: {  	_ =	shalt  }
0x73: {  	_ =	shalt  }
0x74: {  	_ =	shalt  }
0x75: {  	_ =	shalt  }
0x76: {  	_ =	shalt  }
0x77: {  	_ =	shalt  }
0x78: {  	_ =	shalt  }
0x79: {  	_ =	shalt  }
0x7a: {  	_ =	shalt  }
0x7b: {  	_ =	shalt  }
0x7c: {  	_ =	shalt  }
0x7d: {  	_ =	shalt  }
0x7e: {  	_ =	shalt  }
0x7f: {  	_ =	shalt  }
0x80: {  	_ =	shalt  }
0x81: {  	_ =	shalt  }
0x82: {  	_ =	shalt  }
0x83: {  	_ =	shalt  }
0x84: {  	_ =	shalt  }
0x85: {  	_ =	shalt  }
0x86: {  	_ =	shalt  }
0x87: {  	_ =	shalt  }
.Lfunc_end0:
.L_simem_size_0:
called_computation.4_lowered:
.L_overlay_start_0:
0x88: {  	s2 =	sld [smem:$0x3FD9]  }
0x89: {  	s3 =	sld [smem:$0x3FFE];
	_ =	sdelay $0x1  }
0x8a: {  	s1 =	srdreg.scid  }
0x8b: {  	s0 =	sand.u32 $0x1, s1  }
0x8c: {  	s16 =	sshll.u32 s0, $0xA;
	s2 =	sadd.s32 s3, s2  }
0x8d: {  	s2 =	sadd.s32 s2, s16  }
0x8e: {  	[smem:$0x3FB8] =	sst s2  }
0x8f: {  	_ = 	snop  }
0x90: {  	(tm) =	ssettm $0x1  }
0x91: {  	s17 =	sld [smem:$0x3FFB];
	_ =	sdelay $0x3  }
0x92: {  	_ =	strace s17  }
0x93: {  	s2 =	sld [smem:$0x3FFC];
	_ =	sdelay $0x3  }
0x94: {  	_ =	strace s2  }
0x95: {  	s2 =	sld [smem:$0x3FFD];
	_ =	sdelay $0x3  }
0x96: {  	_ =	strace s2  }
0x97: {  	_ =	strace $0x8FFFFFFF  }
0x98: {  	s18 =	sld [smem:$0x3FDB];
	_ =	sdelay $0x1  }
0x99: {  	s19 =	simm.s32 $_scs_section_size  }
0x9a: {  	s4 =	simm.s32 $_size__tile_overlayer_lowered;
	s5 =	simm.s32 $_tile_overlayer_lowered  }
0x9b: {  	s22 =	simm.s32 $0x1BFF;
	s21 =	sshll.u32 s5, $0x1;
	s2 =	sadd.s32 s19, s18  }
0x9c: {  	s6 =	simm.s32 $0x0;
	s20 =	sshll.u32 s4, $0x1;
	s4 =	sadd.s32 s21, s2  }
0x9d: {  	[timem:s6], [sflag:s22] =	dma.local [hbm:s4], s20  }
0x9e: {  	_ =	swait.ge [sflag:s22], s20  }
0x9f: {  	s3 =	ssub.s32 $0x0, s20;
	[sflag:s22] =	ssyncset.done $0x0  }
0xa0: {  	[sflag:s22] =	ssyncadd.s32 s3;
	_ =	sdelay $0x1  }
0xa1: {  	s23 =	simm.s32 $0x1B8B  }
0xa2: {  	_ =	swait.ge [sflag:s23], $0x1  }
0xa3: {  	[sflag:s23] =	ssyncset.done $0x0  }
0xa4: {  	s25 =	simm.s32 $0x1B8E;
	s24 =	sld [smem:$0x3FFE];
	[sflag:s23] =	ssyncadd.s32 $0xFFFFFFFF  }
0xa5: {  	s26 =	simm.s32 $execute0_lowered;
	[smem:$0x3FD2] =	sst s25  }
0xa6: {  	s4 =	sshll.u32 s26, $0x1;
	_ =	strace $0x80000052;
	[dreg:$0x1] =	wrdreg $0xFFFFFFFF  }
0xa7: {  	s28 =	simm.s32 $_size_execute0_lowered;
	s2 =	sadd.s32 s2, s4;
	[dreg:$0x0] =	wrdreg $0x0  }
0xa8: {  	s4 =	sshll.u32 s28, $0x1;
	[dreg:$0x2] =	wrdreg s2  }
0xa9: {  	[dreg:$0x3] =	wrdreg s4  }
0xaa: {  	[dreg:$0x4] =	wrdreg $0xC0  }
0xab: {  	_ =	task [dreg:s6], $0x5FFFF  }
0xac: {  	[dreg:$0x1] =	wrdreg $0xFFFFFFFF  }
0xad: {  	[dreg:$0x0] =	wrdreg $0x60  }
0xae: {  	[dreg:$0x2] =	wrdreg s24  }
0xaf: {  	[dreg:$0x3] =	wrdreg $0x173900  }
0xb0: {  	[dreg:$0x4] =	wrdreg $0x9  }
0xb1: {  	_ =	task.clear_ibuf [dreg:s6], $0x5FFFF;
	_ =	strace $0x90000052  }
0xb2: {  	s29 =	simm.s32 $0x9;
	_ =	strace $0x80000054  }
0xb3: {  	_ =	swait.ge [sflag:s29], $0x1  }
0xb4: {  	[sflag:s29] =	ssyncadd.s32 $0xFFFFFFFF  }
0xb5: {  	_ =	strace $0x90000054  }
0xb6: {  	_ =	sfence  }
0xb7: {  	s30 =	sld [smem:$0x0];
	_ =	sdelay $0x2  }
0xb8: {  	s31 =	sshll.u32 s1, $0xD;
	s1 =	sshrl.u32 s1, $0x2  }
0xb9: {  	s3 =	sand.u32 $0x4000, s31;
	s1 =	sadd.s32 s1, s30  }
0xba: {  	s0 =	sor.u32 s3, s0;
	s1 =	sshll.u32 s1, $0x11  }
0xbb: {  	s0 =	sor.u32 s1, s0  }
0xbc: {  	s0 =	sadd.s32 $0x8F2B, s0  }
0xbd: {  	[sflag:s0] =	ssyncadd.remote.s32 $0x1  }
0xbe: {  	_ =	sfence.sel $0xFFFF  }
0xbf: {  	[dreg:$0x0] =	wrdreg $0xFFFFFFFF;
	(pc) =	sbr.abs _section_cstart, $3  }
0xc0: {  	[dreg:$0x1] =	wrdreg $0xFFFFFFFF  }
0xc1: {  	_ =	task.clear_ibuf [dreg:s6], $0x2FFFF;
	_ =	strace $0x9FFFFFFF  }
0xc2: {  	(tm) =	ssettm $0x7FFFFFFF  }
0xc3: {  	_ =	shalt  }
tec
execute0_lowered:
.L_overlay_start_1:
0x0: {  	(tag) =	ssettag $0x1  }
0x1: {  	s4 =	rddreg [dreg:$0x0];
	s0 =	srdreg.scid  }
0x2: {  	s2 =	rddreg [dreg:$0x1];
	s1 =	stileid.u32  }
0x3: {  	s3 =	simm.s32 $0x0;
	s11 =	simm.s32 $0x7D;
	s5 =	sand.u32 $0x1, s0  }
0x4: {  	s0 =	rddreg [dreg:$0x2];
	s7 =	smul.u32 $0x2710, s1;
	s6 =	sshll.u32 s5, $0x4  }
0x5: {  	[smem:$0x7FF] =	sst s3;
	s8 =	smul.u32 $0x27100, s5;
	s6 =	sor.u32 s1, s6  }
0x6: {  	s12 =	sshll.u32 s1, $0x6;
	s5 =	ssub.s32 $0x2, s5;
	s9 =	smul.u32 $0x2710, s6  }
0x7: {  	_ =	strace $0x80000053;
	s31 =	sshrl.u32 s5, $0x1;
	s6 =	smul.u32 $0x280, s6  }
0x8: {  	s12 =	sor.u32 $0x1C01, s12;
	s8 =	sadd.s32 s7, s8;
	s10 =	ssub.s32 s5, s31  }
0x9: {  	s8 =	sshrl.u32 s8, $0x3;
	s9 =	sadd.s32 s9, s4;
	s6 =	sadd.s32 s6, s4  }
0xa: {  	s8 =	sadd.s32 s8, s4;
	s4 =	sadd.s32 s7, s2;
	s5 =	sadd.s32 $0x58C00, s6  }
0xb: {  	s6 =	sadd.s32 $0xAA00, s9;
	s7 =	sadd.s32 $0x67A00, s8;
	s8 =	smax.u32 s10, $0x1  }
0xc: {  	v0 =	vimm.f32 $0.0e+00;
	s9 =	simm.s32 $0x14C80;
	s10 =	simm.s32 $0x1;
	s13 =	sshrl.u32 s4, $0x3  }
.LBB2_1:
0xd: {  	s14 =	simm.s32 $0x40;
	s15 =	simm.s32 $0x0  }
.LBB2_2:
0xe: {  	p0 =	sne.s32 s14, $0x9C00;
	[tilespmem:s15+$0x14C80] =	vst v0;
	s15 =	smov.u32 s14;
	s14 =	sadd.s32 $0x40, s14  }
.Ltmp0:
0xf: {  	(pc) =	sbr.rel @p0 .LBB2_2-.Ltmp0, $2  }
0x10: {  	_ =	sdelay $0x2  }
0x11: {  	s15 =	sshra.s32 s15, $0x2  }
0x12: {  	[tilespmem:s15+$0x14C80] =	vst v0  }
0x13: {  	[spmem:s4] =	stream.linear.scatter [tilespmem:s9], [sflag:$0x1], $0x2710, $0x38;
	[tilespmem:$0x19AA0] =	vst v63  }
0x14: {  	_ =	swait.ge [sflag:s10], $0x2710  }
0x15: {  	[sflag:s10] =	ssyncset.done $0x0  }
0x16: {  	s30 =	simm.s32 $0x0;
	[sflag:s10] =	ssyncadd.s32 $0xFFFFD8F0  }
0x17: {  	[tilespmem:s30], [sflag:$0x1] =	stream.linear.gather [hbm4b:s5+s30], $0x1400, $0x38;
	[tilespmem:$0x19AA0] =	vst v63  }
0x18: {  	_ =	swait.ge [sflag:s10], $0x1400  }
0x19: {  	[sflag:s10] =	ssyncset.done $0x0  }
0x1a: {  	s14 =	simm.s32 $0x1400;
	[sflag:s10] =	ssyncadd.s32 $0xFFFFEC00  }
0x1b: {  	[tilespmem:s14], [sflag:$0x1] =	stream.linear.gather [hbm4b:s6+s30], $0x13880, $0x38;
	[tilespmem:$0x19AA0] =	vst v63  }
0x1c: {  	_ =	swait.ge [sflag:s10], $0x13880  }
0x1d: {  	[sflag:s10] =	ssyncset.done $0x0  }
0x1e: {  	[sflag:s10] =	ssyncadd.s32 $0xFFFEC780  }
0x1f: {  	s31 =	simm.s32 $0x0;
	[bflag:$0x0] =	sbarrier.arrive $0xFFFF  }
0x20: {  	[spmem:s2] =	stream.indirect.scatter.add.f32 [tilespmem:s14], [sflag:$0x1], $0x10, s31, s11, $0xb8;
	[tilespmem:$0x19AA0] =	vst v63  }
0x21: {  	_ =	swait.ge [sflag:s10], $0x7D0  }
0x22: {  	s15 =	simm.s32 $0x200;
	[sflag:s10] =	ssyncset.done $0x0  }
.LBB2_4:
0x23: {  	s16 =	sshra.s32 s15, $0x2  }
0x24: {  	[sflag:s10] =	ssyncadd.s32 $0xFFFFF830;
	s14 =	sadd.s32 $0x7D0, s14;
	p0 =	sne.s32 s15, $0x4E00  }
0x25: {  	[spmem:s2] =	stream.indirect.scatter.add.f32 [tilespmem:s14], [sflag:$0x1], $0x10, s16, s11, $0xb8;
	[tilespmem:$0x19AA0] =	vst v63  }
.Ltmp1:
0x26: {  	_ = 	snop;
	(pc) =	sbr.rel @p0 .LBB2_4-.Ltmp1, $4  }
0x27: {  	_ = 	snop  }
0x28: {  	s15 =	sadd.s32 $0x200, s15  }
0x29: {  	_ =	swait.ge [sflag:s10], $0x7D0  }
0x2a: {  	[sflag:s10] =	ssyncset.done $0x0  }
0x2b: {  	s3 =	sadd.s32 $0x1, s3  }
0x2c: {  	[sflag:s10] =	ssyncadd.s32 $0xFFFFF830;
	p0 =	sne.s32 s3, s8  }
.Ltmp2:
0x2d: {  	[bflag:$0x0] =	sbarrier.arrive $0xFFFF;
	(pc) =	sbr.rel @p0 .LBB2_1-.Ltmp2, $4  }
0x2e: {  	[hbm:s7], [sflag:s12] =	dma.local [spmem:s13], $0x4E2  }
0x2f: {  	_ =	swait.ge [sflag:s10], $0x4E2  }
0x30: {  	[sflag:s10] =	ssyncset.done $0x0  }
0x31: {  	[sflag:s10] =	ssyncadd.s32 $0xFFFFFB1E  }
0x32: {  	_ =	sfence.sel $0x180000  }
0x33: {  	[bflag:$0x0] =	sbarrier.arrive $0xFFFF  }
0x34: {  	p0 =	sne.s32 s1, $0x0;
	_ =	strace $0x90000053  }
0x35: {  	s0 =	sadd.s32 @!p0 $0x100000, s0;
	[bflag:$0x2] =	sbarrier.arrive $0xFFFF  }
0x36: {  	[sflag:s0] =	ssyncadd.tile.s32 @!p0 $0x1;
	_ =	shalt  }
.Lfunc_end2:
_tile_overlayer_lowered:
.L_overlay_start_2:
0x37: {  	(tag) =	ssettag $0x2  }
0x38: {  	s0 =	rddreg [dreg:$0x0];
	s2 =	stileid.u32  }
0x39: {  	s1 =	rddreg [dreg:$0x1];
	p0 =	sne.s32 s2, $0x0  }
0x3a: {  	s3 =	rddreg [dreg:$0x2];
	[bflag:$0x3] =	sbarrier.arrive $0xFFFF;
	s2 =	simm.s32 @!p0 $0x1C01  }
0x3b: {  	[timem:s3], [sflag:s2] =	dma.local @!p0 [hbm:s0], s1  }
0x3c: {  	s0 =	simm.s32 @!p0 $0x1  }
0x3d: {  	_ =	swait.ge @!p0 [sflag:s0], s1  }
0x3e: {  	s1 =	ssub.s32 @!p0 $0x0, s1;
	[sflag:s0] =	ssyncset.done @!p0 $0x0  }
0x3f: {  	[sflag:s0] =	ssyncadd.s32 @!p0 s1  }
0x40: {  	[bflag:$0x3] =	sbarrier.arrive $0xFFFF  }
0x41: {  	_ =	shalt  }

// kernel: kernel.31.cloned.1.call-start
scs
__scs_entry_jumppad:
0x0: {  	(pc) =	sbr.rel $0x88, $3  }
0x1: {  	(tag) =	ssettag $0x0;
	lr =	simm.s32 $0x1  }
0x2: {  	[smem:$0x3F91] =	sst lr;
	_ =	strace $0xD0000000  }
0x3: {  	_ = 	snop  }
0x4: {  	_ = 	snop  }
0x5: {  	_ = 	snop  }
0x6: {  	_ = 	snop  }
0x7: {  	_ = 	snop  }
__scs_overlays_trampoline_lowered:
0x8: {  	[smem:$0x3FA0] =	sst s0  }
0x9: {  	[smem:$0x3FA1] =	sst s1  }
0xa: {  	[smem:$0x3FA2] =	sst s2  }
0xb: {  	[smem:$0x3FA3] =	sst s3  }
0xc: {  	[smem:$0x3FA4] =	sst s4  }
0xd: {  	[smem:$0x3FA5] =	sst s5  }
0xe: {  	[smem:$0x3FA6] =	sst s6  }
0xf: {  	[smem:$0x3FA7] =	sst s7  }
0x10: {  	[smem:$0x3FA8] =	sst s8  }
0x11: {  	[smem:$0x3FA9] =	sst s9;
	s0 =	simm.s32 @!p0 $0x0  }
0x12: {  	s1 =	sld [smem:$0x3F8F];
	s0 =	simm.s32 @p0 $0x1  }
0x13: {  	[smem:$0x3FAA] =	sst s0;
	s0 =	simm.s32 @!p1 $0x0  }
0x14: {  	s2 =	sld [smem:$0x3F8E];
	s0 =	simm.s32 @p1 $0x1  }
0x15: {  	[smem:$0x3FAB] =	sst s0;
	s0 =	simm.s32 @!p2 $0x0  }
0x16: {  	s3 =	sld [smem:$0x3FDB];
	s0 =	simm.s32 @p2 $0x1  }
0x17: {  	s4 =	simm.s32 $0x1BF5;
	[smem:$0x3FAD] =	sst s0  }
0x18: {  	s0 =	sld [smem:$0x3F90];
	_ =	swait.ge [sflag:s4], $0x0  }
0x19: {  	s7 =	sld [smem:$0x3F91]  }
0x1a: {  	s8 =	sadd.s32 $0xFFFFE003, lr  }
0x1b: {  	s9 =	sadd.s32 $0xFFFFFEF7, lr;
	s5 =	simm.s32 $0xFFFFFFFF;
	p2 =	slt.u32 s8, $0xFFFFF086  }
0x1c: {  	p1 =	slt.u32 s9, $0xF7A;
	s5 =	simm.s32 @!p2 $0x0  }
0x1d: {  	s5 =	simm.s32 @p1 $0x1;
	p0 =	seq.s32 s7, s2  }
0x1e: {  	s7 =	smul.u32 @!p0 $0xF7A, s2;
	p2 =	seq.s32 @!p0 s5, $0x0  }
0x1f: {  	s9 =	smul.u32 $0xF7A, s1;
	s8 =	simm.s32 @!p0 $0x1BF5;
	p2 =	por !p2, p0  }
0x20: {  	[sflag:s8] =	ssyncset.s32 @!p0 $0xFFFFF086;
	s6 =	sadd.s32 @!p0 s3, s7;
	s7 =	simm.s32 @!p0 $0x108  }
0x21: {  	s3 =	sadd.s32 s3, s9;
	s6 =	sadd.s32 @!p0 $0x88, s6;
	s7 =	simm.s32 @p2 $0x1082  }
0x22: {  	[simem:s7], [sflag:s8] =	dma.local @!p0 [hbm:s6], $0xF7A  }
0x23: {  	s9 =	sor.u32 $0xD0000000, s2;
	s6 =	simm.s32 $0x108;
	_ =	swait.ge @!p0 [sflag:s8], $0x0  }
0x24: {  	s3 =	sadd.s32 $0x88, s3;
	s6 =	simm.s32 @!p1 $0x1082;
	[sflag:s4] =	ssyncset.s32 $0xFFFFF086  }
0x25: {  	[simem:s6], [sflag:s4] =	dma.local [hbm:s3], $0xF7A  }
0x26: {  	[smem:$0x3F91] =	sst s1;
	(tag) =	ssettag s2;
	_ =	strace s9  }
0x27: {  	s1 =	sld [smem:$0x3FA1]  }
0x28: {  	s2 =	sld [smem:$0x3FA2]  }
0x29: {  	s4 =	sld [smem:$0x3FA4]  }
0x2a: {  	p0 =	seq.s32 s5, $0x0;
	s5 =	sld [smem:$0x3FA5]  }
0x2b: {  	s6 =	sld [smem:$0x3FA6]  }
0x2c: {  	s7 =	sld [smem:$0x3FA7]  }
0x2d: {  	s3 =	simm.s32 $0x108;
	s8 =	sld [smem:$0x3FA8]  }
0x2e: {  	s3 =	simm.s32 @!p0 $0x1082;
	s9 =	sld [smem:$0x3FA9]  }
0x2f: {  	lr =	sadd.s32 s0, s3;
	s0 =	sld [smem:$0x3FA0]  }
0x30: {  	s3 =	sld [smem:$0x3FA3]  }
0x31: {  	[smem:$0x3FAC] =	sst s10  }
0x32: {  	s10 =	sld [smem:$0x3FAA];
	_ =	sdelay $0x3  }
0x33: {  	p0 =	seq.s32 s10, $0x1;
	s10 =	sld [smem:$0x3FAC];
	_ =	sdelay $0x3  }
0x34: {  	[smem:$0x3FAC] =	sst s10  }
0x35: {  	s10 =	sld [smem:$0x3FAB];
	_ =	sdelay $0x3  }
0x36: {  	p1 =	seq.s32 s10, $0x1;
	s10 =	sld [smem:$0x3FAC];
	_ =	sdelay $0x3  }
0x37: {  	[smem:$0x3FAC] =	sst s10  }
0x38: {  	s10 =	sld [smem:$0x3FAD]  }
0x39: {  	_ = 	snop;
	(pc) =	sbr.ind lr, $3  }
0x3a: {  	_ = 	snop  }
0x3b: {  	_ = 	snop  }
0x3c: {  	p2 =	seq.s32 s10, $0x1;
	s10 =	sld [smem:$0x3FAC]  }
0x3d: {  	_ =	shalt  }
0x3e: {  	_ =	shalt  }
0x3f: {  	_ =	shalt  }
0x40: {  	_ =	shalt  }
0x41: {  	_ =	shalt  }
0x42: {  	_ =	shalt  }
0x43: {  	_ =	shalt  }
0x44: {  	_ =	shalt  }
0x45: {  	_ =	shalt  }
0x46: {  	_ =	shalt  }
0x47: {  	_ =	shalt  }
0x48: {  	_ =	shalt  }
0x49: {  	_ =	shalt  }
0x4a: {  	_ =	shalt  }
0x4b: {  	_ =	shalt  }
0x4c: {  	_ =	shalt  }
0x4d: {  	_ =	shalt  }
0x4e: {  	_ =	shalt  }
0x4f: {  	_ =	shalt  }
0x50: {  	_ =	shalt  }
0x51: {  	_ =	shalt  }
0x52: {  	_ =	shalt  }
0x53: {  	_ =	shalt  }
0x54: {  	_ =	shalt  }
0x55: {  	_ =	shalt  }
0x56: {  	_ =	shalt  }
0x57: {  	_ =	shalt  }
0x58: {  	_ =	shalt  }
0x59: {  	_ =	shalt  }
0x5a: {  	_ =	shalt  }
0x5b: {  	_ =	shalt  }
0x5c: {  	_ =	shalt  }
0x5d: {  	_ =	shalt  }
0x5e: {  	_ =	shalt  }
0x5f: {  	_ =	shalt  }
0x60: {  	_ =	shalt  }
0x61: {  	_ =	shalt  }
0x62: {  	_ =	shalt  }
0x63: {  	_ =	shalt  }
0x64: {  	_ =	shalt  }
0x65: {  	_ =	shalt  }
0x66: {  	_ =	shalt  }
0x67: {  	_ =	shalt  }
0x68: {  	_ =	shalt  }
0x69: {  	_ =	shalt  }
0x6a: {  	_ =	shalt  }
0x6b: {  	_ =	shalt  }
0x6c: {  	_ =	shalt  }
0x6d: {  	_ =	shalt  }
0x6e: {  	_ =	shalt  }
0x6f: {  	_ =	shalt  }
0x70: {  	_ =	shalt  }
0x71: {  	_ =	shalt  }
0x72: {  	_ =	shalt  }
0x73: {  	_ =	shalt  }
0x74: {  	_ =	shalt  }
0x75: {  	_ =	shalt  }
0x76: {  	_ =	shalt  }
0x77: {  	_ =	shalt  }
0x78: {  	_ =	shalt  }
0x79: {  	_ =	shalt  }
0x7a: {  	_ =	shalt  }
0x7b: {  	_ =	shalt  }
0x7c: {  	_ =	shalt  }
0x7d: {  	_ =	shalt  }
0x7e: {  	_ =	shalt  }
0x7f: {  	_ =	shalt  }
0x80: {  	_ =	shalt  }
0x81: {  	_ =	shalt  }
0x82: {  	_ =	shalt  }
0x83: {  	_ =	shalt  }
0x84: {  	_ =	shalt  }
0x85: {  	_ =	shalt  }
0x86: {  	_ =	shalt  }
0x87: {  	_ =	shalt  }
.Lfunc_end0:
.L_simem_size_0:
called_computation.5_lowered:
.L_overlay_start_0:
0x88: {  	s2 =	sld [smem:$0x3FD9]  }
0x89: {  	s3 =	sld [smem:$0x3FFE];
	_ =	sdelay $0x1  }
0x8a: {  	s1 =	srdreg.scid  }
0x8b: {  	s0 =	sand.u32 $0x1, s1  }
0x8c: {  	s17 =	sshll.u32 s0, $0xA;
	s2 =	sadd.s32 s3, s2  }
0x8d: {  	s2 =	sadd.s32 s2, s17  }
0x8e: {  	[smem:$0x3FB8] =	sst s2  }
0x8f: {  	_ = 	snop  }
0x90: {  	s2 =	sld [smem:$0x3FD0];
	(tm) =	ssettm $0x1  }
0x91: {  	s18 =	sld [smem:$0x3FFB];
	_ =	sdelay $0x3  }
0x92: {  	_ =	strace s18  }
0x93: {  	s3 =	sld [smem:$0x3FFC];
	_ =	sdelay $0x3  }
0x94: {  	_ =	strace s3  }
0x95: {  	s3 =	sld [smem:$0x3FFD];
	_ =	sdelay $0x3  }
0x96: {  	_ =	strace s3  }
0x97: {  	_ =	strace $0x8FFFFFFF  }
0x98: {  	s19 =	sld [smem:$0x3FDB];
	_ =	sdelay $0x1  }
0x99: {  	s4 =	simm.s32 $_scs_section_size  }
0x9a: {  	s5 =	simm.s32 $_size__tile_overlayer_lowered;
	s6 =	simm.s32 $_tile_overlayer_lowered  }
0x9b: {  	s22 =	simm.s32 $0x1BFF;
	s21 =	sshll.u32 s6, $0x1;
	s3 =	sadd.s32 s4, s19  }
0x9c: {  	s7 =	simm.s32 $0x0;
	s20 =	sshll.u32 s5, $0x1;
	s5 =	sadd.s32 s21, s3  }
0x9d: {  	[timem:s7], [sflag:s22] =	dma.local [hbm:s5], s20  }
0x9e: {  	_ =	swait.ge [sflag:s22], s20  }
0x9f: {  	s4 =	ssub.s32 $0x0, s20;
	[sflag:s22] =	ssyncset.done $0x0  }
0xa0: {  	[sflag:s22] =	ssyncadd.s32 s4;
	_ =	sdelay $0x1  }
0xa1: {  	s23 =	simm.s32 $0x1B8B  }
0xa2: {  	_ =	swait.ge [sflag:s23], $0x1  }
0xa3: {  	[sflag:s23] =	ssyncset.done $0x0  }
0xa4: {  	s25 =	simm.s32 $0x1B8E;
	s24 =	sld [smem:$0x3FFE];
	[sflag:s23] =	ssyncadd.s32 $0xFFFFFFFF  }
0xa5: {  	s26 =	simm.s32 $execute0_lowered;
	[smem:$0x3FD2] =	sst s25  }
0xa6: {  	s5 =	sshll.u32 s26, $0x1;
	_ =	strace $0x80000055;
	[dreg:$0x1] =	wrdreg $0xFFFFFFFF  }
0xa7: {  	s28 =	simm.s32 $_size_execute0_lowered;
	s3 =	sadd.s32 s3, s5;
	[dreg:$0x0] =	wrdreg $0x0  }
0xa8: {  	s5 =	sshll.u32 s28, $0x1;
	[dreg:$0x2] =	wrdreg s3  }
0xa9: {  	[dreg:$0x3] =	wrdreg s5  }
0xaa: {  	[dreg:$0x4] =	wrdreg $0xC0  }
0xab: {  	_ =	task [dreg:s7], $0x5FFFF  }
0xac: {  	[dreg:$0x1] =	wrdreg $0xFFFFFFFF  }
0xad: {  	[dreg:$0x0] =	wrdreg $0x60  }
0xae: {  	[dreg:$0x2] =	wrdreg s2  }
0xaf: {  	[dreg:$0x3] =	wrdreg s24  }
0xb0: {  	[dreg:$0x4] =	wrdreg $0x9  }
0xb1: {  	_ =	task.clear_ibuf [dreg:s7], $0x5FFFF;
	_ =	strace $0x90000055  }
0xb2: {  	s29 =	simm.s32 $0x9;
	_ =	strace $0x80000057  }
0xb3: {  	_ =	swait.ge [sflag:s29], $0x1  }
0xb4: {  	[sflag:s29] =	ssyncadd.s32 $0xFFFFFFFF  }
0xb5: {  	_ =	strace $0x90000057  }
0xb6: {  	_ =	sfence  }
0xb7: {  	s30 =	sld [smem:$0x0];
	_ =	sdelay $0x2  }
0xb8: {  	s31 =	sshll.u32 s1, $0xD;
	s1 =	sshrl.u32 s1, $0x2  }
0xb9: {  	s3 =	sand.u32 $0x4000, s31;
	s1 =	sadd.s32 s1, s30  }
0xba: {  	s0 =	sor.u32 s3, s0;
	s1 =	sshll.u32 s1, $0x11  }
0xbb: {  	s0 =	sor.u32 s1, s0  }
0xbc: {  	s0 =	sadd.s32 $0x8F2B, s0  }
0xbd: {  	[sflag:s0] =	ssyncadd.remote.s32 $0x1  }
0xbe: {  	_ =	sfence.sel $0xFFFF  }
0xbf: {  	[dreg:$0x0] =	wrdreg $0xFFFFFFFF;
	(pc) =	sbr.abs _section_cstart, $3  }
0xc0: {  	[dreg:$0x1] =	wrdreg $0xFFFFFFFF  }
0xc1: {  	_ =	task.clear_ibuf [dreg:s7], $0x2FFFF;
	_ =	strace $0x9FFFFFFF  }
0xc2: {  	(tm) =	ssettm $0x7FFFFFFF  }
0xc3: {  	_ =	shalt  }
tec
execute0_lowered:
.L_overlay_start_1:
0x0: {  	(tag) =	ssettag $0x1  }
0x1: {  	s0 =	srdreg.scid;
	s2 =	rddreg [dreg:$0x0]  }
0x2: {  	s5 =	rddreg [dreg:$0x1];
	s3 =	simm.s32 $0x0;
	s4 =	sand.u32 $0x1, s0  }
0x3: {  	s8 =	simm.s32 $0x7D;
	s0 =	stileid.u32;
	s1 =	sshll.u32 s4, $0x4  }
0x4: {  	s9 =	simm.s32 $0x1;
	s10 =	simm.s32 $0x1400;
	s6 =	sor.u32 s0, s1  }
0x5: {  	s11 =	simm.s32 $0x0;
	[smem:$0x7FF] =	sst s3;
	s7 =	smul.u32 $0x280, s6  }
0x6: {  	s4 =	ssub.s32 $0x2, s4;
	s1 =	rddreg [dreg:$0x2];
	s6 =	smul.u32 $0x2710, s6  }
0x7: {  	_ =	strace $0x80000056;
	s31 =	sshrl.u32 s4, $0x1;
	s7 =	sadd.s32 s7, s5  }
0x8: {  	s5 =	sadd.s32 s6, s5;
	s6 =	ssub.s32 s4, s31;
	s4 =	sadd.s32 $0x5A00, s7  }
0x9: {  	s5 =	sadd.s32 $0xAA00, s5;
	s6 =	smax.u32 s6, $0x1;
	s7 =	simm.s32 $0x2  }
.LBB2_1:
0xa: {  	[tilespmem:s3], [sflag:$0x2] =	stream.linear.gather [hbm4b:s4+s3], $0x1400, $0x38;
	[tilespmem:$0x14C80] =	vst v63  }
0xb: {  	_ =	swait.ge [sflag:s7], $0x1400  }
0xc: {  	[sflag:s7] =	ssyncset.done $0x0  }
0xd: {  	s12 =	simm.s32 $0x1400;
	s13 =	simm.s32 $0x0;
	[sflag:s7] =	ssyncadd.s32 $0xFFFFEC00  }
.LBB2_2:
0xe: {  	p0 =	sne.s32 s13, $0x4E00  }
.Ltmp0:
0xf: {  	_ = 	snop;
	(pc) =	sbr.rel @p0 .LBB2_2-.Ltmp0, $4  }
0x10: {  	_ = 	snop  }
0x11: {  	s14 =	sshra.s32 s13, $0x2  }
0x12: {  	[tilespmem:s12], [sflag:$0x1] =	stream.indirect.gather [hbm4b:s2+s8], $0x10, s14, s8, $0xb8;
	[tilespmem:$0x14C80] =	vst v63  }
0x13: {  	s13 =	sadd.s32 $0x200, s13;
	s12 =	sadd.s32 $0x7D0, s12  }
0x14: {  	_ =	swait.ge [sflag:s9], $0x7D0  }
0x15: {  	s12 =	simm.s32 $0x27;
	[sflag:s9] =	ssyncset.done $0x0  }
.LBB2_4:
0x16: {  	p0 =	sne.s32 s12, $0x1;
	s12 =	sadd.s32 $0xFFFFFFFF, s12;
	[sflag:s9] =	ssyncadd.s32 $0xFFFFF830  }
.Ltmp1:
0x17: {  	(pc) =	sbr.rel @p0 .LBB2_4-.Ltmp1, $3  }
0x18: {  	_ =	sdelay $0x1  }
0x19: {  	_ =	swait.ge [sflag:s9], $0x7D0  }
0x1a: {  	[sflag:s9] =	ssyncset.done $0x0  }
0x1b: {  	s11 =	sadd.s32 $0x1, s11  }
0x1c: {  	p0 =	sne.s32 s11, s6  }
.Ltmp2:
0x1d: {  	[sflag:s9] =	ssyncadd.s32 $0xFFFFF830;
	(pc) =	sbr.rel @p0 .LBB2_1-.Ltmp2, $4  }
0x1e: {  	[hbm4b:s5+s3] =	stream.linear.scatter [tilespmem:s10], [sflag:$0x2], $0x13880, $0x38;
	[tilespmem:$0x14C80] =	vst v63  }
0x1f: {  	_ =	swait.ge [sflag:s7], $0x13880  }
0x20: {  	[sflag:s7] =	ssyncset.done $0x0  }
0x21: {  	[sflag:s7] =	ssyncadd.s32 $0xFFFEC780  }
0x22: {  	_ =	sfence.sel $0x180000  }
0x23: {  	[bflag:$0x0] =	sbarrier.arrive $0xFFFF  }
0x24: {  	p0 =	sne.s32 s0, $0x0;
	_ =	strace $0x90000056  }
0x25: {  	s0 =	sadd.s32 @!p0 $0x100000, s1;
	[bflag:$0x2] =	sbarrier.arrive $0xFFFF  }
0x26: {  	[sflag:s0] =	ssyncadd.tile.s32 @!p0 $0x1;
	_ =	shalt  }
.Lfunc_end2:
_tile_overlayer_lowered:
.L_overlay_start_2:
0x27: {  	(tag) =	ssettag $0x2  }
0x28: {  	s0 =	rddreg [dreg:$0x0];
	s2 =	stileid.u32  }
0x29: {  	s1 =	rddreg [dreg:$0x1];
	p0 =	sne.s32 s2, $0x0  }
0x2a: {  	s3 =	rddreg [dreg:$0x2];
	[bflag:$0x3] =	sbarrier.arrive $0xFFFF;
	s2 =	simm.s32 @!p0 $0x1C02  }
0x2b: {  	[timem:s3], [sflag:s2] =	dma.local @!p0 [hbm:s0], s1  }
0x2c: {  	s0 =	simm.s32 @!p0 $0x2  }
0x2d: {  	_ =	swait.ge @!p0 [sflag:s0], s1  }
0x2e: {  	s1 =	ssub.s32 @!p0 $0x0, s1;
	[sflag:s0] =	ssyncset.done @!p0 $0x0  }
0x2f: {  	[sflag:s0] =	ssyncadd.s32 @!p0 s1  }
0x30: {  	[bflag:$0x3] =	sbarrier.arrive $0xFFFF  }
0x31: {  	_ =	shalt  }

// kernel: kernel.34.cloned.1.call-start
scs
__scs_entry_jumppad:
0x0: {  	(pc) =	sbr.rel $0x88, $3  }
0x1: {  	(tag) =	ssettag $0x0;
	lr =	simm.s32 $0x1  }
0x2: {  	[smem:$0x3F91] =	sst lr;
	_ =	strace $0xD0000000  }
0x3: {  	_ = 	snop  }
0x4: {  	_ = 	snop  }
0x5: {  	_ = 	snop  }
0x6: {  	_ = 	snop  }
0x7: {  	_ = 	snop  }
__scs_overlays_trampoline_lowered:
0x8: {  	[smem:$0x3FA0] =	sst s0  }
0x9: {  	[smem:$0x3FA1] =	sst s1  }
0xa: {  	[smem:$0x3FA2] =	sst s2  }
0xb: {  	[smem:$0x3FA3] =	sst s3  }
0xc: {  	[smem:$0x3FA4] =	sst s4  }
0xd: {  	[smem:$0x3FA5] =	sst s5  }
0xe: {  	[smem:$0x3FA6] =	sst s6  }
0xf: {  	[smem:$0x3FA7] =	sst s7  }
0x10: {  	[smem:$0x3FA8] =	sst s8  }
0x11: {  	[smem:$0x3FA9] =	sst s9;
	s0 =	simm.s32 @!p0 $0x0  }
0x12: {  	s1 =	sld [smem:$0x3F8F];
	s0 =	simm.s32 @p0 $0x1  }
0x13: {  	[smem:$0x3FAA] =	sst s0;
	s0 =	simm.s32 @!p1 $0x0  }
0x14: {  	s2 =	sld [smem:$0x3F8E];
	s0 =	simm.s32 @p1 $0x1  }
0x15: {  	[smem:$0x3FAB] =	sst s0;
	s0 =	simm.s32 @!p2 $0x0  }
0x16: {  	s3 =	sld [smem:$0x3FDB];
	s0 =	simm.s32 @p2 $0x1  }
0x17: {  	s4 =	simm.s32 $0x1BF5;
	[smem:$0x3FAD] =	sst s0  }
0x18: {  	s0 =	sld [smem:$0x3F90];
	_ =	swait.ge [sflag:s4], $0x0  }
0x19: {  	s7 =	sld [smem:$0x3F91]  }
0x1a: {  	s8 =	sadd.s32 $0xFFFFE003, lr  }
0x1b: {  	s9 =	sadd.s32 $0xFFFFFEF7, lr;
	s5 =	simm.s32 $0xFFFFFFFF;
	p2 =	slt.u32 s8, $0xFFFFF086  }
0x1c: {  	p1 =	slt.u32 s9, $0xF7A;
	s5 =	simm.s32 @!p2 $0x0  }
0x1d: {  	s5 =	simm.s32 @p1 $0x1;
	p0 =	seq.s32 s7, s2  }
0x1e: {  	s7 =	smul.u32 @!p0 $0xF7A, s2;
	p2 =	seq.s32 @!p0 s5, $0x0  }
0x1f: {  	s9 =	smul.u32 $0xF7A, s1;
	s8 =	simm.s32 @!p0 $0x1BF5;
	p2 =	por !p2, p0  }
0x20: {  	[sflag:s8] =	ssyncset.s32 @!p0 $0xFFFFF086;
	s6 =	sadd.s32 @!p0 s3, s7;
	s7 =	simm.s32 @!p0 $0x108  }
0x21: {  	s3 =	sadd.s32 s3, s9;
	s6 =	sadd.s32 @!p0 $0x88, s6;
	s7 =	simm.s32 @p2 $0x1082  }
0x22: {  	[simem:s7], [sflag:s8] =	dma.local @!p0 [hbm:s6], $0xF7A  }
0x23: {  	s9 =	sor.u32 $0xD0000000, s2;
	s6 =	simm.s32 $0x108;
	_ =	swait.ge @!p0 [sflag:s8], $0x0  }
0x24: {  	s3 =	sadd.s32 $0x88, s3;
	s6 =	simm.s32 @!p1 $0x1082;
	[sflag:s4] =	ssyncset.s32 $0xFFFFF086  }
0x25: {  	[simem:s6], [sflag:s4] =	dma.local [hbm:s3], $0xF7A  }
0x26: {  	[smem:$0x3F91] =	sst s1;
	(tag) =	ssettag s2;
	_ =	strace s9  }
0x27: {  	s1 =	sld [smem:$0x3FA1]  }
0x28: {  	s2 =	sld [smem:$0x3FA2]  }
0x29: {  	s4 =	sld [smem:$0x3FA4]  }
0x2a: {  	p0 =	seq.s32 s5, $0x0;
	s5 =	sld [smem:$0x3FA5]  }
0x2b: {  	s6 =	sld [smem:$0x3FA6]  }
0x2c: {  	s7 =	sld [smem:$0x3FA7]  }
0x2d: {  	s3 =	simm.s32 $0x108;
	s8 =	sld [smem:$0x3FA8]  }
0x2e: {  	s3 =	simm.s32 @!p0 $0x1082;
	s9 =	sld [smem:$0x3FA9]  }
0x2f: {  	lr =	sadd.s32 s0, s3;
	s0 =	sld [smem:$0x3FA0]  }
0x30: {  	s3 =	sld [smem:$0x3FA3]  }
0x31: {  	[smem:$0x3FAC] =	sst s10  }
0x32: {  	s10 =	sld [smem:$0x3FAA];
	_ =	sdelay $0x3  }
0x33: {  	p0 =	seq.s32 s10, $0x1;
	s10 =	sld [smem:$0x3FAC];
	_ =	sdelay $0x3  }
0x34: {  	[smem:$0x3FAC] =	sst s10  }
0x35: {  	s10 =	sld [smem:$0x3FAB];
	_ =	sdelay $0x3  }
0x36: {  	p1 =	seq.s32 s10, $0x1;
	s10 =	sld [smem:$0x3FAC];
	_ =	sdelay $0x3  }
0x37: {  	[smem:$0x3FAC] =	sst s10  }
0x38: {  	s10 =	sld [smem:$0x3FAD]  }
0x39: {  	_ = 	snop;
	(pc) =	sbr.ind lr, $3  }
0x3a: {  	_ = 	snop  }
0x3b: {  	_ = 	snop  }
0x3c: {  	p2 =	seq.s32 s10, $0x1;
	s10 =	sld [smem:$0x3FAC]  }
0x3d: {  	_ =	shalt  }
0x3e: {  	_ =	shalt  }
0x3f: {  	_ =	shalt  }
0x40: {  	_ =	shalt  }
0x41: {  	_ =	shalt  }
0x42: {  	_ =	shalt  }
0x43: {  	_ =	shalt  }
0x44: {  	_ =	shalt  }
0x45: {  	_ =	shalt  }
0x46: {  	_ =	shalt  }
0x47: {  	_ =	shalt  }
0x48: {  	_ =	shalt  }
0x49: {  	_ =	shalt  }
0x4a: {  	_ =	shalt  }
0x4b: {  	_ =	shalt  }
0x4c: {  	_ =	shalt  }
0x4d: {  	_ =	shalt  }
0x4e: {  	_ =	shalt  }
0x4f: {  	_ =	shalt  }
0x50: {  	_ =	shalt  }
0x51: {  	_ =	shalt  }
0x52: {  	_ =	shalt  }
0x53: {  	_ =	shalt  }
0x54: {  	_ =	shalt  }
0x55: {  	_ =	shalt  }
0x56: {  	_ =	shalt  }
0x57: {  	_ =	shalt  }
0x58: {  	_ =	shalt  }
0x59: {  	_ =	shalt  }
0x5a: {  	_ =	shalt  }
0x5b: {  	_ =	shalt  }
0x5c: {  	_ =	shalt  }
0x5d: {  	_ =	shalt  }
0x5e: {  	_ =	shalt  }
0x5f: {  	_ =	shalt  }
0x60: {  	_ =	shalt  }
0x61: {  	_ =	shalt  }
0x62: {  	_ =	shalt  }
0x63: {  	_ =	shalt  }
0x64: {  	_ =	shalt  }
0x65: {  	_ =	shalt  }
0x66: {  	_ =	shalt  }
0x67: {  	_ =	shalt  }
0x68: {  	_ =	shalt  }
0x69: {  	_ =	shalt  }
0x6a: {  	_ =	shalt  }
0x6b: {  	_ =	shalt  }
0x6c: {  	_ =	shalt  }
0x6d: {  	_ =	shalt  }
0x6e: {  	_ =	shalt  }
0x6f: {  	_ =	shalt  }
0x70: {  	_ =	shalt  }
0x71: {  	_ =	shalt  }
0x72: {  	_ =	shalt  }
0x73: {  	_ =	shalt  }
0x74: {  	_ =	shalt  }
0x75: {  	_ =	shalt  }
0x76: {  	_ =	shalt  }
0x77: {  	_ =	shalt  }
0x78: {  	_ =	shalt  }
0x79: {  	_ =	shalt  }
0x7a: {  	_ =	shalt  }
0x7b: {  	_ =	shalt  }
0x7c: {  	_ =	shalt  }
0x7d: {  	_ =	shalt  }
0x7e: {  	_ =	shalt  }
0x7f: {  	_ =	shalt  }
0x80: {  	_ =	shalt  }
0x81: {  	_ =	shalt  }
0x82: {  	_ =	shalt  }
0x83: {  	_ =	shalt  }
0x84: {  	_ =	shalt  }
0x85: {  	_ =	shalt  }
0x86: {  	_ =	shalt  }
0x87: {  	_ =	shalt  }
.Lfunc_end0:
.L_simem_size_0:
called_computation.6_lowered:
.L_overlay_start_0:
0x88: {  	s2 =	sld [smem:$0x3FD9]  }
0x89: {  	s3 =	sld [smem:$0x3FFE];
	_ =	sdelay $0x1  }
0x8a: {  	s1 =	srdreg.scid  }
0x8b: {  	s0 =	sand.u32 $0x1, s1  }
0x8c: {  	s16 =	sshll.u32 s0, $0xA;
	s2 =	sadd.s32 s3, s2  }
0x8d: {  	s2 =	sadd.s32 s2, s16  }
0x8e: {  	[smem:$0x3FB8] =	sst s2  }
0x8f: {  	_ = 	snop  }
0x90: {  	(tm) =	ssettm $0x1  }
0x91: {  	s17 =	sld [smem:$0x3FFB];
	_ =	sdelay $0x3  }
0x92: {  	_ =	strace s17  }
0x93: {  	s2 =	sld [smem:$0x3FFC];
	_ =	sdelay $0x3  }
0x94: {  	_ =	strace s2  }
0x95: {  	s2 =	sld [smem:$0x3FFD];
	_ =	sdelay $0x3  }
0x96: {  	_ =	strace s2  }
0x97: {  	_ =	strace $0x8FFFFFFF  }
0x98: {  	s18 =	sld [smem:$0x3FDB];
	_ =	sdelay $0x1  }
0x99: {  	s19 =	simm.s32 $_scs_section_size  }
0x9a: {  	s4 =	simm.s32 $_size__tile_overlayer_lowered;
	s5 =	simm.s32 $_tile_overlayer_lowered  }
0x9b: {  	s22 =	simm.s32 $0x1BFF;
	s21 =	sshll.u32 s5, $0x1;
	s2 =	sadd.s32 s19, s18  }
0x9c: {  	s6 =	simm.s32 $0x0;
	s20 =	sshll.u32 s4, $0x1;
	s4 =	sadd.s32 s21, s2  }
0x9d: {  	[timem:s6], [sflag:s22] =	dma.local [hbm:s4], s20  }
0x9e: {  	_ =	swait.ge [sflag:s22], s20  }
0x9f: {  	s3 =	ssub.s32 $0x0, s20;
	[sflag:s22] =	ssyncset.done $0x0  }
0xa0: {  	[sflag:s22] =	ssyncadd.s32 s3;
	_ =	sdelay $0x1  }
0xa1: {  	s23 =	simm.s32 $0x1B8B  }
0xa2: {  	_ =	swait.ge [sflag:s23], $0x1  }
0xa3: {  	[sflag:s23] =	ssyncset.done $0x0  }
0xa4: {  	s25 =	simm.s32 $0x1B8E;
	s24 =	sld [smem:$0x3FFE];
	[sflag:s23] =	ssyncadd.s32 $0xFFFFFFFF  }
0xa5: {  	s26 =	simm.s32 $execute0_lowered;
	[smem:$0x3FD2] =	sst s25  }
0xa6: {  	s4 =	sshll.u32 s26, $0x1;
	_ =	strace $0x80000058;
	[dreg:$0x1] =	wrdreg $0xFFFFFFFF  }
0xa7: {  	s28 =	simm.s32 $_size_execute0_lowered;
	s2 =	sadd.s32 s2, s4;
	[dreg:$0x0] =	wrdreg $0x0  }
0xa8: {  	s4 =	sshll.u32 s28, $0x1;
	[dreg:$0x2] =	wrdreg s2  }
0xa9: {  	[dreg:$0x3] =	wrdreg s4  }
0xaa: {  	[dreg:$0x4] =	wrdreg $0xC0  }
0xab: {  	_ =	task [dreg:s6], $0x5FFFF  }
0xac: {  	[dreg:$0x1] =	wrdreg $0xFFFFFFFF  }
0xad: {  	[dreg:$0x0] =	wrdreg $0x60  }
0xae: {  	[dreg:$0x2] =	wrdreg s24  }
0xaf: {  	[dreg:$0x3] =	wrdreg $0x173900  }
0xb0: {  	[dreg:$0x4] =	wrdreg $0x9  }
0xb1: {  	_ =	task.clear_ibuf [dreg:s6], $0x5FFFF;
	_ =	strace $0x90000058  }
0xb2: {  	s29 =	simm.s32 $0x9;
	_ =	strace $0x8000005A  }
0xb3: {  	_ =	swait.ge [sflag:s29], $0x1  }
0xb4: {  	[sflag:s29] =	ssyncadd.s32 $0xFFFFFFFF  }
0xb5: {  	_ =	strace $0x9000005A  }
0xb6: {  	_ =	sfence  }
0xb7: {  	s30 =	sld [smem:$0x0];
	_ =	sdelay $0x2  }
0xb8: {  	s31 =	sshll.u32 s1, $0xD;
	s1 =	sshrl.u32 s1, $0x2  }
0xb9: {  	s3 =	sand.u32 $0x4000, s31;
	s1 =	sadd.s32 s1, s30  }
0xba: {  	s0 =	sor.u32 s3, s0;
	s1 =	sshll.u32 s1, $0x11  }
0xbb: {  	s0 =	sor.u32 s1, s0  }
0xbc: {  	s0 =	sadd.s32 $0x8F2B, s0  }
0xbd: {  	[sflag:s0] =	ssyncadd.remote.s32 $0x1  }
0xbe: {  	_ =	sfence.sel $0xFFFF  }
0xbf: {  	[dreg:$0x0] =	wrdreg $0xFFFFFFFF;
	(pc) =	sbr.abs _section_cstart, $3  }
0xc0: {  	[dreg:$0x1] =	wrdreg $0xFFFFFFFF  }
0xc1: {  	_ =	task.clear_ibuf [dreg:s6], $0x2FFFF;
	_ =	strace $0x9FFFFFFF  }
0xc2: {  	(tm) =	ssettm $0x7FFFFFFF  }
0xc3: {  	_ =	shalt  }
tec
execute0_lowered:
.L_overlay_start_1:
0x0: {  	(tag) =	ssettag $0x1  }
0x1: {  	s4 =	rddreg [dreg:$0x0];
	s0 =	srdreg.scid  }
0x2: {  	s2 =	rddreg [dreg:$0x1];
	s1 =	stileid.u32  }
0x3: {  	s3 =	simm.s32 $0x0;
	s11 =	simm.s32 $0x7D;
	s5 =	sand.u32 $0x1, s0  }
0x4: {  	s0 =	rddreg [dreg:$0x2];
	s7 =	smul.u32 $0x2710, s1;
	s6 =	sshll.u32 s5, $0x4  }
0x5: {  	[smem:$0x7FF] =	sst s3;
	s8 =	smul.u32 $0x27100, s5;
	s6 =	sor.u32 s1, s6  }
0x6: {  	s12 =	sshll.u32 s1, $0x6;
	s5 =	ssub.s32 $0x2, s5;
	s9 =	smul.u32 $0x2710, s6  }
0x7: {  	_ =	strace $0x80000059;
	s31 =	sshrl.u32 s5, $0x1;
	s6 =	smul.u32 $0x280, s6  }
0x8: {  	s12 =	sor.u32 $0x1C01, s12;
	s8 =	sadd.s32 s7, s8;
	s10 =	ssub.s32 s5, s31  }
0x9: {  	s8 =	sshrl.u32 s8, $0x3;
	s9 =	sadd.s32 s9, s4;
	s6 =	sadd.s32 s6, s4  }
0xa: {  	s8 =	sadd.s32 s8, s4;
	s4 =	sadd.s32 s7, s2;
	s5 =	sadd.s32 $0x58C00, s6  }
0xb: {  	s6 =	sadd.s32 $0x5A00, s9;
	s7 =	sadd.s32 $0x5DC00, s8;
	s8 =	smax.u32 s10, $0x1  }
0xc: {  	v0 =	vimm.f32 $0.0e+00;
	s9 =	simm.s32 $0x14C80;
	s10 =	simm.s32 $0x1;
	s13 =	sshrl.u32 s4, $0x3  }
.LBB2_1:
0xd: {  	s14 =	simm.s32 $0x40;
	s15 =	simm.s32 $0x0  }
.LBB2_2:
0xe: {  	p0 =	sne.s32 s14, $0x9C00;
	[tilespmem:s15+$0x14C80] =	vst v0;
	s15 =	smov.u32 s14;
	s14 =	sadd.s32 $0x40, s14  }
.Ltmp0:
0xf: {  	(pc) =	sbr.rel @p0 .LBB2_2-.Ltmp0, $2  }
0x10: {  	_ =	sdelay $0x2  }
0x11: {  	s15 =	sshra.s32 s15, $0x2  }
0x12: {  	[tilespmem:s15+$0x14C80] =	vst v0  }
0x13: {  	[spmem:s4] =	stream.linear.scatter [tilespmem:s9], [sflag:$0x1], $0x2710, $0x38;
	[tilespmem:$0x19AA0] =	vst v63  }
0x14: {  	_ =	swait.ge [sflag:s10], $0x2710  }
0x15: {  	[sflag:s10] =	ssyncset.done $0x0  }
0x16: {  	s30 =	simm.s32 $0x0;
	[sflag:s10] =	ssyncadd.s32 $0xFFFFD8F0  }
0x17: {  	[tilespmem:s30], [sflag:$0x1] =	stream.linear.gather [hbm4b:s5+s30], $0x1400, $0x38;
	[tilespmem:$0x19AA0] =	vst v63  }
0x18: {  	_ =	swait.ge [sflag:s10], $0x1400  }
0x19: {  	[sflag:s10] =	ssyncset.done $0x0  }
0x1a: {  	s14 =	simm.s32 $0x1400;
	[sflag:s10] =	ssyncadd.s32 $0xFFFFEC00  }
0x1b: {  	[tilespmem:s14], [sflag:$0x1] =	stream.linear.gather [hbm4b:s6+s30], $0x13880, $0x38;
	[tilespmem:$0x19AA0] =	vst v63  }
0x1c: {  	_ =	swait.ge [sflag:s10], $0x13880  }
0x1d: {  	[sflag:s10] =	ssyncset.done $0x0  }
0x1e: {  	[sflag:s10] =	ssyncadd.s32 $0xFFFEC780  }
0x1f: {  	s31 =	simm.s32 $0x0;
	[bflag:$0x0] =	sbarrier.arrive $0xFFFF  }
0x20: {  	[spmem:s2] =	stream.indirect.scatter.add.f32 [tilespmem:s14], [sflag:$0x1], $0x10, s31, s11, $0xb8;
	[tilespmem:$0x19AA0] =	vst v63  }
0x21: {  	_ =	swait.ge [sflag:s10], $0x7D0  }
0x22: {  	s15 =	simm.s32 $0x200;
	[sflag:s10] =	ssyncset.done $0x0  }
.LBB2_4:
0x23: {  	s16 =	sshra.s32 s15, $0x2  }
0x24: {  	[sflag:s10] =	ssyncadd.s32 $0xFFFFF830;
	s14 =	sadd.s32 $0x7D0, s14;
	p0 =	sne.s32 s15, $0x4E00  }
0x25: {  	[spmem:s2] =	stream.indirect.scatter.add.f32 [tilespmem:s14], [sflag:$0x1], $0x10, s16, s11, $0xb8;
	[tilespmem:$0x19AA0] =	vst v63  }
.Ltmp1:
0x26: {  	_ = 	snop;
	(pc) =	sbr.rel @p0 .LBB2_4-.Ltmp1, $4  }
0x27: {  	_ = 	snop  }
0x28: {  	s15 =	sadd.s32 $0x200, s15  }
0x29: {  	_ =	swait.ge [sflag:s10], $0x7D0  }
0x2a: {  	[sflag:s10] =	ssyncset.done $0x0  }
0x2b: {  	s3 =	sadd.s32 $0x1, s3  }
0x2c: {  	[sflag:s10] =	ssyncadd.s32 $0xFFFFF830;
	p0 =	sne.s32 s3, s8  }
.Ltmp2:
0x2d: {  	[bflag:$0x0] =	sbarrier.arrive $0xFFFF;
	(pc) =	sbr.rel @p0 .LBB2_1-.Ltmp2, $4  }
0x2e: {  	[hbm:s7], [sflag:s12] =	dma.local [spmem:s13], $0x4E2  }
0x2f: {  	_ =	swait.ge [sflag:s10], $0x4E2  }
0x30: {  	[sflag:s10] =	ssyncset.done $0x0  }
0x31: {  	[sflag:s10] =	ssyncadd.s32 $0xFFFFFB1E  }
0x32: {  	_ =	sfence.sel $0x180000  }
0x33: {  	[bflag:$0x0] =	sbarrier.arrive $0xFFFF  }
0x34: {  	p0 =	sne.s32 s1, $0x0;
	_ =	strace $0x90000059  }
0x35: {  	s0 =	sadd.s32 @!p0 $0x100000, s0;
	[bflag:$0x2] =	sbarrier.arrive $0xFFFF  }
0x36: {  	[sflag:s0] =	ssyncadd.tile.s32 @!p0 $0x1;
	_ =	shalt  }
.Lfunc_end2:
_tile_overlayer_lowered:
.L_overlay_start_2:
0x37: {  	(tag) =	ssettag $0x2  }
0x38: {  	s0 =	rddreg [dreg:$0x0];
	s2 =	stileid.u32  }
0x39: {  	s1 =	rddreg [dreg:$0x1];
	p0 =	sne.s32 s2, $0x0  }
0x3a: {  	s3 =	rddreg [dreg:$0x2];
	[bflag:$0x3] =	sbarrier.arrive $0xFFFF;
	s2 =	simm.s32 @!p0 $0x1C01  }
0x3b: {  	[timem:s3], [sflag:s2] =	dma.local @!p0 [hbm:s0], s1  }
0x3c: {  	s0 =	simm.s32 @!p0 $0x1  }
0x3d: {  	_ =	swait.ge @!p0 [sflag:s0], s1  }
0x3e: {  	s1 =	ssub.s32 @!p0 $0x0, s1;
	[sflag:s0] =	ssyncset.done @!p0 $0x0  }
0x3f: {  	[sflag:s0] =	ssyncadd.s32 @!p0 s1  }
0x40: {  	[bflag:$0x3] =	sbarrier.arrive $0xFFFF  }
0x41: {  	_ =	shalt  }

</sc_bundles>
